<compile_context>
chip_gen: v7x
topology: tpu7x:2x2x1
jax: 0.10.2.dev20260603
libtpu: 0.0.44.dev20260713+nightly
codegen_flags: <defaults>
</compile_context>

<pallas_src>
import functools

import jax
import jax.numpy as jnp
from jax import lax
from jax.experimental import pallas as pl
from jax.experimental.pallas import tpu as pltpu
from jax.experimental.pallas import tpu_sc as plsc

EPS = 1e-5

NC = 2
NS = 16
CHUNK = 80


def _mesh():
    return plsc.VectorSubcoreMesh(core_axis_name="c", subcore_axis_name="s",
                                  num_cores=NC, num_subcores=NS)


def _sc_params():
    return pltpu.CompilerParams(use_tc_tiling_on_sc=False)


def _deg_kernel(n_pad, e, src2_hbm, dst2_hbm, od_out, id_out,
                sidx, didx, ones_v, zbuf, acc_od, acc_id, sem):
    c = lax.axis_index("c")
    s = lax.axis_index("s")
    rows_pt = n_pad // NS
    nchunk = (e // (NC * NS)) // CHUNK
    wid = s * NC + c
    base_k = wid * nchunk

    @pl.loop(0, rows_pt // 16)
    def _z(i):
        zbuf[pl.ds(i * 16, 16)] = jnp.zeros((16,), jnp.float32)

    @pl.loop(0, CHUNK // 16)
    def _o(i):
        ones_v[pl.ds(i * 16, 16)] = jnp.ones((16,), jnp.float32)

    pltpu.sync_copy(src2_hbm.at[pl.ds(base_k, nchunk)], sidx)
    pltpu.sync_copy(dst2_hbm.at[pl.ds(base_k, nchunk)], didx)
    pltpu.sync_copy(zbuf, acc_od.at[pl.ds(s * rows_pt, rows_pt)])
    pltpu.sync_copy(zbuf, acc_id.at[pl.ds(s * rows_pt, rows_pt)])
    plsc.subcore_barrier()

    def _scat(k):
        pltpu.async_copy(ones_v, acc_od.at[sidx.at[k]], sem, add=True)
        pltpu.async_copy(ones_v, acc_id.at[didx.at[k]], sem, add=True)

    def _drain(k):
        pltpu.make_async_copy(ones_v, acc_od.at[sidx.at[k]], sem).wait()
        pltpu.make_async_copy(ones_v, acc_id.at[didx.at[k]], sem).wait()

    _scat(0)

    @pl.loop(1, nchunk)
    def _chunk(k):
        _scat(k)
        _drain(k)

    _drain(0)
    plsc.subcore_barrier()
    pltpu.sync_copy(acc_od.at[pl.ds(s * rows_pt, rows_pt)],
                    od_out.at[c, pl.ds(s * rows_pt, rows_pt)])
    pltpu.sync_copy(acc_id.at[pl.ds(s * rows_pt, rows_pt)],
                    id_out.at[c, pl.ds(s * rows_pt, rows_pt)])


def _make_deg(n_pad, e):
    nchunk = (e // (NC * NS)) // CHUNK
    return pl.kernel(
        functools.partial(_deg_kernel, n_pad, e),
        out_type=(jax.ShapeDtypeStruct((NC, n_pad), jnp.float32),
                  jax.ShapeDtypeStruct((NC, n_pad), jnp.float32)),
        mesh=_mesh(),
        compiler_params=_sc_params(),
        scratch_types=[
            pltpu.VMEM((nchunk, CHUNK), jnp.int32),
            pltpu.VMEM((nchunk, CHUNK), jnp.int32),
            pltpu.VMEM((CHUNK,), jnp.float32),
            pltpu.VMEM((n_pad // NS,), jnp.float32),
            pltpu.VMEM_SHARED((n_pad,), jnp.float32),
            pltpu.VMEM_SHARED((n_pad,), jnp.float32),
            pltpu.SemaphoreType.DMA,
        ],
    )


def _agg_kernel(n_pad, e, h_dim, h_hbm, src3_hbm, dst3_hbm, out,
                sidx, didx, rows, zbuf, acc, sem0, sem1):
    c = lax.axis_index("c")
    s = lax.axis_index("s")
    rows_pt = n_pad // NS
    zrows = zbuf.shape[0]
    nchunk = (e // (NC * NS)) // CHUNK
    wid = s * NC + c

    @pl.loop(0, zrows)
    def _zr(r):
        @pl.loop(0, h_dim // 16)
        def _zc(i):
            zbuf[r, pl.ds(i * 16, 16)] = jnp.zeros((16,), jnp.float32)

    pltpu.sync_copy(src3_hbm.at[wid], sidx)
    pltpu.sync_copy(dst3_hbm.at[wid], didx)

    nfull = rows_pt // zrows
    tail = rows_pt - nfull * zrows

    @pl.loop(0, nfull)
    def _zcopy(j):
        pltpu.sync_copy(zbuf, acc.at[pl.ds(s * rows_pt + j * zrows, zrows)])

    if tail:
        pltpu.sync_copy(zbuf.at[pl.ds(0, tail)],
                        acc.at[pl.ds(s * rows_pt + nfull * zrows, tail)])

    plsc.subcore_barrier()

    sems = (sem0, sem1)

    def _gather(k, b):
        pltpu.async_copy(h_hbm.at[sidx.at[k]], rows.at[b], sems[b])

    def _gwait(k, b):
        pltpu.make_async_copy(h_hbm.at[sidx.at[k]], rows.at[b],
                              sems[b]).wait()

    def _scat(k, b):
        pltpu.sync_copy(rows.at[b], acc.at[didx.at[k]], add=True)

    _gather(0, 0)

    @pl.loop(0, (nchunk - 1) // 2)
    def _pipe(g):
        k = 2 * g
        _gather(k + 1, 1)
        _gwait(k, 0)
        _scat(k, 0)
        _gather(k + 2, 0)
        _gwait(k + 1, 1)
        _scat(k + 1, 1)

    _gwait(nchunk - 1, 0)
    _scat(nchunk - 1, 0)

    plsc.subcore_barrier()
    pltpu.sync_copy(acc.at[pl.ds(s * rows_pt, rows_pt)],
                    out.at[c, pl.ds(s * rows_pt, rows_pt)])


def _make_agg(n_pad, e, h_dim):
    zrows = 64
    nchunk = (e // (NC * NS)) // CHUNK
    return pl.kernel(
        functools.partial(_agg_kernel, n_pad, e, h_dim),
        out_type=jax.ShapeDtypeStruct((NC, n_pad, h_dim), jnp.float32),
        mesh=_mesh(),
        compiler_params=_sc_params(),
        scratch_types=[
            pltpu.VMEM((nchunk, CHUNK), jnp.int32),
            pltpu.VMEM((nchunk, CHUNK), jnp.int32),
            pltpu.VMEM((2, CHUNK, h_dim), jnp.float32),
            pltpu.VMEM((zrows, h_dim), jnp.float32),
            pltpu.VMEM_SHARED((n_pad, h_dim), jnp.float32),
            pltpu.SemaphoreType.DMA,
            pltpu.SemaphoreType.DMA,
        ],
    )


def _tc_call(body, out_shape, n_in):
    return pl.pallas_call(
        body,
        out_shape=out_shape,
        in_specs=[pl.BlockSpec(memory_space=pltpu.VMEM)] * n_in,
        out_specs=pl.BlockSpec(memory_space=pltpu.VMEM),
    )


def _first_kernel(n, x_ref, w_ref, dod_ref, out_ref):
    dout = dod_ref[0, :n] + dod_ref[1, :n]
    r = lax.rsqrt(jnp.maximum(dout, 1.0))
    out_ref[...] = jnp.dot(x_ref[...] * r[:, None], w_ref[...],
                           preferred_element_type=jnp.float32)


def _mid_kernel(n, p_ref, did_ref, dod_ref, b_ref, g_ref, be_ref, w_ref,
                out_ref):
    p = p_ref[0, :n, :] + p_ref[1, :n, :]
    din = did_ref[0, :n] + did_ref[1, :n]
    y = p * lax.rsqrt(jnp.maximum(din, 1.0))[:, None] + b_ref[...]
    mean = jnp.mean(y, axis=0, keepdims=True)
    var = jnp.mean((y - mean) ** 2, axis=0, keepdims=True)
    z = g_ref[...] * (y - mean) / jnp.sqrt(var + EPS) + be_ref[...]
    z = jnp.maximum(z, 0.0)
    dout = dod_ref[0, :n] + dod_ref[1, :n]
    z = z * lax.rsqrt(jnp.maximum(dout, 1.0))[:, None]
    out_ref[...] = jnp.dot(z, w_ref[...], preferred_element_type=jnp.float32)


def _last_kernel(n, d_out, p_ref, r2_ref, b_ref, out_ref):
    half_n = n // 2
    p = p_ref[0, :half_n, :] + p_ref[1, :half_n, :]
    b2 = jnp.concatenate([b_ref[...], b_ref[...]], axis=1)
    out_ref[...] = p * r2_ref[...] + b2


def kernel(edge_index, input_features, W0, b0, g0, be0, W1, b1, g1, be1,
           W2, b2):
    n, d_in = input_features.shape
    e = edge_index.shape[1]
    h = W0.shape[1]
    d_out = W2.shape[1]
    n_pad = ((n + 8 * NS - 1) // (8 * NS)) * (8 * NS)

    nw = NC * NS
    nchunk = (e // nw) // CHUNK
    src2 = edge_index[0].reshape(e // CHUNK, CHUNK)
    dst2 = edge_index[1].reshape(e // CHUNK, CHUNK)
    src3 = edge_index[0].reshape(nw, nchunk, CHUNK)
    dst3 = edge_index[1].reshape(nw, nchunk, CHUNK)

    deg = _make_deg(n_pad, e)
    agg_h = _make_agg(n_pad, e, h)
    agg_o = _make_agg(n_pad, e, d_out)

    od_p, id_p = deg(src2, dst2)

    b0r, g0r, be0r = b0.reshape(1, -1), g0.reshape(1, -1), be0.reshape(1, -1)
    b1r, g1r, be1r = b1.reshape(1, -1), g1.reshape(1, -1), be1.reshape(1, -1)
    b2r = b2.reshape(1, -1)

    h0 = _tc_call(functools.partial(_first_kernel, n),
                  jax.ShapeDtypeStruct((n, h), jnp.float32), 3)(
                      input_features, W0, od_p)
    p0 = agg_h(h0, src3, dst3)
    h1 = _tc_call(functools.partial(_mid_kernel, n),
                  jax.ShapeDtypeStruct((n, h), jnp.float32), 7)(
                      p0, id_p, od_p, b0r, g0r, be0r, W1)
    p1 = agg_h(h1, src3, dst3)
    h2 = _tc_call(functools.partial(_mid_kernel, n),
                  jax.ShapeDtypeStruct((n, d_out), jnp.float32), 7)(
                      p1, id_p, od_p, b1r, g1r, be1r, W2)
    p2 = agg_o(h2, src3, dst3)
    p2v = p2.reshape(NC, n_pad // 2, 2 * d_out)
    rin = lax.rsqrt(jnp.maximum(id_p[0, :n] + id_p[1, :n], 1.0))
    r2v = jnp.broadcast_to(rin[:, None], (n, d_out)).reshape(
        n // 2, 2 * d_out)
    outv = _tc_call(functools.partial(_last_kernel, n, d_out),
                    jax.ShapeDtypeStruct((n // 2, 2 * d_out), jnp.float32),
                    3)(p2v, r2v, b2r)
    return outv.reshape(n, d_out)

# --- scband reference (transcript-rebuilt; emitter-appended) ---
"""Pipeline reference for scband-multilayer-gcn-13211319402817 (READ-ONLY COPY).

The authoritative reference and input builder live on the scoring server;
editing this copy changes nothing except your own understanding.
"""

import jax, jax.numpy as jnp
import numpy as np

N = 10000
E = 320000
D_IN = 128
H = 128
D_OUT = 64
EPS = 1e-5


def setup_inputs(seed: int = 0) -> dict:
    key = jax.random.key(seed)
    ks = jax.random.split(key, 16)
    def glorot(k, fan_in, fan_out):
        lim = np.sqrt(6.0 / (fan_in + fan_out))
        return jax.random.uniform(k, (fan_in, fan_out), dtype=jnp.float32, minval=-lim, maxval=lim)
    inp = {
        "edge_index": jax.random.randint(ks[0], (2, E), 0, N, dtype=jnp.int32),
        "input_features": jax.random.normal(ks[1], (N, D_IN), dtype=jnp.float32),
        "W0": glorot(ks[2], D_IN, H),
        "b0": jnp.zeros((H,), dtype=jnp.float32),
        "g0": jnp.ones((H,), dtype=jnp.float32),
        "be0": jnp.zeros((H,), dtype=jnp.float32),
        "W1": glorot(ks[3], H, H),
        "b1": jnp.zeros((H,), dtype=jnp.float32),
        "g1": jnp.ones((H,), dtype=jnp.float32),
        "be1": jnp.zeros((H,), dtype=jnp.float32),
        "W2": glorot(ks[4], H, D_OUT),
        "b2": jnp.zeros((D_OUT,), dtype=jnp.float32),
    }
    return inp


def _gcn_layer(x, src, dst, W, b):
    # DGL GraphConv with norm='both': D_out^{-1/2} on src side, D_in^{-1/2} on dst side
    ones = jnp.ones((src.shape[0],), dtype=x.dtype)
    out_deg = jnp.maximum(jax.ops.segment_sum(ones, src, num_segments=N), 1.0)
    in_deg = jnp.maximum(jax.ops.segment_sum(ones, dst, num_segments=N), 1.0)
    h = x * (out_deg ** -0.5)[:, None]
    h = h @ W
    msg = h[src]
    agg = jax.ops.segment_sum(msg, dst, num_segments=N)
    agg = agg * (in_deg ** -0.5)[:, None]
    return agg + b


def _bn(x, gamma, beta):
    mean = jnp.mean(x, axis=0)
    var = jnp.mean((x - mean) ** 2, axis=0)
    return gamma * (x - mean) / jnp.sqrt(var + EPS) + beta


def reference(edge_index, input_features, W0, b0, g0, be0, W1, b1, g1, be1, W2, b2):
    src, dst = edge_index[0], edge_index[1]
    h = _gcn_layer(input_features, src, dst, W0, b0)
    h = jnp.maximum(_bn(h, g0, be0), 0.0)  # BN -> ReLU -> Dropout(eval=identity)
    h = _gcn_layer(h, src, dst, W1, b1)
    h = jnp.maximum(_bn(h, g1, be1), 0.0)
    h = _gcn_layer(h, src, dst, W2, b2)
    return h

if __name__ == "__main__":
    import jax
    _d = setup_inputs()
    print(jax.jit(kernel)(*tuple(_d.values())))

</pallas_src>

<mosaic_0001>
#map = affine_map<(d0, d1) -> (0, 0)>
#map1 = affine_map<(d0, d1) -> (0, 0, 0)>
module attributes {stable_mosaic.version = 14 : i64} {
  func.func @_agg_kernel(%arg0: i32, %arg1: i32, %arg2: memref<10000x128xf32, #tpu.memory_space<hbm>>, %arg3: memref<32x125x80xi32, #tpu.memory_space<hbm>>, %arg4: memref<32x125x80xi32, #tpu.memory_space<hbm>>, %arg5: memref<2x10112x128xf32, #tpu.memory_space<hbm>>, %arg6: memref<125x80xi32, #tpu.memory_space<vmem>>, %arg7: memref<125x80xi32, #tpu.memory_space<vmem>>, %arg8: memref<2x80x128xf32, #tpu.memory_space<vmem>>, %arg9: memref<64x128xf32, #tpu.memory_space<vmem>>, %arg10: memref<10112x128xf32, #tpu.memory_space<vmem_shared>>, %arg11: memref<!tpu.dma_semaphore, #tpu.memory_space<semaphore_mem>>, %arg12: memref<!tpu.dma_semaphore, #tpu.memory_space<semaphore_mem>>) attributes {dimension_semantics = [#tpu.dimension_semantics<core_parallel>, #tpu.dimension_semantics<subcore_parallel>], iteration_bounds = array<i64: 2, 16>, scalar_prefetch = 0 : i64, scratch_operands = 7 : i64, tpu.core_type = #tpu.core_type<sc_vector_subcore>, window_params = [{transform_indices = #map}, {transform_indices = #map1}, {transform_indices = #map1}, {transform_indices = #map1}]} {
    %mul3A = arith.constant 2 : i32
    %mul3A_0 = arith.muli %arg1, %mul3A : i32
    %add3A = arith.addi %mul3A_0, %arg0 : i32
    %scan3A = arith.constant 0 : i32
    %scan3A_1 = arith.constant 64 : i32
    %scan3A_2 = arith.addi %scan3A, %scan3A_1 : i32
    %scan3A_3 = arith.constant 1 : i32
    scf.for %scan3A_47 = %scan3A to %scan3A_2 step %scan3A_3  : i32 {
      %mul3A_48 = arith.constant 1 : i32
      %mul3A_49 = arith.muli %scan3A_47, %mul3A_48 : i32
      %add3A_50 = arith.constant 0 : i32
      %add3A_51 = arith.addi %add3A_50, %mul3A_49 : i32
      %scan3A_52 = arith.constant 0 : i32
      %scan3A_53 = arith.constant 8 : i32
      %scan3A_54 = arith.addi %scan3A_52, %scan3A_53 : i32
      %scan3A_55 = arith.constant 1 : i32
      scf.for %scan3A_57 = %scan3A_52 to %scan3A_54 step %scan3A_55  : i32 {
        %mul3A_58 = arith.constant 1 : i32
        %mul3A_59 = arith.muli %scan3A_57, %mul3A_58 : i32
        %add3A_60 = arith.constant 0 : i32
        %add3A_61 = arith.addi %add3A_60, %mul3A_59 : i32
        %broadcast_in_dim3A = arith.constant 0.000000e+00 : f32
        %broadcast_in_dim3A_62 = vector.broadcast %broadcast_in_dim3A : f32 to vector<16xf32>
        %mul3A_63 = arith.constant 16 : i32
        %mul3A_64 = arith.muli %add3A_61, %mul3A_63 : i32
        %swap3A = arith.index_cast %add3A_51 : i32 to index
        %swap3A_65 = arith.index_cast %mul3A_64 : i32 to index
        %swap3A_66 = tpu.vector_load %arg9[%swap3A, %swap3A_65] {strides = array<i32>} : memref<64x128xf32, #tpu.memory_space<vmem>>, vector<1x16xf32>,
        %swap3A_67 = vector.shape_cast %swap3A_66 : vector<1x16xf32> to vector<16xf32>
        %swap3A_68 = vector.shape_cast %broadcast_in_dim3A_62 : vector<16xf32> to vector<1x16xf32>
        tpu.vector_store %arg9[%swap3A, %swap3A_65], %swap3A_68 {strides = array<i32>} : memref<64x128xf32, #tpu.memory_space<vmem>>, vector<1x16xf32>,
      }
      %scan3A_56 = arith.constant 8 : i32
    }
    %scan3A_4 = arith.constant 64 : i32
    "tpu.region"() ({
      %run_scoped3A_47 = tpu.sem_alloc : memref<!tpu.dma_semaphore, #tpu.memory_space<semaphore_mem>>
      %dma_start3A_48 = arith.constant 0 : i32
      %dma_start3A_49 = arith.constant 0 : i32
      %dma_start3A_50 = tpu.memref_slice %arg3[%add3A, %dma_start3A_48, %dma_start3A_49] : memref<32x125x80xi32, #tpu.memory_space<hbm>> -> memref<1x125x80xi32, #tpu.memory_space<hbm>>
      %dma_start3A_51 = tpu.memref_squeeze %dma_start3A_50 : memref<1x125x80xi32, #tpu.memory_space<hbm>> -> memref<125x80xi32, #tpu.memory_space<hbm>>
      %dma_start3A_52 = arith.constant 0 : i32
      %dma_start3A_53 = arith.constant 0 : i32
      %dma_start3A_54 = tpu.memref_slice %arg3[%add3A, %dma_start3A_52, %dma_start3A_53] : memref<32x125x80xi32, #tpu.memory_space<hbm>> -> memref<1x125x80xi32, #tpu.memory_space<hbm>>
      %dma_start3A_55 = tpu.memref_squeeze %dma_start3A_54 : memref<1x125x80xi32, #tpu.memory_space<hbm>> -> memref<125x80xi32, #tpu.memory_space<hbm>>
      tpu.enqueue_dma source(%dma_start3A_55 : memref<125x80xi32, #tpu.memory_space<hbm>>) target(%arg6 : memref<125x80xi32, #tpu.memory_space<vmem>>) target_semaphore(%run_scoped3A_47 : memref<!tpu.dma_semaphore, #tpu.memory_space<semaphore_mem>>)
      %dma_wait3A_56 = arith.constant 0 : i32
      %dma_wait3A_57 = arith.constant 0 : i32
      %dma_wait3A_58 = tpu.memref_slice %arg3[%add3A, %dma_wait3A_56, %dma_wait3A_57] : memref<32x125x80xi32, #tpu.memory_space<hbm>> -> memref<1x125x80xi32, #tpu.memory_space<hbm>>
      %dma_wait3A_59 = tpu.memref_squeeze %dma_wait3A_58 : memref<1x125x80xi32, #tpu.memory_space<hbm>> -> memref<125x80xi32, #tpu.memory_space<hbm>>
      %dma_wait3A_60 = arith.constant 0 : i32
      %dma_wait3A_61 = arith.constant 0 : i32
      %dma_wait3A_62 = tpu.memref_slice %arg3[%add3A, %dma_wait3A_60, %dma_wait3A_61] : memref<32x125x80xi32, #tpu.memory_space<hbm>> -> memref<1x125x80xi32, #tpu.memory_space<hbm>>
      %dma_wait3A_63 = tpu.memref_squeeze %dma_wait3A_62 : memref<1x125x80xi32, #tpu.memory_space<hbm>> -> memref<125x80xi32, #tpu.memory_space<hbm>>
      tpu.wait_dma2 semaphore(%run_scoped3A_47 : memref<!tpu.dma_semaphore, #tpu.memory_space<semaphore_mem>>) src(%dma_wait3A_63 : memref<125x80xi32, #tpu.memory_space<hbm>>) dst(%arg6 : memref<125x80xi32, #tpu.memory_space<vmem>>)
      tpu.yield
    }) : () -> ()
    "tpu.region"() ({
      %run_scoped3A_47 = tpu.sem_alloc : memref<!tpu.dma_semaphore, #tpu.memory_space<semaphore_mem>>
      %dma_start3A_48 = arith.constant 0 : i32
      %dma_start3A_49 = arith.constant 0 : i32
      %dma_start3A_50 = tpu.memref_slice %arg4[%add3A, %dma_start3A_48, %dma_start3A_49] : memref<32x125x80xi32, #tpu.memory_space<hbm>> -> memref<1x125x80xi32, #tpu.memory_space<hbm>>
      %dma_start3A_51 = tpu.memref_squeeze %dma_start3A_50 : memref<1x125x80xi32, #tpu.memory_space<hbm>> -> memref<125x80xi32, #tpu.memory_space<hbm>>
      %dma_start3A_52 = arith.constant 0 : i32
      %dma_start3A_53 = arith.constant 0 : i32
      %dma_start3A_54 = tpu.memref_slice %arg4[%add3A, %dma_start3A_52, %dma_start3A_53] : memref<32x125x80xi32, #tpu.memory_space<hbm>> -> memref<1x125x80xi32, #tpu.memory_space<hbm>>
      %dma_start3A_55 = tpu.memref_squeeze %dma_start3A_54 : memref<1x125x80xi32, #tpu.memory_space<hbm>> -> memref<125x80xi32, #tpu.memory_space<hbm>>
      tpu.enqueue_dma source(%dma_start3A_55 : memref<125x80xi32, #tpu.memory_space<hbm>>) target(%arg7 : memref<125x80xi32, #tpu.memory_space<vmem>>) target_semaphore(%run_scoped3A_47 : memref<!tpu.dma_semaphore, #tpu.memory_space<semaphore_mem>>)
      %dma_wait3A_56 = arith.constant 0 : i32
      %dma_wait3A_57 = arith.constant 0 : i32
      %dma_wait3A_58 = tpu.memref_slice %arg4[%add3A, %dma_wait3A_56, %dma_wait3A_57] : memref<32x125x80xi32, #tpu.memory_space<hbm>> -> memref<1x125x80xi32, #tpu.memory_space<hbm>>
      %dma_wait3A_59 = tpu.memref_squeeze %dma_wait3A_58 : memref<1x125x80xi32, #tpu.memory_space<hbm>> -> memref<125x80xi32, #tpu.memory_space<hbm>>
      %dma_wait3A_60 = arith.constant 0 : i32
      %dma_wait3A_61 = arith.constant 0 : i32
      %dma_wait3A_62 = tpu.memref_slice %arg4[%add3A, %dma_wait3A_60, %dma_wait3A_61] : memref<32x125x80xi32, #tpu.memory_space<hbm>> -> memref<1x125x80xi32, #tpu.memory_space<hbm>>
      %dma_wait3A_63 = tpu.memref_squeeze %dma_wait3A_62 : memref<1x125x80xi32, #tpu.memory_space<hbm>> -> memref<125x80xi32, #tpu.memory_space<hbm>>
      tpu.wait_dma2 semaphore(%run_scoped3A_47 : memref<!tpu.dma_semaphore, #tpu.memory_space<semaphore_mem>>) src(%dma_wait3A_63 : memref<125x80xi32, #tpu.memory_space<hbm>>) dst(%arg7 : memref<125x80xi32, #tpu.memory_space<vmem>>)
      tpu.yield
    }) : () -> ()
    %scan3A_5 = arith.constant 0 : i32
    %scan3A_6 = arith.constant 9 : i32
    %scan3A_7 = arith.addi %scan3A_5, %scan3A_6 : i32
    %scan3A_8 = arith.constant 1 : i32
    scf.for %scan3A_47 = %scan3A_5 to %scan3A_7 step %scan3A_8  : i32 {
      %mul3A_48 = arith.constant 1 : i32
      %mul3A_49 = arith.muli %scan3A_47, %mul3A_48 : i32
      %add3A_50 = arith.constant 0 : i32
      %add3A_51 = arith.addi %add3A_50, %mul3A_49 : i32
      %mul3A_52 = arith.constant 632 : i32
      %mul3A_53 = arith.muli %arg1, %mul3A_52 : i32
      %mul3A_54 = arith.constant 64 : i32
      %mul3A_55 = arith.muli %add3A_51, %mul3A_54 : i32
      %add3A_56 = arith.addi %mul3A_53, %mul3A_55 : i32
      "tpu.region"() ({
        %run_scoped3A_57 = tpu.sem_alloc : memref<!tpu.dma_semaphore, #tpu.memory_space<semaphore_mem>>
        %dma_start3A_58 = arith.constant 0 : i32
        %dma_start3A_59 = tpu.memref_slice %arg10[%add3A_56, %dma_start3A_58] : memref<10112x128xf32, #tpu.memory_space<vmem_shared>> -> memref<64x128xf32, #tpu.memory_space<vmem_shared>>
        %dma_start3A_60 = arith.constant 0 : i32
        %dma_start3A_61 = tpu.memref_slice %arg10[%add3A_56, %dma_start3A_60] : memref<10112x128xf32, #tpu.memory_space<vmem_shared>> -> memref<64x128xf32, #tpu.memory_space<vmem_shared>>
        tpu.enqueue_dma source(%arg9 : memref<64x128xf32, #tpu.memory_space<vmem>>) target(%dma_start3A_61 : memref<64x128xf32, #tpu.memory_space<vmem_shared>>) target_semaphore(%run_scoped3A_57 : memref<!tpu.dma_semaphore, #tpu.memory_space<semaphore_mem>>)
        %dma_wait3A_62 = arith.constant 0 : i32
        %dma_wait3A_63 = tpu.memref_slice %arg10[%add3A_56, %dma_wait3A_62] : memref<10112x128xf32, #tpu.memory_space<vmem_shared>> -> memref<64x128xf32, #tpu.memory_space<vmem_shared>>
        %dma_wait3A_64 = arith.constant 0 : i32
        %dma_wait3A_65 = tpu.memref_slice %arg10[%add3A_56, %dma_wait3A_64] : memref<10112x128xf32, #tpu.memory_space<vmem_shared>> -> memref<64x128xf32, #tpu.memory_space<vmem_shared>>
        tpu.wait_dma2 semaphore(%run_scoped3A_57 : memref<!tpu.dma_semaphore, #tpu.memory_space<semaphore_mem>>) src(%arg9 : memref<64x128xf32, #tpu.memory_space<vmem>>) dst(%dma_wait3A_65 : memref<64x128xf32, #tpu.memory_space<vmem_shared>>)
        tpu.yield
      }) : () -> ()
    }
    %scan3A_9 = arith.constant 9 : i32
    %mul3A_10 = arith.constant 632 : i32
    %mul3A_11 = arith.muli %arg1, %mul3A_10 : i32
    %add3A_12 = arith.constant 576 : i32
    %add3A_13 = arith.addi %mul3A_11, %add3A_12 : i32
    "tpu.region"() ({
      %run_scoped3A_47 = tpu.sem_alloc : memref<!tpu.dma_semaphore, #tpu.memory_space<semaphore_mem>>
      %dma_start3A_48 = arith.constant 0 : i32
      %dma_start3A_49 = arith.constant 0 : i32
      %dma_start3A_50 = tpu.memref_slice %arg9[%dma_start3A_48, %dma_start3A_49] : memref<64x128xf32, #tpu.memory_space<vmem>> -> memref<56x128xf32, #tpu.memory_space<vmem>>
      %dma_start3A_51 = arith.constant 0 : i32
      %dma_start3A_52 = tpu.memref_slice %arg10[%add3A_13, %dma_start3A_51] : memref<10112x128xf32, #tpu.memory_space<vmem_shared>> -> memref<56x128xf32, #tpu.memory_space<vmem_shared>>
      %dma_start3A_53 = arith.constant 0 : i32
      %dma_start3A_54 = tpu.memref_slice %arg10[%add3A_13, %dma_start3A_53] : memref<10112x128xf32, #tpu.memory_space<vmem_shared>> -> memref<56x128xf32, #tpu.memory_space<vmem_shared>>
      %dma_start3A_55 = arith.constant 0 : i32
      %dma_start3A_56 = arith.constant 0 : i32
      %dma_start3A_57 = tpu.memref_slice %arg9[%dma_start3A_55, %dma_start3A_56] : memref<64x128xf32, #tpu.memory_space<vmem>> -> memref<56x128xf32, #tpu.memory_space<vmem>>
      tpu.enqueue_dma source(%dma_start3A_57 : memref<56x128xf32, #tpu.memory_space<vmem>>) target(%dma_start3A_54 : memref<56x128xf32, #tpu.memory_space<vmem_shared>>) target_semaphore(%run_scoped3A_47 : memref<!tpu.dma_semaphore, #tpu.memory_space<semaphore_mem>>)
      %dma_wait3A_58 = arith.constant 0 : i32
      %dma_wait3A_59 = arith.constant 0 : i32
      %dma_wait3A_60 = tpu.memref_slice %arg9[%dma_wait3A_58, %dma_wait3A_59] : memref<64x128xf32, #tpu.memory_space<vmem>> -> memref<56x128xf32, #tpu.memory_space<vmem>>
      %dma_wait3A_61 = arith.constant 0 : i32
      %dma_wait3A_62 = tpu.memref_slice %arg10[%add3A_13, %dma_wait3A_61] : memref<10112x128xf32, #tpu.memory_space<vmem_shared>> -> memref<56x128xf32, #tpu.memory_space<vmem_shared>>
      %dma_wait3A_63 = arith.constant 0 : i32
      %dma_wait3A_64 = tpu.memref_slice %arg10[%add3A_13, %dma_wait3A_63] : memref<10112x128xf32, #tpu.memory_space<vmem_shared>> -> memref<56x128xf32, #tpu.memory_space<vmem_shared>>
      %dma_wait3A_65 = arith.constant 0 : i32
      %dma_wait3A_66 = arith.constant 0 : i32
      %dma_wait3A_67 = tpu.memref_slice %arg9[%dma_wait3A_65, %dma_wait3A_66] : memref<64x128xf32, #tpu.memory_space<vmem>> -> memref<56x128xf32, #tpu.memory_space<vmem>>
      tpu.wait_dma2 semaphore(%run_scoped3A_47 : memref<!tpu.dma_semaphore, #tpu.memory_space<semaphore_mem>>) src(%dma_wait3A_67 : memref<56x128xf32, #tpu.memory_space<vmem>>) dst(%dma_wait3A_64 : memref<56x128xf32, #tpu.memory_space<vmem_shared>>)
      tpu.yield
    }) : () -> ()
    %barrier3A = arith.constant 0 : index
    tpu.barrier barrier_id(%barrier3A)
    %dma_start3A = arith.constant 0 : i32
    %dma_start3A_14 = arith.constant 0 : i32
    %dma_start3A_15 = arith.constant 0 : i32
    %dma_start3A_16 = arith.constant 0 : i32
    %dma_start3A_17 = tpu.memref_slice %arg8[%dma_start3A_14, %dma_start3A_15, %dma_start3A_16] : memref<2x80x128xf32, #tpu.memory_space<vmem>> -> memref<1x80x128xf32, #tpu.memory_space<vmem>>
    %dma_start3A_18 = tpu.memref_squeeze %dma_start3A_17 : memref<1x80x128xf32, #tpu.memory_space<vmem>> -> memref<80x128xf32, #tpu.memory_space<vmem>>
    %dma_start3A_19 = arith.constant 0 : i32
    %dma_start3A_20 = tpu.memref_slice %arg6[%dma_start3A, %dma_start3A_19] : memref<125x80xi32, #tpu.memory_space<vmem>> -> memref<1x80xi32, #tpu.memory_space<vmem>>
    %dma_start3A_21 = tpu.memref_squeeze %dma_start3A_20 : memref<1x80xi32, #tpu.memory_space<vmem>> -> memref<80xi32, #tpu.memory_space<vmem>>
    %dma_start3A_22 = arith.constant 0 : i32
    %dma_start3A_23 = arith.constant 0 : i32
    %dma_start3A_24 = tpu.memref_slice %arg2[%dma_start3A_22, %dma_start3A_23] : memref<10000x128xf32, #tpu.memory_space<hbm>> -> memref<10000x128xf32, #tpu.memory_space<hbm>>
    tpu.enqueue_indirect_dma source(%dma_start3A_24 : memref<10000x128xf32, #tpu.memory_space<hbm>>) target(%dma_start3A_18 : memref<80x128xf32, #tpu.memory_space<vmem>>) offsets(%dma_start3A_21 : memref<80xi32, #tpu.memory_space<vmem>>) semaphore(%arg11 : memref<!tpu.dma_semaphore, #tpu.memory_space<semaphore_mem>>)
    %scan3A_25 = arith.constant 0 : i32
    %scan3A_26 = arith.constant 62 : i32
    %scan3A_27 = arith.addi %scan3A_25, %scan3A_26 : i32
    %scan3A_28 = arith.constant 1 : i32
    scf.for %scan3A_47 = %scan3A_25 to %scan3A_27 step %scan3A_28  : i32 {
      %mul3A_48 = arith.constant 1 : i32
      %mul3A_49 = arith.muli %scan3A_47, %mul3A_48 : i32
      %add3A_50 = arith.constant 0 : i32
      %add3A_51 = arith.addi %add3A_50, %mul3A_49 : i32
      %mul3A_52 = arith.constant 2 : i32
      %mul3A_53 = arith.muli %mul3A_52, %add3A_51 : i32
      %add3A_54 = arith.constant 1 : i32
      %add3A_55 = arith.addi %mul3A_53, %add3A_54 : i32
      %dma_start3A_56 = arith.constant 1 : i32
      %dma_start3A_57 = arith.constant 0 : i32
      %dma_start3A_58 = arith.constant 0 : i32
      %dma_start3A_59 = tpu.memref_slice %arg8[%dma_start3A_56, %dma_start3A_57, %dma_start3A_58] : memref<2x80x128xf32, #tpu.memory_space<vmem>> -> memref<1x80x128xf32, #tpu.memory_space<vmem>>
      %dma_start3A_60 = tpu.memref_squeeze %dma_start3A_59 : memref<1x80x128xf32, #tpu.memory_space<vmem>> -> memref<80x128xf32, #tpu.memory_space<vmem>>
      %dma_start3A_61 = arith.constant 0 : i32
      %dma_start3A_62 = tpu.memref_slice %arg6[%add3A_55, %dma_start3A_61] : memref<125x80xi32, #tpu.memory_space<vmem>> -> memref<1x80xi32, #tpu.memory_space<vmem>>
      %dma_start3A_63 = tpu.memref_squeeze %dma_start3A_62 : memref<1x80xi32, #tpu.memory_space<vmem>> -> memref<80xi32, #tpu.memory_space<vmem>>
      %dma_start3A_64 = arith.constant 0 : i32
      %dma_start3A_65 = arith.constant 0 : i32
      %dma_start3A_66 = tpu.memref_slice %arg2[%dma_start3A_64, %dma_start3A_65] : memref<10000x128xf32, #tpu.memory_space<hbm>> -> memref<10000x128xf32, #tpu.memory_space<hbm>>
      tpu.enqueue_indirect_dma source(%dma_start3A_66 : memref<10000x128xf32, #tpu.memory_space<hbm>>) target(%dma_start3A_60 : memref<80x128xf32, #tpu.memory_space<vmem>>) offsets(%dma_start3A_63 : memref<80xi32, #tpu.memory_space<vmem>>) semaphore(%arg12 : memref<!tpu.dma_semaphore, #tpu.memory_space<semaphore_mem>>)
      %dma_wait3A_67 = arith.constant 0 : i32
      %dma_wait3A_68 = arith.constant 0 : i32
      %dma_wait3A_69 = arith.constant 0 : i32
      %dma_wait3A_70 = tpu.memref_slice %arg8[%dma_wait3A_67, %dma_wait3A_68, %dma_wait3A_69] : memref<2x80x128xf32, #tpu.memory_space<vmem>> -> memref<1x80x128xf32, #tpu.memory_space<vmem>>
      %dma_wait3A_71 = tpu.memref_squeeze %dma_wait3A_70 : memref<1x80x128xf32, #tpu.memory_space<vmem>> -> memref<80x128xf32, #tpu.memory_space<vmem>>
      %dma_wait3A_72 = arith.constant 0 : i32
      %dma_wait3A_73 = tpu.memref_slice %arg6[%mul3A_53, %dma_wait3A_72] : memref<125x80xi32, #tpu.memory_space<vmem>> -> memref<1x80xi32, #tpu.memory_space<vmem>>
      %dma_wait3A_74 = tpu.memref_squeeze %dma_wait3A_73 : memref<1x80xi32, #tpu.memory_space<vmem>> -> memref<80xi32, #tpu.memory_space<vmem>>
      %dma_wait3A_75 = arith.constant 0 : i32
      %dma_wait3A_76 = arith.constant 0 : i32
      %dma_wait3A_77 = tpu.memref_slice %arg2[%dma_wait3A_75, %dma_wait3A_76] : memref<10000x128xf32, #tpu.memory_space<hbm>> -> memref<10000x128xf32, #tpu.memory_space<hbm>>
      tpu.wait_indirect_dma semaphore(%arg11 : memref<!tpu.dma_semaphore, #tpu.memory_space<semaphore_mem>>) src(%dma_wait3A_77 : memref<10000x128xf32, #tpu.memory_space<hbm>>) dst(%dma_wait3A_71 : memref<80x128xf32, #tpu.memory_space<vmem>>)
      %run_scoped3A_78 = arith.constant 0 : i32
      "tpu.region"() ({
        %run_scoped3A_108 = tpu.sem_alloc : memref<!tpu.dma_semaphore, #tpu.memory_space<semaphore_mem>>
        %dma_start3A_109 = arith.constant 0 : i32
        %dma_start3A_110 = arith.constant 0 : i32
        %dma_start3A_111 = tpu.memref_slice %arg8[%run_scoped3A_78, %dma_start3A_109, %dma_start3A_110] : memref<2x80x128xf32, #tpu.memory_space<vmem>> -> memref<1x80x128xf32, #tpu.memory_space<vmem>>
        %dma_start3A_112 = tpu.memref_squeeze %dma_start3A_111 : memref<1x80x128xf32, #tpu.memory_space<vmem>> -> memref<80x128xf32, #tpu.memory_space<vmem>>
        %dma_start3A_113 = arith.constant 0 : i32
        %dma_start3A_114 = tpu.memref_slice %arg7[%mul3A_53, %dma_start3A_113] : memref<125x80xi32, #tpu.memory_space<vmem>> -> memref<1x80xi32, #tpu.memory_space<vmem>>
        %dma_start3A_115 = tpu.memref_squeeze %dma_start3A_114 : memref<1x80xi32, #tpu.memory_space<vmem>> -> memref<80xi32, #tpu.memory_space<vmem>>
        %dma_start3A_116 = arith.constant 0 : i32
        %dma_start3A_117 = arith.constant 0 : i32
        %dma_start3A_118 = tpu.memref_slice %arg10[%dma_start3A_116, %dma_start3A_117] : memref<10112x128xf32, #tpu.memory_space<vmem_shared>> -> memref<10112x128xf32, #tpu.memory_space<vmem_shared>>
        tpu.enqueue_indirect_dma source(%dma_start3A_112 : memref<80x128xf32, #tpu.memory_space<vmem>>) target(%dma_start3A_118 : memref<10112x128xf32, #tpu.memory_space<vmem_shared>>) offsets(%dma_start3A_115 : memref<80xi32, #tpu.memory_space<vmem>>) semaphore(%run_scoped3A_108 : memref<!tpu.dma_semaphore, #tpu.memory_space<semaphore_mem>>) {add = true}
        %dma_wait3A_119 = arith.constant 0 : i32
        %dma_wait3A_120 = arith.constant 0 : i32
        %dma_wait3A_121 = tpu.memref_slice %arg8[%run_scoped3A_78, %dma_wait3A_119, %dma_wait3A_120] : memref<2x80x128xf32, #tpu.memory_space<vmem>> -> memref<1x80x128xf32, #tpu.memory_space<vmem>>
        %dma_wait3A_122 = tpu.memref_squeeze %dma_wait3A_121 : memref<1x80x128xf32, #tpu.memory_space<vmem>> -> memref<80x128xf32, #tpu.memory_space<vmem>>
        %dma_wait3A_123 = arith.constant 0 : i32
        %dma_wait3A_124 = tpu.memref_slice %arg7[%mul3A_53, %dma_wait3A_123] : memref<125x80xi32, #tpu.memory_space<vmem>> -> memref<1x80xi32, #tpu.memory_space<vmem>>
        %dma_wait3A_125 = tpu.memref_squeeze %dma_wait3A_124 : memref<1x80xi32, #tpu.memory_space<vmem>> -> memref<80xi32, #tpu.memory_space<vmem>>
        %dma_wait3A_126 = arith.constant 0 : i32
        %dma_wait3A_127 = arith.constant 0 : i32
        %dma_wait3A_128 = tpu.memref_slice %arg10[%dma_wait3A_126, %dma_wait3A_127] : memref<10112x128xf32, #tpu.memory_space<vmem_shared>> -> memref<10112x128xf32, #tpu.memory_space<vmem_shared>>
        tpu.wait_indirect_dma semaphore(%run_scoped3A_108 : memref<!tpu.dma_semaphore, #tpu.memory_space<semaphore_mem>>) src(%dma_wait3A_122 : memref<80x128xf32, #tpu.memory_space<vmem>>) dst(%dma_wait3A_128 : memref<10112x128xf32, #tpu.memory_space<vmem_shared>>)
        tpu.yield
      }) : () -> ()
      %add3A_79 = arith.constant 2 : i32
      %add3A_80 = arith.addi %mul3A_53, %add3A_79 : i32
      %dma_start3A_81 = arith.constant 0 : i32
      %dma_start3A_82 = arith.constant 0 : i32
      %dma_start3A_83 = arith.constant 0 : i32
      %dma_start3A_84 = tpu.memref_slice %arg8[%dma_start3A_81, %dma_start3A_82, %dma_start3A_83] : memref<2x80x128xf32, #tpu.memory_space<vmem>> -> memref<1x80x128xf32, #tpu.memory_space<vmem>>
      %dma_start3A_85 = tpu.memref_squeeze %dma_start3A_84 : memref<1x80x128xf32, #tpu.memory_space<vmem>> -> memref<80x128xf32, #tpu.memory_space<vmem>>
      %dma_start3A_86 = arith.constant 0 : i32
      %dma_start3A_87 = tpu.memref_slice %arg6[%add3A_80, %dma_start3A_86] : memref<125x80xi32, #tpu.memory_space<vmem>> -> memref<1x80xi32, #tpu.memory_space<vmem>>
      %dma_start3A_88 = tpu.memref_squeeze %dma_start3A_87 : memref<1x80xi32, #tpu.memory_space<vmem>> -> memref<80xi32, #tpu.memory_space<vmem>>
      %dma_start3A_89 = arith.constant 0 : i32
      %dma_start3A_90 = arith.constant 0 : i32
      %dma_start3A_91 = tpu.memref_slice %arg2[%dma_start3A_89, %dma_start3A_90] : memref<10000x128xf32, #tpu.memory_space<hbm>> -> memref<10000x128xf32, #tpu.memory_space<hbm>>
      tpu.enqueue_indirect_dma source(%dma_start3A_91 : memref<10000x128xf32, #tpu.memory_space<hbm>>) target(%dma_start3A_85 : memref<80x128xf32, #tpu.memory_space<vmem>>) offsets(%dma_start3A_88 : memref<80xi32, #tpu.memory_space<vmem>>) semaphore(%arg11 : memref<!tpu.dma_semaphore, #tpu.memory_space<semaphore_mem>>)
      %add3A_92 = arith.constant 1 : i32
      %add3A_93 = arith.addi %mul3A_53, %add3A_92 : i32
      %dma_wait3A_94 = arith.constant 1 : i32
      %dma_wait3A_95 = arith.constant 0 : i32
      %dma_wait3A_96 = arith.constant 0 : i32
      %dma_wait3A_97 = tpu.memref_slice %arg8[%dma_wait3A_94, %dma_wait3A_95, %dma_wait3A_96] : memref<2x80x128xf32, #tpu.memory_space<vmem>> -> memref<1x80x128xf32, #tpu.memory_space<vmem>>
      %dma_wait3A_98 = tpu.memref_squeeze %dma_wait3A_97 : memref<1x80x128xf32, #tpu.memory_space<vmem>> -> memref<80x128xf32, #tpu.memory_space<vmem>>
      %dma_wait3A_99 = arith.constant 0 : i32
      %dma_wait3A_100 = tpu.memref_slice %arg6[%add3A_93, %dma_wait3A_99] : memref<125x80xi32, #tpu.memory_space<vmem>> -> memref<1x80xi32, #tpu.memory_space<vmem>>
      %dma_wait3A_101 = tpu.memref_squeeze %dma_wait3A_100 : memref<1x80xi32, #tpu.memory_space<vmem>> -> memref<80xi32, #tpu.memory_space<vmem>>
      %dma_wait3A_102 = arith.constant 0 : i32
      %dma_wait3A_103 = arith.constant 0 : i32
      %dma_wait3A_104 = tpu.memref_slice %arg2[%dma_wait3A_102, %dma_wait3A_103] : memref<10000x128xf32, #tpu.memory_space<hbm>> -> memref<10000x128xf32, #tpu.memory_space<hbm>>
      tpu.wait_indirect_dma semaphore(%arg12 : memref<!tpu.dma_semaphore, #tpu.memory_space<semaphore_mem>>) src(%dma_wait3A_104 : memref<10000x128xf32, #tpu.memory_space<hbm>>) dst(%dma_wait3A_98 : memref<80x128xf32, #tpu.memory_space<vmem>>)
      %add3A_105 = arith.constant 1 : i32
      %add3A_106 = arith.addi %mul3A_53, %add3A_105 : i32
      %run_scoped3A_107 = arith.constant 1 : i32
      "tpu.region"() ({
        %run_scoped3A_108 = tpu.sem_alloc : memref<!tpu.dma_semaphore, #tpu.memory_space<semaphore_mem>>
        %dma_start3A_109 = arith.constant 0 : i32
        %dma_start3A_110 = arith.constant 0 : i32
        %dma_start3A_111 = tpu.memref_slice %arg8[%run_scoped3A_107, %dma_start3A_109, %dma_start3A_110] : memref<2x80x128xf32, #tpu.memory_space<vmem>> -> memref<1x80x128xf32, #tpu.memory_space<vmem>>
        %dma_start3A_112 = tpu.memref_squeeze %dma_start3A_111 : memref<1x80x128xf32, #tpu.memory_space<vmem>> -> memref<80x128xf32, #tpu.memory_space<vmem>>
        %dma_start3A_113 = arith.constant 0 : i32
        %dma_start3A_114 = tpu.memref_slice %arg7[%add3A_106, %dma_start3A_113] : memref<125x80xi32, #tpu.memory_space<vmem>> -> memref<1x80xi32, #tpu.memory_space<vmem>>
        %dma_start3A_115 = tpu.memref_squeeze %dma_start3A_114 : memref<1x80xi32, #tpu.memory_space<vmem>> -> memref<80xi32, #tpu.memory_space<vmem>>
        %dma_start3A_116 = arith.constant 0 : i32
        %dma_start3A_117 = arith.constant 0 : i32
        %dma_start3A_118 = tpu.memref_slice %arg10[%dma_start3A_116, %dma_start3A_117] : memref<10112x128xf32, #tpu.memory_space<vmem_shared>> -> memref<10112x128xf32, #tpu.memory_space<vmem_shared>>
        tpu.enqueue_indirect_dma source(%dma_start3A_112 : memref<80x128xf32, #tpu.memory_space<vmem>>) target(%dma_start3A_118 : memref<10112x128xf32, #tpu.memory_space<vmem_shared>>) offsets(%dma_start3A_115 : memref<80xi32, #tpu.memory_space<vmem>>) semaphore(%run_scoped3A_108 : memref<!tpu.dma_semaphore, #tpu.memory_space<semaphore_mem>>) {add = true}
        %dma_wait3A_119 = arith.constant 0 : i32
        %dma_wait3A_120 = arith.constant 0 : i32
        %dma_wait3A_121 = tpu.memref_slice %arg8[%run_scoped3A_107, %dma_wait3A_119, %dma_wait3A_120] : memref<2x80x128xf32, #tpu.memory_space<vmem>> -> memref<1x80x128xf32, #tpu.memory_space<vmem>>
        %dma_wait3A_122 = tpu.memref_squeeze %dma_wait3A_121 : memref<1x80x128xf32, #tpu.memory_space<vmem>> -> memref<80x128xf32, #tpu.memory_space<vmem>>
        %dma_wait3A_123 = arith.constant 0 : i32
        %dma_wait3A_124 = tpu.memref_slice %arg7[%add3A_106, %dma_wait3A_123] : memref<125x80xi32, #tpu.memory_space<vmem>> -> memref<1x80xi32, #tpu.memory_space<vmem>>
        %dma_wait3A_125 = tpu.memref_squeeze %dma_wait3A_124 : memref<1x80xi32, #tpu.memory_space<vmem>> -> memref<80xi32, #tpu.memory_space<vmem>>
        %dma_wait3A_126 = arith.constant 0 : i32
        %dma_wait3A_127 = arith.constant 0 : i32
        %dma_wait3A_128 = tpu.memref_slice %arg10[%dma_wait3A_126, %dma_wait3A_127] : memref<10112x128xf32, #tpu.memory_space<vmem_shared>> -> memref<10112x128xf32, #tpu.memory_space<vmem_shared>>
        tpu.wait_indirect_dma semaphore(%run_scoped3A_108 : memref<!tpu.dma_semaphore, #tpu.memory_space<semaphore_mem>>) src(%dma_wait3A_122 : memref<80x128xf32, #tpu.memory_space<vmem>>) dst(%dma_wait3A_128 : memref<10112x128xf32, #tpu.memory_space<vmem_shared>>)
        tpu.yield
      }) : () -> ()
    }
    %scan3A_29 = arith.constant 62 : i32
    %dma_wait3A = arith.constant 124 : i32
    %dma_wait3A_30 = arith.constant 0 : i32
    %dma_wait3A_31 = arith.constant 0 : i32
    %dma_wait3A_32 = arith.constant 0 : i32
    %dma_wait3A_33 = tpu.memref_slice %arg8[%dma_wait3A_30, %dma_wait3A_31, %dma_wait3A_32] : memref<2x80x128xf32, #tpu.memory_space<vmem>> -> memref<1x80x128xf32, #tpu.memory_space<vmem>>
    %dma_wait3A_34 = tpu.memref_squeeze %dma_wait3A_33 : memref<1x80x128xf32, #tpu.memory_space<vmem>> -> memref<80x128xf32, #tpu.memory_space<vmem>>
    %dma_wait3A_35 = arith.constant 0 : i32
    %dma_wait3A_36 = tpu.memref_slice %arg6[%dma_wait3A, %dma_wait3A_35] : memref<125x80xi32, #tpu.memory_space<vmem>> -> memref<1x80xi32, #tpu.memory_space<vmem>>
    %dma_wait3A_37 = tpu.memref_squeeze %dma_wait3A_36 : memref<1x80xi32, #tpu.memory_space<vmem>> -> memref<80xi32, #tpu.memory_space<vmem>>
    %dma_wait3A_38 = arith.constant 0 : i32
    %dma_wait3A_39 = arith.constant 0 : i32
    %dma_wait3A_40 = tpu.memref_slice %arg2[%dma_wait3A_38, %dma_wait3A_39] : memref<10000x128xf32, #tpu.memory_space<hbm>> -> memref<10000x128xf32, #tpu.memory_space<hbm>>
    tpu.wait_indirect_dma semaphore(%arg11 : memref<!tpu.dma_semaphore, #tpu.memory_space<semaphore_mem>>) src(%dma_wait3A_40 : memref<10000x128xf32, #tpu.memory_space<hbm>>) dst(%dma_wait3A_34 : memref<80x128xf32, #tpu.memory_space<vmem>>)
    %run_scoped3A = arith.constant 0 : i32
    %run_scoped3A_41 = arith.constant 124 : i32
    "tpu.region"() ({
      %run_scoped3A_47 = tpu.sem_alloc : memref<!tpu.dma_semaphore, #tpu.memory_space<semaphore_mem>>
      %dma_start3A_48 = arith.constant 0 : i32
      %dma_start3A_49 = arith.constant 0 : i32
      %dma_start3A_50 = tpu.memref_slice %arg8[%run_scoped3A, %dma_start3A_48, %dma_start3A_49] : memref<2x80x128xf32, #tpu.memory_space<vmem>> -> memref<1x80x128xf32, #tpu.memory_space<vmem>>
      %dma_start3A_51 = tpu.memref_squeeze %dma_start3A_50 : memref<1x80x128xf32, #tpu.memory_space<vmem>> -> memref<80x128xf32, #tpu.memory_space<vmem>>
      %dma_start3A_52 = arith.constant 0 : i32
      %dma_start3A_53 = tpu.memref_slice %arg7[%run_scoped3A_41, %dma_start3A_52] : memref<125x80xi32, #tpu.memory_space<vmem>> -> memref<1x80xi32, #tpu.memory_space<vmem>>
      %dma_start3A_54 = tpu.memref_squeeze %dma_start3A_53 : memref<1x80xi32, #tpu.memory_space<vmem>> -> memref<80xi32, #tpu.memory_space<vmem>>
      %dma_start3A_55 = arith.constant 0 : i32
      %dma_start3A_56 = arith.constant 0 : i32
      %dma_start3A_57 = tpu.memref_slice %arg10[%dma_start3A_55, %dma_start3A_56] : memref<10112x128xf32, #tpu.memory_space<vmem_shared>> -> memref<10112x128xf32, #tpu.memory_space<vmem_shared>>
      tpu.enqueue_indirect_dma source(%dma_start3A_51 : memref<80x128xf32, #tpu.memory_space<vmem>>) target(%dma_start3A_57 : memref<10112x128xf32, #tpu.memory_space<vmem_shared>>) offsets(%dma_start3A_54 : memref<80xi32, #tpu.memory_space<vmem>>) semaphore(%run_scoped3A_47 : memref<!tpu.dma_semaphore, #tpu.memory_space<semaphore_mem>>) {add = true}
      %dma_wait3A_58 = arith.constant 0 : i32
      %dma_wait3A_59 = arith.constant 0 : i32
      %dma_wait3A_60 = tpu.memref_slice %arg8[%run_scoped3A, %dma_wait3A_58, %dma_wait3A_59] : memref<2x80x128xf32, #tpu.memory_space<vmem>> -> memref<1x80x128xf32, #tpu.memory_space<vmem>>
      %dma_wait3A_61 = tpu.memref_squeeze %dma_wait3A_60 : memref<1x80x128xf32, #tpu.memory_space<vmem>> -> memref<80x128xf32, #tpu.memory_space<vmem>>
      %dma_wait3A_62 = arith.constant 0 : i32
      %dma_wait3A_63 = tpu.memref_slice %arg7[%run_scoped3A_41, %dma_wait3A_62] : memref<125x80xi32, #tpu.memory_space<vmem>> -> memref<1x80xi32, #tpu.memory_space<vmem>>
      %dma_wait3A_64 = tpu.memref_squeeze %dma_wait3A_63 : memref<1x80xi32, #tpu.memory_space<vmem>> -> memref<80xi32, #tpu.memory_space<vmem>>
      %dma_wait3A_65 = arith.constant 0 : i32
      %dma_wait3A_66 = arith.constant 0 : i32
      %dma_wait3A_67 = tpu.memref_slice %arg10[%dma_wait3A_65, %dma_wait3A_66] : memref<10112x128xf32, #tpu.memory_space<vmem_shared>> -> memref<10112x128xf32, #tpu.memory_space<vmem_shared>>
      tpu.wait_indirect_dma semaphore(%run_scoped3A_47 : memref<!tpu.dma_semaphore, #tpu.memory_space<semaphore_mem>>) src(%dma_wait3A_61 : memref<80x128xf32, #tpu.memory_space<vmem>>) dst(%dma_wait3A_67 : memref<10112x128xf32, #tpu.memory_space<vmem_shared>>)
      tpu.yield
    }) : () -> ()
    %barrier3A_42 = arith.constant 0 : index
    tpu.barrier barrier_id(%barrier3A_42)
    %mul3A_43 = arith.constant 632 : i32
    %mul3A_44 = arith.muli %arg1, %mul3A_43 : i32
    %mul3A_45 = arith.constant 632 : i32
    %mul3A_46 = arith.muli %arg1, %mul3A_45 : i32
    "tpu.region"() ({
      %run_scoped3A_47 = tpu.sem_alloc : memref<!tpu.dma_semaphore, #tpu.memory_space<semaphore_mem>>
      %dma_start3A_48 = arith.constant 0 : i32
      %dma_start3A_49 = tpu.memref_slice %arg5[%arg0, %mul3A_46, %dma_start3A_48] : memref<2x10112x128xf32, #tpu.memory_space<hbm>> -> memref<1x632x128xf32, #tpu.memory_space<hbm>>
      %dma_start3A_50 = tpu.memref_squeeze %dma_start3A_49 : memref<1x632x128xf32, #tpu.memory_space<hbm>> -> memref<632x128xf32, #tpu.memory_space<hbm>>
      %dma_start3A_51 = arith.constant 0 : i32
      %dma_start3A_52 = tpu.memref_slice %arg10[%mul3A_44, %dma_start3A_51] : memref<10112x128xf32, #tpu.memory_space<vmem_shared>> -> memref<632x128xf32, #tpu.memory_space<vmem_shared>>
      tpu.enqueue_dma source(%dma_start3A_52 : memref<632x128xf32, #tpu.memory_space<vmem_shared>>) target(%dma_start3A_50 : memref<632x128xf32, #tpu.memory_space<hbm>>) target_semaphore(%run_scoped3A_47 : memref<!tpu.dma_semaphore, #tpu.memory_space<semaphore_mem>>)
      %dma_wait3A_53 = arith.constant 0 : i32
      %dma_wait3A_54 = tpu.memref_slice %arg5[%arg0, %mul3A_46, %dma_wait3A_53] : memref<2x10112x128xf32, #tpu.memory_space<hbm>> -> memref<1x632x128xf32, #tpu.memory_space<hbm>>
      %dma_wait3A_55 = tpu.memref_squeeze %dma_wait3A_54 : memref<1x632x128xf32, #tpu.memory_space<hbm>> -> memref<632x128xf32, #tpu.memory_space<hbm>>
      %dma_wait3A_56 = arith.constant 0 : i32
      %dma_wait3A_57 = tpu.memref_slice %arg10[%mul3A_44, %dma_wait3A_56] : memref<10112x128xf32, #tpu.memory_space<vmem_shared>> -> memref<632x128xf32, #tpu.memory_space<vmem_shared>>
      tpu.wait_dma2 semaphore(%run_scoped3A_47 : memref<!tpu.dma_semaphore, #tpu.memory_space<semaphore_mem>>) src(%dma_wait3A_57 : memref<632x128xf32, #tpu.memory_space<vmem_shared>>) dst(%dma_wait3A_55 : memref<632x128xf32, #tpu.memory_space<hbm>>)
      tpu.yield
    }) : () -> ()
    return
  }
}

#map = affine_map<(d0, d1) -> (0, 0)>
#map1 = affine_map<(d0, d1) -> (0, 0, 0)>
module attributes {stable_mosaic.version = 14 : i64} {
  func.func @_agg_kernel(%arg0: i32, %arg1: i32, %arg2: memref<10000x128xf32, #tpu.memory_space<hbm>>, %arg3: memref<32x125x80xi32, #tpu.memory_space<hbm>>, %arg4: memref<32x125x80xi32, #tpu.memory_space<hbm>>, %arg5: memref<2x10112x128xf32, #tpu.memory_space<hbm>>, %arg6: memref<125x80xi32, #tpu.memory_space<vmem>>, %arg7: memref<125x80xi32, #tpu.memory_space<vmem>>, %arg8: memref<2x80x128xf32, #tpu.memory_space<vmem>>, %arg9: memref<64x128xf32, #tpu.memory_space<vmem>>, %arg10: memref<10112x128xf32, #tpu.memory_space<vmem_shared>>, %arg11: memref<!tpu.dma_semaphore, #tpu.memory_space<semaphore_mem>>, %arg12: memref<!tpu.dma_semaphore, #tpu.memory_space<semaphore_mem>>) attributes {dimension_semantics = [#tpu.dimension_semantics<core_parallel>, #tpu.dimension_semantics<subcore_parallel>], iteration_bounds = array<i64: 2, 16>, scalar_prefetch = 0 : i64, scratch_operands = 7 : i64, tpu.core_type = #tpu.core_type<sc_vector_subcore>, window_params = [{transform_indices = #map}, {transform_indices = #map1}, {transform_indices = #map1}, {transform_indices = #map1}]} {
    %mul3A = arith.constant 2 : i32
    %mul3A_0 = arith.muli %arg1, %mul3A : i32
    %add3A = arith.addi %mul3A_0, %arg0 : i32
    %scan3A = arith.constant 0 : i32
    %scan3A_1 = arith.constant 64 : i32
    %scan3A_2 = arith.addi %scan3A, %scan3A_1 : i32
    %scan3A_3 = arith.constant 1 : i32
    scf.for %scan3A_47 = %scan3A to %scan3A_2 step %scan3A_3  : i32 {
      %mul3A_48 = arith.constant 1 : i32
      %mul3A_49 = arith.muli %scan3A_47, %mul3A_48 : i32
      %add3A_50 = arith.constant 0 : i32
      %add3A_51 = arith.addi %add3A_50, %mul3A_49 : i32
      %scan3A_52 = arith.constant 0 : i32
      %scan3A_53 = arith.constant 8 : i32
      %scan3A_54 = arith.addi %scan3A_52, %scan3A_53 : i32
      %scan3A_55 = arith.constant 1 : i32
      scf.for %scan3A_57 = %scan3A_52 to %scan3A_54 step %scan3A_55  : i32 {
        %mul3A_58 = arith.constant 1 : i32
        %mul3A_59 = arith.muli %scan3A_57, %mul3A_58 : i32
        %add3A_60 = arith.constant 0 : i32
        %add3A_61 = arith.addi %add3A_60, %mul3A_59 : i32
        %broadcast_in_dim3A = arith.constant 0.000000e+00 : f32
        %broadcast_in_dim3A_62 = vector.broadcast %broadcast_in_dim3A : f32 to vector<16xf32>
        %mul3A_63 = arith.constant 16 : i32
        %mul3A_64 = arith.muli %add3A_61, %mul3A_63 : i32
        %swap3A = arith.index_cast %add3A_51 : i32 to index
        %swap3A_65 = arith.index_cast %mul3A_64 : i32 to index
        %swap3A_66 = tpu.vector_load %arg9[%swap3A, %swap3A_65] {strides = array<i32>} : memref<64x128xf32, #tpu.memory_space<vmem>>, vector<1x16xf32>,
        %swap3A_67 = vector.shape_cast %swap3A_66 : vector<1x16xf32> to vector<16xf32>
        %swap3A_68 = vector.shape_cast %broadcast_in_dim3A_62 : vector<16xf32> to vector<1x16xf32>
        tpu.vector_store %arg9[%swap3A, %swap3A_65], %swap3A_68 {strides = array<i32>} : memref<64x128xf32, #tpu.memory_space<vmem>>, vector<1x16xf32>,
      }
      %scan3A_56 = arith.constant 8 : i32
    }
    %scan3A_4 = arith.constant 64 : i32
    "tpu.region"() ({
      %run_scoped3A_47 = tpu.sem_alloc : memref<!tpu.dma_semaphore, #tpu.memory_space<semaphore_mem>>
      %dma_start3A_48 = arith.constant 0 : i32
      %dma_start3A_49 = arith.constant 0 : i32
      %dma_start3A_50 = tpu.memref_slice %arg3[%add3A, %dma_start3A_48, %dma_start3A_49] : memref<32x125x80xi32, #tpu.memory_space<hbm>> -> memref<1x125x80xi32, #tpu.memory_space<hbm>>
      %dma_start3A_51 = tpu.memref_squeeze %dma_start3A_50 : memref<1x125x80xi32, #tpu.memory_space<hbm>> -> memref<125x80xi32, #tpu.memory_space<hbm>>
      %dma_start3A_52 = arith.constant 0 : i32
      %dma_start3A_53 = arith.constant 0 : i32
      %dma_start3A_54 = tpu.memref_slice %arg3[%add3A, %dma_start3A_52, %dma_start3A_53] : memref<32x125x80xi32, #tpu.memory_space<hbm>> -> memref<1x125x80xi32, #tpu.memory_space<hbm>>
      %dma_start3A_55 = tpu.memref_squeeze %dma_start3A_54 : memref<1x125x80xi32, #tpu.memory_space<hbm>> -> memref<125x80xi32, #tpu.memory_space<hbm>>
      tpu.enqueue_dma source(%dma_start3A_55 : memref<125x80xi32, #tpu.memory_space<hbm>>) target(%arg6 : memref<125x80xi32, #tpu.memory_space<vmem>>) target_semaphore(%run_scoped3A_47 : memref<!tpu.dma_semaphore, #tpu.memory_space<semaphore_mem>>)
      %dma_wait3A_56 = arith.constant 0 : i32
      %dma_wait3A_57 = arith.constant 0 : i32
      %dma_wait3A_58 = tpu.memref_slice %arg3[%add3A, %dma_wait3A_56, %dma_wait3A_57] : memref<32x125x80xi32, #tpu.memory_space<hbm>> -> memref<1x125x80xi32, #tpu.memory_space<hbm>>
      %dma_wait3A_59 = tpu.memref_squeeze %dma_wait3A_58 : memref<1x125x80xi32, #tpu.memory_space<hbm>> -> memref<125x80xi32, #tpu.memory_space<hbm>>
      %dma_wait3A_60 = arith.constant 0 : i32
      %dma_wait3A_61 = arith.constant 0 : i32
      %dma_wait3A_62 = tpu.memref_slice %arg3[%add3A, %dma_wait3A_60, %dma_wait3A_61] : memref<32x125x80xi32, #tpu.memory_space<hbm>> -> memref<1x125x80xi32, #tpu.memory_space<hbm>>
      %dma_wait3A_63 = tpu.memref_squeeze %dma_wait3A_62 : memref<1x125x80xi32, #tpu.memory_space<hbm>> -> memref<125x80xi32, #tpu.memory_space<hbm>>
      tpu.wait_dma2 semaphore(%run_scoped3A_47 : memref<!tpu.dma_semaphore, #tpu.memory_space<semaphore_mem>>) src(%dma_wait3A_63 : memref<125x80xi32, #tpu.memory_space<hbm>>) dst(%arg6 : memref<125x80xi32, #tpu.memory_space<vmem>>)
      tpu.yield
    }) : () -> ()
    "tpu.region"() ({
      %run_scoped3A_47 = tpu.sem_alloc : memref<!tpu.dma_semaphore, #tpu.memory_space<semaphore_mem>>
      %dma_start3A_48 = arith.constant 0 : i32
      %dma_start3A_49 = arith.constant 0 : i32
      %dma_start3A_50 = tpu.memref_slice %arg4[%add3A, %dma_start3A_48, %dma_start3A_49] : memref<32x125x80xi32, #tpu.memory_space<hbm>> -> memref<1x125x80xi32, #tpu.memory_space<hbm>>
      %dma_start3A_51 = tpu.memref_squeeze %dma_start3A_50 : memref<1x125x80xi32, #tpu.memory_space<hbm>> -> memref<125x80xi32, #tpu.memory_space<hbm>>
      %dma_start3A_52 = arith.constant 0 : i32
      %dma_start3A_53 = arith.constant 0 : i32
      %dma_start3A_54 = tpu.memref_slice %arg4[%add3A, %dma_start3A_52, %dma_start3A_53] : memref<32x125x80xi32, #tpu.memory_space<hbm>> -> memref<1x125x80xi32, #tpu.memory_space<hbm>>
      %dma_start3A_55 = tpu.memref_squeeze %dma_start3A_54 : memref<1x125x80xi32, #tpu.memory_space<hbm>> -> memref<125x80xi32, #tpu.memory_space<hbm>>
      tpu.enqueue_dma source(%dma_start3A_55 : memref<125x80xi32, #tpu.memory_space<hbm>>) target(%arg7 : memref<125x80xi32, #tpu.memory_space<vmem>>) target_semaphore(%run_scoped3A_47 : memref<!tpu.dma_semaphore, #tpu.memory_space<semaphore_mem>>)
      %dma_wait3A_56 = arith.constant 0 : i32
      %dma_wait3A_57 = arith.constant 0 : i32
      %dma_wait3A_58 = tpu.memref_slice %arg4[%add3A, %dma_wait3A_56, %dma_wait3A_57] : memref<32x125x80xi32, #tpu.memory_space<hbm>> -> memref<1x125x80xi32, #tpu.memory_space<hbm>>
      %dma_wait3A_59 = tpu.memref_squeeze %dma_wait3A_58 : memref<1x125x80xi32, #tpu.memory_space<hbm>> -> memref<125x80xi32, #tpu.memory_space<hbm>>
      %dma_wait3A_60 = arith.constant 0 : i32
      %dma_wait3A_61 = arith.constant 0 : i32
      %dma_wait3A_62 = tpu.memref_slice %arg4[%add3A, %dma_wait3A_60, %dma_wait3A_61] : memref<32x125x80xi32, #tpu.memory_space<hbm>> -> memref<1x125x80xi32, #tpu.memory_space<hbm>>
      %dma_wait3A_63 = tpu.memref_squeeze %dma_wait3A_62 : memref<1x125x80xi32, #tpu.memory_space<hbm>> -> memref<125x80xi32, #tpu.memory_space<hbm>>
      tpu.wait_dma2 semaphore(%run_scoped3A_47 : memref<!tpu.dma_semaphore, #tpu.memory_space<semaphore_mem>>) src(%dma_wait3A_63 : memref<125x80xi32, #tpu.memory_space<hbm>>) dst(%arg7 : memref<125x80xi32, #tpu.memory_space<vmem>>)
      tpu.yield
    }) : () -> ()
    %scan3A_5 = arith.constant 0 : i32
    %scan3A_6 = arith.constant 9 : i32
    %scan3A_7 = arith.addi %scan3A_5, %scan3A_6 : i32
    %scan3A_8 = arith.constant 1 : i32
    scf.for %scan3A_47 = %scan3A_5 to %scan3A_7 step %scan3A_8  : i32 {
      %mul3A_48 = arith.constant 1 : i32
      %mul3A_49 = arith.muli %scan3A_47, %mul3A_48 : i32
      %add3A_50 = arith.constant 0 : i32
      %add3A_51 = arith.addi %add3A_50, %mul3A_49 : i32
      %mul3A_52 = arith.constant 632 : i32
      %mul3A_53 = arith.muli %arg1, %mul3A_52 : i32
      %mul3A_54 = arith.constant 64 : i32
      %mul3A_55 = arith.muli %add3A_51, %mul3A_54 : i32
      %add3A_56 = arith.addi %mul3A_53, %mul3A_55 : i32
      "tpu.region"() ({
        %run_scoped3A_57 = tpu.sem_alloc : memref<!tpu.dma_semaphore, #tpu.memory_space<semaphore_mem>>
        %dma_start3A_58 = arith.constant 0 : i32
        %dma_start3A_59 = tpu.memref_slice %arg10[%add3A_56, %dma_start3A_58] : memref<10112x128xf32, #tpu.memory_space<vmem_shared>> -> memref<64x128xf32, #tpu.memory_space<vmem_shared>>
        %dma_start3A_60 = arith.constant 0 : i32
        %dma_start3A_61 = tpu.memref_slice %arg10[%add3A_56, %dma_start3A_60] : memref<10112x128xf32, #tpu.memory_space<vmem_shared>> -> memref<64x128xf32, #tpu.memory_space<vmem_shared>>
        tpu.enqueue_dma source(%arg9 : memref<64x128xf32, #tpu.memory_space<vmem>>) target(%dma_start3A_61 : memref<64x128xf32, #tpu.memory_space<vmem_shared>>) target_semaphore(%run_scoped3A_57 : memref<!tpu.dma_semaphore, #tpu.memory_space<semaphore_mem>>)
        %dma_wait3A_62 = arith.constant 0 : i32
        %dma_wait3A_63 = tpu.memref_slice %arg10[%add3A_56, %dma_wait3A_62] : memref<10112x128xf32, #tpu.memory_space<vmem_shared>> -> memref<64x128xf32, #tpu.memory_space<vmem_shared>>
        %dma_wait3A_64 = arith.constant 0 : i32
        %dma_wait3A_65 = tpu.memref_slice %arg10[%add3A_56, %dma_wait3A_64] : memref<10112x128xf32, #tpu.memory_space<vmem_shared>> -> memref<64x128xf32, #tpu.memory_space<vmem_shared>>
        tpu.wait_dma2 semaphore(%run_scoped3A_57 : memref<!tpu.dma_semaphore, #tpu.memory_space<semaphore_mem>>) src(%arg9 : memref<64x128xf32, #tpu.memory_space<vmem>>) dst(%dma_wait3A_65 : memref<64x128xf32, #tpu.memory_space<vmem_shared>>)
        tpu.yield
      }) : () -> ()
    }
    %scan3A_9 = arith.constant 9 : i32
    %mul3A_10 = arith.constant 632 : i32
    %mul3A_11 = arith.muli %arg1, %mul3A_10 : i32
    %add3A_12 = arith.constant 576 : i32
    %add3A_13 = arith.addi %mul3A_11, %add3A_12 : i32
    "tpu.region"() ({
      %run_scoped3A_47 = tpu.sem_alloc : memref<!tpu.dma_semaphore, #tpu.memory_space<semaphore_mem>>
      %dma_start3A_48 = arith.constant 0 : i32
      %dma_start3A_49 = arith.constant 0 : i32
      %dma_start3A_50 = tpu.memref_slice %arg9[%dma_start3A_48, %dma_start3A_49] : memref<64x128xf32, #tpu.memory_space<vmem>> -> memref<56x128xf32, #tpu.memory_space<vmem>>
      %dma_start3A_51 = arith.constant 0 : i32
      %dma_start3A_52 = tpu.memref_slice %arg10[%add3A_13, %dma_start3A_51] : memref<10112x128xf32, #tpu.memory_space<vmem_shared>> -> memref<56x128xf32, #tpu.memory_space<vmem_shared>>
      %dma_start3A_53 = arith.constant 0 : i32
      %dma_start3A_54 = tpu.memref_slice %arg10[%add3A_13, %dma_start3A_53] : memref<10112x128xf32, #tpu.memory_space<vmem_shared>> -> memref<56x128xf32, #tpu.memory_space<vmem_shared>>
      %dma_start3A_55 = arith.constant 0 : i32
      %dma_start3A_56 = arith.constant 0 : i32
      %dma_start3A_57 = tpu.memref_slice %arg9[%dma_start3A_55, %dma_start3A_56] : memref<64x128xf32, #tpu.memory_space<vmem>> -> memref<56x128xf32, #tpu.memory_space<vmem>>
      tpu.enqueue_dma source(%dma_start3A_57 : memref<56x128xf32, #tpu.memory_space<vmem>>) target(%dma_start3A_54 : memref<56x128xf32, #tpu.memory_space<vmem_shared>>) target_semaphore(%run_scoped3A_47 : memref<!tpu.dma_semaphore, #tpu.memory_space<semaphore_mem>>)
      %dma_wait3A_58 = arith.constant 0 : i32
      %dma_wait3A_59 = arith.constant 0 : i32
      %dma_wait3A_60 = tpu.memref_slice %arg9[%dma_wait3A_58, %dma_wait3A_59] : memref<64x128xf32, #tpu.memory_space<vmem>> -> memref<56x128xf32, #tpu.memory_space<vmem>>
      %dma_wait3A_61 = arith.constant 0 : i32
      %dma_wait3A_62 = tpu.memref_slice %arg10[%add3A_13, %dma_wait3A_61] : memref<10112x128xf32, #tpu.memory_space<vmem_shared>> -> memref<56x128xf32, #tpu.memory_space<vmem_shared>>
      %dma_wait3A_63 = arith.constant 0 : i32
      %dma_wait3A_64 = tpu.memref_slice %arg10[%add3A_13, %dma_wait3A_63] : memref<10112x128xf32, #tpu.memory_space<vmem_shared>> -> memref<56x128xf32, #tpu.memory_space<vmem_shared>>
      %dma_wait3A_65 = arith.constant 0 : i32
      %dma_wait3A_66 = arith.constant 0 : i32
      %dma_wait3A_67 = tpu.memref_slice %arg9[%dma_wait3A_65, %dma_wait3A_66] : memref<64x128xf32, #tpu.memory_space<vmem>> -> memref<56x128xf32, #tpu.memory_space<vmem>>
      tpu.wait_dma2 semaphore(%run_scoped3A_47 : memref<!tpu.dma_semaphore, #tpu.memory_space<semaphore_mem>>) src(%dma_wait3A_67 : memref<56x128xf32, #tpu.memory_space<vmem>>) dst(%dma_wait3A_64 : memref<56x128xf32, #tpu.memory_space<vmem_shared>>)
      tpu.yield
    }) : () -> ()
    %barrier3A = arith.constant 0 : index
    tpu.barrier barrier_id(%barrier3A)
    %dma_start3A = arith.constant 0 : i32
    %dma_start3A_14 = arith.constant 0 : i32
    %dma_start3A_15 = arith.constant 0 : i32
    %dma_start3A_16 = arith.constant 0 : i32
    %dma_start3A_17 = tpu.memref_slice %arg8[%dma_start3A_14, %dma_start3A_15, %dma_start3A_16] : memref<2x80x128xf32, #tpu.memory_space<vmem>> -> memref<1x80x128xf32, #tpu.memory_space<vmem>>
    %dma_start3A_18 = tpu.memref_squeeze %dma_start3A_17 : memref<1x80x128xf32, #tpu.memory_space<vmem>> -> memref<80x128xf32, #tpu.memory_space<vmem>>
    %dma_start3A_19 = arith.constant 0 : i32
    %dma_start3A_20 = tpu.memref_slice %arg6[%dma_start3A, %dma_start3A_19] : memref<125x80xi32, #tpu.memory_space<vmem>> -> memref<1x80xi32, #tpu.memory_space<vmem>>
    %dma_start3A_21 = tpu.memref_squeeze %dma_start3A_20 : memref<1x80xi32, #tpu.memory_space<vmem>> -> memref<80xi32, #tpu.memory_space<vmem>>
    %dma_start3A_22 = arith.constant 0 : i32
    %dma_start3A_23 = arith.constant 0 : i32
    %dma_start3A_24 = tpu.memref_slice %arg2[%dma_start3A_22, %dma_start3A_23] : memref<10000x128xf32, #tpu.memory_space<hbm>> -> memref<10000x128xf32, #tpu.memory_space<hbm>>
    tpu.enqueue_indirect_dma source(%dma_start3A_24 : memref<10000x128xf32, #tpu.memory_space<hbm>>) target(%dma_start3A_18 : memref<80x128xf32, #tpu.memory_space<vmem>>) offsets(%dma_start3A_21 : memref<80xi32, #tpu.memory_space<vmem>>) semaphore(%arg11 : memref<!tpu.dma_semaphore, #tpu.memory_space<semaphore_mem>>)
    %scan3A_25 = arith.constant 0 : i32
    %scan3A_26 = arith.constant 62 : i32
    %scan3A_27 = arith.addi %scan3A_25, %scan3A_26 : i32
    %scan3A_28 = arith.constant 1 : i32
    scf.for %scan3A_47 = %scan3A_25 to %scan3A_27 step %scan3A_28  : i32 {
      %mul3A_48 = arith.constant 1 : i32
      %mul3A_49 = arith.muli %scan3A_47, %mul3A_48 : i32
      %add3A_50 = arith.constant 0 : i32
      %add3A_51 = arith.addi %add3A_50, %mul3A_49 : i32
      %mul3A_52 = arith.constant 2 : i32
      %mul3A_53 = arith.muli %mul3A_52, %add3A_51 : i32
      %add3A_54 = arith.constant 1 : i32
      %add3A_55 = arith.addi %mul3A_53, %add3A_54 : i32
      %dma_start3A_56 = arith.constant 1 : i32
      %dma_start3A_57 = arith.constant 0 : i32
      %dma_start3A_58 = arith.constant 0 : i32
      %dma_start3A_59 = tpu.memref_slice %arg8[%dma_start3A_56, %dma_start3A_57, %dma_start3A_58] : memref<2x80x128xf32, #tpu.memory_space<vmem>> -> memref<1x80x128xf32, #tpu.memory_space<vmem>>
      %dma_start3A_60 = tpu.memref_squeeze %dma_start3A_59 : memref<1x80x128xf32, #tpu.memory_space<vmem>> -> memref<80x128xf32, #tpu.memory_space<vmem>>
      %dma_start3A_61 = arith.constant 0 : i32
      %dma_start3A_62 = tpu.memref_slice %arg6[%add3A_55, %dma_start3A_61] : memref<125x80xi32, #tpu.memory_space<vmem>> -> memref<1x80xi32, #tpu.memory_space<vmem>>
      %dma_start3A_63 = tpu.memref_squeeze %dma_start3A_62 : memref<1x80xi32, #tpu.memory_space<vmem>> -> memref<80xi32, #tpu.memory_space<vmem>>
      %dma_start3A_64 = arith.constant 0 : i32
      %dma_start3A_65 = arith.constant 0 : i32
      %dma_start3A_66 = tpu.memref_slice %arg2[%dma_start3A_64, %dma_start3A_65] : memref<10000x128xf32, #tpu.memory_space<hbm>> -> memref<10000x128xf32, #tpu.memory_space<hbm>>
      tpu.enqueue_indirect_dma source(%dma_start3A_66 : memref<10000x128xf32, #tpu.memory_space<hbm>>) target(%dma_start3A_60 : memref<80x128xf32, #tpu.memory_space<vmem>>) offsets(%dma_start3A_63 : memref<80xi32, #tpu.memory_space<vmem>>) semaphore(%arg12 : memref<!tpu.dma_semaphore, #tpu.memory_space<semaphore_mem>>)
      %dma_wait3A_67 = arith.constant 0 : i32
      %dma_wait3A_68 = arith.constant 0 : i32
      %dma_wait3A_69 = arith.constant 0 : i32
      %dma_wait3A_70 = tpu.memref_slice %arg8[%dma_wait3A_67, %dma_wait3A_68, %dma_wait3A_69] : memref<2x80x128xf32, #tpu.memory_space<vmem>> -> memref<1x80x128xf32, #tpu.memory_space<vmem>>
      %dma_wait3A_71 = tpu.memref_squeeze %dma_wait3A_70 : memref<1x80x128xf32, #tpu.memory_space<vmem>> -> memref<80x128xf32, #tpu.memory_space<vmem>>
      %dma_wait3A_72 = arith.constant 0 : i32
      %dma_wait3A_73 = tpu.memref_slice %arg6[%mul3A_53, %dma_wait3A_72] : memref<125x80xi32, #tpu.memory_space<vmem>> -> memref<1x80xi32, #tpu.memory_space<vmem>>
      %dma_wait3A_74 = tpu.memref_squeeze %dma_wait3A_73 : memref<1x80xi32, #tpu.memory_space<vmem>> -> memref<80xi32, #tpu.memory_space<vmem>>
      %dma_wait3A_75 = arith.constant 0 : i32
      %dma_wait3A_76 = arith.constant 0 : i32
      %dma_wait3A_77 = tpu.memref_slice %arg2[%dma_wait3A_75, %dma_wait3A_76] : memref<10000x128xf32, #tpu.memory_space<hbm>> -> memref<10000x128xf32, #tpu.memory_space<hbm>>
      tpu.wait_indirect_dma semaphore(%arg11 : memref<!tpu.dma_semaphore, #tpu.memory_space<semaphore_mem>>) src(%dma_wait3A_77 : memref<10000x128xf32, #tpu.memory_space<hbm>>) dst(%dma_wait3A_71 : memref<80x128xf32, #tpu.memory_space<vmem>>)
      %run_scoped3A_78 = arith.constant 0 : i32
      "tpu.region"() ({
        %run_scoped3A_108 = tpu.sem_alloc : memref<!tpu.dma_semaphore, #tpu.memory_space<semaphore_mem>>
        %dma_start3A_109 = arith.constant 0 : i32
        %dma_start3A_110 = arith.constant 0 : i32
        %dma_start3A_111 = tpu.memref_slice %arg8[%run_scoped3A_78, %dma_start3A_109, %dma_start3A_110] : memref<2x80x128xf32, #tpu.memory_space<vmem>> -> memref<1x80x128xf32, #tpu.memory_space<vmem>>
        %dma_start3A_112 = tpu.memref_squeeze %dma_start3A_111 : memref<1x80x128xf32, #tpu.memory_space<vmem>> -> memref<80x128xf32, #tpu.memory_space<vmem>>
        %dma_start3A_113 = arith.constant 0 : i32
        %dma_start3A_114 = tpu.memref_slice %arg7[%mul3A_53, %dma_start3A_113] : memref<125x80xi32, #tpu.memory_space<vmem>> -> memref<1x80xi32, #tpu.memory_space<vmem>>
        %dma_start3A_115 = tpu.memref_squeeze %dma_start3A_114 : memref<1x80xi32, #tpu.memory_space<vmem>> -> memref<80xi32, #tpu.memory_space<vmem>>
        %dma_start3A_116 = arith.constant 0 : i32
        %dma_start3A_117 = arith.constant 0 : i32
        %dma_start3A_118 = tpu.memref_slice %arg10[%dma_start3A_116, %dma_start3A_117] : memref<10112x128xf32, #tpu.memory_space<vmem_shared>> -> memref<10112x128xf32, #tpu.memory_space<vmem_shared>>
        tpu.enqueue_indirect_dma source(%dma_start3A_112 : memref<80x128xf32, #tpu.memory_space<vmem>>) target(%dma_start3A_118 : memref<10112x128xf32, #tpu.memory_space<vmem_shared>>) offsets(%dma_start3A_115 : memref<80xi32, #tpu.memory_space<vmem>>) semaphore(%run_scoped3A_108 : memref<!tpu.dma_semaphore, #tpu.memory_space<semaphore_mem>>) {add = true}
        %dma_wait3A_119 = arith.constant 0 : i32
        %dma_wait3A_120 = arith.constant 0 : i32
        %dma_wait3A_121 = tpu.memref_slice %arg8[%run_scoped3A_78, %dma_wait3A_119, %dma_wait3A_120] : memref<2x80x128xf32, #tpu.memory_space<vmem>> -> memref<1x80x128xf32, #tpu.memory_space<vmem>>
        %dma_wait3A_122 = tpu.memref_squeeze %dma_wait3A_121 : memref<1x80x128xf32, #tpu.memory_space<vmem>> -> memref<80x128xf32, #tpu.memory_space<vmem>>
        %dma_wait3A_123 = arith.constant 0 : i32
        %dma_wait3A_124 = tpu.memref_slice %arg7[%mul3A_53, %dma_wait3A_123] : memref<125x80xi32, #tpu.memory_space<vmem>> -> memref<1x80xi32, #tpu.memory_space<vmem>>
        %dma_wait3A_125 = tpu.memref_squeeze %dma_wait3A_124 : memref<1x80xi32, #tpu.memory_space<vmem>> -> memref<80xi32, #tpu.memory_space<vmem>>
        %dma_wait3A_126 = arith.constant 0 : i32
        %dma_wait3A_127 = arith.constant 0 : i32
        %dma_wait3A_128 = tpu.memref_slice %arg10[%dma_wait3A_126, %dma_wait3A_127] : memref<10112x128xf32, #tpu.memory_space<vmem_shared>> -> memref<10112x128xf32, #tpu.memory_space<vmem_shared>>
        tpu.wait_indirect_dma semaphore(%run_scoped3A_108 : memref<!tpu.dma_semaphore, #tpu.memory_space<semaphore_mem>>) src(%dma_wait3A_122 : memref<80x128xf32, #tpu.memory_space<vmem>>) dst(%dma_wait3A_128 : memref<10112x128xf32, #tpu.memory_space<vmem_shared>>)
        tpu.yield
      }) : () -> ()
      %add3A_79 = arith.constant 2 : i32
      %add3A_80 = arith.addi %mul3A_53, %add3A_79 : i32
      %dma_start3A_81 = arith.constant 0 : i32
      %dma_start3A_82 = arith.constant 0 : i32
      %dma_start3A_83 = arith.constant 0 : i32
      %dma_start3A_84 = tpu.memref_slice %arg8[%dma_start3A_81, %dma_start3A_82, %dma_start3A_83] : memref<2x80x128xf32, #tpu.memory_space<vmem>> -> memref<1x80x128xf32, #tpu.memory_space<vmem>>
      %dma_start3A_85 = tpu.memref_squeeze %dma_start3A_84 : memref<1x80x128xf32, #tpu.memory_space<vmem>> -> memref<80x128xf32, #tpu.memory_space<vmem>>
      %dma_start3A_86 = arith.constant 0 : i32
      %dma_start3A_87 = tpu.memref_slice %arg6[%add3A_80, %dma_start3A_86] : memref<125x80xi32, #tpu.memory_space<vmem>> -> memref<1x80xi32, #tpu.memory_space<vmem>>
      %dma_start3A_88 = tpu.memref_squeeze %dma_start3A_87 : memref<1x80xi32, #tpu.memory_space<vmem>> -> memref<80xi32, #tpu.memory_space<vmem>>
      %dma_start3A_89 = arith.constant 0 : i32
      %dma_start3A_90 = arith.constant 0 : i32
      %dma_start3A_91 = tpu.memref_slice %arg2[%dma_start3A_89, %dma_start3A_90] : memref<10000x128xf32, #tpu.memory_space<hbm>> -> memref<10000x128xf32, #tpu.memory_space<hbm>>
      tpu.enqueue_indirect_dma source(%dma_start3A_91 : memref<10000x128xf32, #tpu.memory_space<hbm>>) target(%dma_start3A_85 : memref<80x128xf32, #tpu.memory_space<vmem>>) offsets(%dma_start3A_88 : memref<80xi32, #tpu.memory_space<vmem>>) semaphore(%arg11 : memref<!tpu.dma_semaphore, #tpu.memory_space<semaphore_mem>>)
      %add3A_92 = arith.constant 1 : i32
      %add3A_93 = arith.addi %mul3A_53, %add3A_92 : i32
      %dma_wait3A_94 = arith.constant 1 : i32
      %dma_wait3A_95 = arith.constant 0 : i32
      %dma_wait3A_96 = arith.constant 0 : i32
      %dma_wait3A_97 = tpu.memref_slice %arg8[%dma_wait3A_94, %dma_wait3A_95, %dma_wait3A_96] : memref<2x80x128xf32, #tpu.memory_space<vmem>> -> memref<1x80x128xf32, #tpu.memory_space<vmem>>
      %dma_wait3A_98 = tpu.memref_squeeze %dma_wait3A_97 : memref<1x80x128xf32, #tpu.memory_space<vmem>> -> memref<80x128xf32, #tpu.memory_space<vmem>>
      %dma_wait3A_99 = arith.constant 0 : i32
      %dma_wait3A_100 = tpu.memref_slice %arg6[%add3A_93, %dma_wait3A_99] : memref<125x80xi32, #tpu.memory_space<vmem>> -> memref<1x80xi32, #tpu.memory_space<vmem>>
      %dma_wait3A_101 = tpu.memref_squeeze %dma_wait3A_100 : memref<1x80xi32, #tpu.memory_space<vmem>> -> memref<80xi32, #tpu.memory_space<vmem>>
      %dma_wait3A_102 = arith.constant 0 : i32
      %dma_wait3A_103 = arith.constant 0 : i32
      %dma_wait3A_104 = tpu.memref_slice %arg2[%dma_wait3A_102, %dma_wait3A_103] : memref<10000x128xf32, #tpu.memory_space<hbm>> -> memref<10000x128xf32, #tpu.memory_space<hbm>>
      tpu.wait_indirect_dma semaphore(%arg12 : memref<!tpu.dma_semaphore, #tpu.memory_space<semaphore_mem>>) src(%dma_wait3A_104 : memref<10000x128xf32, #tpu.memory_space<hbm>>) dst(%dma_wait3A_98 : memref<80x128xf32, #tpu.memory_space<vmem>>)
      %add3A_105 = arith.constant 1 : i32
      %add3A_106 = arith.addi %mul3A_53, %add3A_105 : i32
      %run_scoped3A_107 = arith.constant 1 : i32
      "tpu.region"() ({
        %run_scoped3A_108 = tpu.sem_alloc : memref<!tpu.dma_semaphore, #tpu.memory_space<semaphore_mem>>
        %dma_start3A_109 = arith.constant 0 : i32
        %dma_start3A_110 = arith.constant 0 : i32
        %dma_start3A_111 = tpu.memref_slice %arg8[%run_scoped3A_107, %dma_start3A_109, %dma_start3A_110] : memref<2x80x128xf32, #tpu.memory_space<vmem>> -> memref<1x80x128xf32, #tpu.memory_space<vmem>>
        %dma_start3A_112 = tpu.memref_squeeze %dma_start3A_111 : memref<1x80x128xf32, #tpu.memory_space<vmem>> -> memref<80x128xf32, #tpu.memory_space<vmem>>
        %dma_start3A_113 = arith.constant 0 : i32
        %dma_start3A_114 = tpu.memref_slice %arg7[%add3A_106, %dma_start3A_113] : memref<125x80xi32, #tpu.memory_space<vmem>> -> memref<1x80xi32, #tpu.memory_space<vmem>>
        %dma_start3A_115 = tpu.memref_squeeze %dma_start3A_114 : memref<1x80xi32, #tpu.memory_space<vmem>> -> memref<80xi32, #tpu.memory_space<vmem>>
        %dma_start3A_116 = arith.constant 0 : i32
        %dma_start3A_117 = arith.constant 0 : i32
        %dma_start3A_118 = tpu.memref_slice %arg10[%dma_start3A_116, %dma_start3A_117] : memref<10112x128xf32, #tpu.memory_space<vmem_shared>> -> memref<10112x128xf32, #tpu.memory_space<vmem_shared>>
        tpu.enqueue_indirect_dma source(%dma_start3A_112 : memref<80x128xf32, #tpu.memory_space<vmem>>) target(%dma_start3A_118 : memref<10112x128xf32, #tpu.memory_space<vmem_shared>>) offsets(%dma_start3A_115 : memref<80xi32, #tpu.memory_space<vmem>>) semaphore(%run_scoped3A_108 : memref<!tpu.dma_semaphore, #tpu.memory_space<semaphore_mem>>) {add = true}
        %dma_wait3A_119 = arith.constant 0 : i32
        %dma_wait3A_120 = arith.constant 0 : i32
        %dma_wait3A_121 = tpu.memref_slice %arg8[%run_scoped3A_107, %dma_wait3A_119, %dma_wait3A_120] : memref<2x80x128xf32, #tpu.memory_space<vmem>> -> memref<1x80x128xf32, #tpu.memory_space<vmem>>
        %dma_wait3A_122 = tpu.memref_squeeze %dma_wait3A_121 : memref<1x80x128xf32, #tpu.memory_space<vmem>> -> memref<80x128xf32, #tpu.memory_space<vmem>>
        %dma_wait3A_123 = arith.constant 0 : i32
        %dma_wait3A_124 = tpu.memref_slice %arg7[%add3A_106, %dma_wait3A_123] : memref<125x80xi32, #tpu.memory_space<vmem>> -> memref<1x80xi32, #tpu.memory_space<vmem>>
        %dma_wait3A_125 = tpu.memref_squeeze %dma_wait3A_124 : memref<1x80xi32, #tpu.memory_space<vmem>> -> memref<80xi32, #tpu.memory_space<vmem>>
        %dma_wait3A_126 = arith.constant 0 : i32
        %dma_wait3A_127 = arith.constant 0 : i32
        %dma_wait3A_128 = tpu.memref_slice %arg10[%dma_wait3A_126, %dma_wait3A_127] : memref<10112x128xf32, #tpu.memory_space<vmem_shared>> -> memref<10112x128xf32, #tpu.memory_space<vmem_shared>>
        tpu.wait_indirect_dma semaphore(%run_scoped3A_108 : memref<!tpu.dma_semaphore, #tpu.memory_space<semaphore_mem>>) src(%dma_wait3A_122 : memref<80x128xf32, #tpu.memory_space<vmem>>) dst(%dma_wait3A_128 : memref<10112x128xf32, #tpu.memory_space<vmem_shared>>)
        tpu.yield
      }) : () -> ()
    }
    %scan3A_29 = arith.constant 62 : i32
    %dma_wait3A = arith.constant 124 : i32
    %dma_wait3A_30 = arith.constant 0 : i32
    %dma_wait3A_31 = arith.constant 0 : i32
    %dma_wait3A_32 = arith.constant 0 : i32
    %dma_wait3A_33 = tpu.memref_slice %arg8[%dma_wait3A_30, %dma_wait3A_31, %dma_wait3A_32] : memref<2x80x128xf32, #tpu.memory_space<vmem>> -> memref<1x80x128xf32, #tpu.memory_space<vmem>>
    %dma_wait3A_34 = tpu.memref_squeeze %dma_wait3A_33 : memref<1x80x128xf32, #tpu.memory_space<vmem>> -> memref<80x128xf32, #tpu.memory_space<vmem>>
    %dma_wait3A_35 = arith.constant 0 : i32
    %dma_wait3A_36 = tpu.memref_slice %arg6[%dma_wait3A, %dma_wait3A_35] : memref<125x80xi32, #tpu.memory_space<vmem>> -> memref<1x80xi32, #tpu.memory_space<vmem>>
    %dma_wait3A_37 = tpu.memref_squeeze %dma_wait3A_36 : memref<1x80xi32, #tpu.memory_space<vmem>> -> memref<80xi32, #tpu.memory_space<vmem>>
    %dma_wait3A_38 = arith.constant 0 : i32
    %dma_wait3A_39 = arith.constant 0 : i32
    %dma_wait3A_40 = tpu.memref_slice %arg2[%dma_wait3A_38, %dma_wait3A_39] : memref<10000x128xf32, #tpu.memory_space<hbm>> -> memref<10000x128xf32, #tpu.memory_space<hbm>>
    tpu.wait_indirect_dma semaphore(%arg11 : memref<!tpu.dma_semaphore, #tpu.memory_space<semaphore_mem>>) src(%dma_wait3A_40 : memref<10000x128xf32, #tpu.memory_space<hbm>>) dst(%dma_wait3A_34 : memref<80x128xf32, #tpu.memory_space<vmem>>)
    %run_scoped3A = arith.constant 0 : i32
    %run_scoped3A_41 = arith.constant 124 : i32
    "tpu.region"() ({
      %run_scoped3A_47 = tpu.sem_alloc : memref<!tpu.dma_semaphore, #tpu.memory_space<semaphore_mem>>
      %dma_start3A_48 = arith.constant 0 : i32
      %dma_start3A_49 = arith.constant 0 : i32
      %dma_start3A_50 = tpu.memref_slice %arg8[%run_scoped3A, %dma_start3A_48, %dma_start3A_49] : memref<2x80x128xf32, #tpu.memory_space<vmem>> -> memref<1x80x128xf32, #tpu.memory_space<vmem>>
      %dma_start3A_51 = tpu.memref_squeeze %dma_start3A_50 : memref<1x80x128xf32, #tpu.memory_space<vmem>> -> memref<80x128xf32, #tpu.memory_space<vmem>>
      %dma_start3A_52 = arith.constant 0 : i32
      %dma_start3A_53 = tpu.memref_slice %arg7[%run_scoped3A_41, %dma_start3A_52] : memref<125x80xi32, #tpu.memory_space<vmem>> -> memref<1x80xi32, #tpu.memory_space<vmem>>
      %dma_start3A_54 = tpu.memref_squeeze %dma_start3A_53 : memref<1x80xi32, #tpu.memory_space<vmem>> -> memref<80xi32, #tpu.memory_space<vmem>>
      %dma_start3A_55 = arith.constant 0 : i32
      %dma_start3A_56 = arith.constant 0 : i32
      %dma_start3A_57 = tpu.memref_slice %arg10[%dma_start3A_55, %dma_start3A_56] : memref<10112x128xf32, #tpu.memory_space<vmem_shared>> -> memref<10112x128xf32, #tpu.memory_space<vmem_shared>>
      tpu.enqueue_indirect_dma source(%dma_start3A_51 : memref<80x128xf32, #tpu.memory_space<vmem>>) target(%dma_start3A_57 : memref<10112x128xf32, #tpu.memory_space<vmem_shared>>) offsets(%dma_start3A_54 : memref<80xi32, #tpu.memory_space<vmem>>) semaphore(%run_scoped3A_47 : memref<!tpu.dma_semaphore, #tpu.memory_space<semaphore_mem>>) {add = true}
      %dma_wait3A_58 = arith.constant 0 : i32
      %dma_wait3A_59 = arith.constant 0 : i32
      %dma_wait3A_60 = tpu.memref_slice %arg8[%run_scoped3A, %dma_wait3A_58, %dma_wait3A_59] : memref<2x80x128xf32, #tpu.memory_space<vmem>> -> memref<1x80x128xf32, #tpu.memory_space<vmem>>
      %dma_wait3A_61 = tpu.memref_squeeze %dma_wait3A_60 : memref<1x80x128xf32, #tpu.memory_space<vmem>> -> memref<80x128xf32, #tpu.memory_space<vmem>>
      %dma_wait3A_62 = arith.constant 0 : i32
      %dma_wait3A_63 = tpu.memref_slice %arg7[%run_scoped3A_41, %dma_wait3A_62] : memref<125x80xi32, #tpu.memory_space<vmem>> -> memref<1x80xi32, #tpu.memory_space<vmem>>
      %dma_wait3A_64 = tpu.memref_squeeze %dma_wait3A_63 : memref<1x80xi32, #tpu.memory_space<vmem>> -> memref<80xi32, #tpu.memory_space<vmem>>
      %dma_wait3A_65 = arith.constant 0 : i32
      %dma_wait3A_66 = arith.constant 0 : i32
      %dma_wait3A_67 = tpu.memref_slice %arg10[%dma_wait3A_65, %dma_wait3A_66] : memref<10112x128xf32, #tpu.memory_space<vmem_shared>> -> memref<10112x128xf32, #tpu.memory_space<vmem_shared>>
      tpu.wait_indirect_dma semaphore(%run_scoped3A_47 : memref<!tpu.dma_semaphore, #tpu.memory_space<semaphore_mem>>) src(%dma_wait3A_61 : memref<80x128xf32, #tpu.memory_space<vmem>>) dst(%dma_wait3A_67 : memref<10112x128xf32, #tpu.memory_space<vmem_shared>>)
      tpu.yield
    }) : () -> ()
    %barrier3A_42 = arith.constant 0 : index
    tpu.barrier barrier_id(%barrier3A_42)
    %mul3A_43 = arith.constant 632 : i32
    %mul3A_44 = arith.muli %arg1, %mul3A_43 : i32
    %mul3A_45 = arith.constant 632 : i32
    %mul3A_46 = arith.muli %arg1, %mul3A_45 : i32
    "tpu.region"() ({
      %run_scoped3A_47 = tpu.sem_alloc : memref<!tpu.dma_semaphore, #tpu.memory_space<semaphore_mem>>
      %dma_start3A_48 = arith.constant 0 : i32
      %dma_start3A_49 = tpu.memref_slice %arg5[%arg0, %mul3A_46, %dma_start3A_48] : memref<2x10112x128xf32, #tpu.memory_space<hbm>> -> memref<1x632x128xf32, #tpu.memory_space<hbm>>
      %dma_start3A_50 = tpu.memref_squeeze %dma_start3A_49 : memref<1x632x128xf32, #tpu.memory_space<hbm>> -> memref<632x128xf32, #tpu.memory_space<hbm>>
      %dma_start3A_51 = arith.constant 0 : i32
      %dma_start3A_52 = tpu.memref_slice %arg10[%mul3A_44, %dma_start3A_51] : memref<10112x128xf32, #tpu.memory_space<vmem_shared>> -> memref<632x128xf32, #tpu.memory_space<vmem_shared>>
      tpu.enqueue_dma source(%dma_start3A_52 : memref<632x128xf32, #tpu.memory_space<vmem_shared>>) target(%dma_start3A_50 : memref<632x128xf32, #tpu.memory_space<hbm>>) target_semaphore(%run_scoped3A_47 : memref<!tpu.dma_semaphore, #tpu.memory_space<semaphore_mem>>)
      %dma_wait3A_53 = arith.constant 0 : i32
      %dma_wait3A_54 = tpu.memref_slice %arg5[%arg0, %mul3A_46, %dma_wait3A_53] : memref<2x10112x128xf32, #tpu.memory_space<hbm>> -> memref<1x632x128xf32, #tpu.memory_space<hbm>>
      %dma_wait3A_55 = tpu.memref_squeeze %dma_wait3A_54 : memref<1x632x128xf32, #tpu.memory_space<hbm>> -> memref<632x128xf32, #tpu.memory_space<hbm>>
      %dma_wait3A_56 = arith.constant 0 : i32
      %dma_wait3A_57 = tpu.memref_slice %arg10[%mul3A_44, %dma_wait3A_56] : memref<10112x128xf32, #tpu.memory_space<vmem_shared>> -> memref<632x128xf32, #tpu.memory_space<vmem_shared>>
      tpu.wait_dma2 semaphore(%run_scoped3A_47 : memref<!tpu.dma_semaphore, #tpu.memory_space<semaphore_mem>>) src(%dma_wait3A_57 : memref<632x128xf32, #tpu.memory_space<vmem_shared>>) dst(%dma_wait3A_55 : memref<632x128xf32, #tpu.memory_space<hbm>>)
      tpu.yield
    }) : () -> ()
    return
  }
}

#map = affine_map<(d0, d1) -> (0, 0)>
module attributes {stable_mosaic.version = 14 : i64} {
  func.func @_deg_kernel(%arg0: i32, %arg1: i32, %arg2: memref<4000x80xi32, #tpu.memory_space<hbm>>, %arg3: memref<4000x80xi32, #tpu.memory_space<hbm>>, %arg4: memref<2x10112xf32, #tpu.memory_space<hbm>>, %arg5: memref<2x10112xf32, #tpu.memory_space<hbm>>, %arg6: memref<125x80xi32, #tpu.memory_space<vmem>>, %arg7: memref<125x80xi32, #tpu.memory_space<vmem>>, %arg8: memref<80xf32, #tpu.memory_space<vmem>>, %arg9: memref<632xf32, #tpu.memory_space<vmem>>, %arg10: memref<10112xf32, #tpu.memory_space<vmem_shared>>, %arg11: memref<10112xf32, #tpu.memory_space<vmem_shared>>, %arg12: memref<!tpu.dma_semaphore, #tpu.memory_space<semaphore_mem>>) attributes {dimension_semantics = [#tpu.dimension_semantics<core_parallel>, #tpu.dimension_semantics<subcore_parallel>], iteration_bounds = array<i64: 2, 16>, scalar_prefetch = 0 : i64, scratch_operands = 7 : i64, tpu.core_type = #tpu.core_type<sc_vector_subcore>, window_params = [{transform_indices = #map}, {transform_indices = #map}, {transform_indices = #map}, {transform_indices = #map}]} {
    %mul3A = arith.constant 2 : i32
    %mul3A_0 = arith.muli %arg1, %mul3A : i32
    %add3A = arith.addi %mul3A_0, %arg0 : i32
    %mul3A_1 = arith.constant 125 : i32
    %mul3A_2 = arith.muli %add3A, %mul3A_1 : i32
    %scan3A = arith.constant 0 : i32
    %scan3A_3 = arith.constant 39 : i32
    %scan3A_4 = arith.addi %scan3A, %scan3A_3 : i32
    %scan3A_5 = arith.constant 1 : i32
    scf.for %scan3A_52 = %scan3A to %scan3A_4 step %scan3A_5  : i32 {
      %mul3A_53 = arith.constant 1 : i32
      %mul3A_54 = arith.muli %scan3A_52, %mul3A_53 : i32
      %add3A_55 = arith.constant 0 : i32
      %add3A_56 = arith.addi %add3A_55, %mul3A_54 : i32
      %broadcast_in_dim3A = arith.constant 0.000000e+00 : f32
      %broadcast_in_dim3A_57 = vector.broadcast %broadcast_in_dim3A : f32 to vector<16xf32>
      %mul3A_58 = arith.constant 16 : i32
      %mul3A_59 = arith.muli %add3A_56, %mul3A_58 : i32
      %swap3A = arith.index_cast %mul3A_59 : i32 to index
      %swap3A_60 = tpu.vector_load %arg9[%swap3A] {strides = array<i32>} : memref<632xf32, #tpu.memory_space<vmem>>, vector<16xf32>,
      %swap3A_61 = vector.shape_cast %swap3A_60 : vector<16xf32> to vector<16xf32>
      %swap3A_62 = vector.shape_cast %broadcast_in_dim3A_57 : vector<16xf32> to vector<16xf32>
      tpu.vector_store %arg9[%swap3A], %swap3A_62 {strides = array<i32>} : memref<632xf32, #tpu.memory_space<vmem>>, vector<16xf32>,
    }
    %scan3A_6 = arith.constant 39 : i32
    %scan3A_7 = arith.constant 0 : i32
    %scan3A_8 = arith.constant 5 : i32
    %scan3A_9 = arith.addi %scan3A_7, %scan3A_8 : i32
    %scan3A_10 = arith.constant 1 : i32
    scf.for %scan3A_52 = %scan3A_7 to %scan3A_9 step %scan3A_10  : i32 {
      %mul3A_53 = arith.constant 1 : i32
      %mul3A_54 = arith.muli %scan3A_52, %mul3A_53 : i32
      %add3A_55 = arith.constant 0 : i32
      %add3A_56 = arith.addi %add3A_55, %mul3A_54 : i32
      %broadcast_in_dim3A = arith.constant 1.000000e+00 : f32
      %broadcast_in_dim3A_57 = vector.broadcast %broadcast_in_dim3A : f32 to vector<16xf32>
      %mul3A_58 = arith.constant 16 : i32
      %mul3A_59 = arith.muli %add3A_56, %mul3A_58 : i32
      %swap3A = arith.index_cast %mul3A_59 : i32 to index
      %swap3A_60 = tpu.vector_load %arg8[%swap3A] {strides = array<i32>} : memref<80xf32, #tpu.memory_space<vmem>>, vector<16xf32>,
      %swap3A_61 = vector.shape_cast %swap3A_60 : vector<16xf32> to vector<16xf32>
      %swap3A_62 = vector.shape_cast %broadcast_in_dim3A_57 : vector<16xf32> to vector<16xf32>
      tpu.vector_store %arg8[%swap3A], %swap3A_62 {strides = array<i32>} : memref<80xf32, #tpu.memory_space<vmem>>, vector<16xf32>,
    }
    %scan3A_11 = arith.constant 5 : i32
    "tpu.region"() ({
      %run_scoped3A = tpu.sem_alloc : memref<!tpu.dma_semaphore, #tpu.memory_space<semaphore_mem>>
      %dma_start3A_52 = arith.constant 0 : i32
      %dma_start3A_53 = tpu.memref_slice %arg2[%mul3A_2, %dma_start3A_52] : memref<4000x80xi32, #tpu.memory_space<hbm>> -> memref<125x80xi32, #tpu.memory_space<hbm>>
      %dma_start3A_54 = arith.constant 0 : i32
      %dma_start3A_55 = tpu.memref_slice %arg2[%mul3A_2, %dma_start3A_54] : memref<4000x80xi32, #tpu.memory_space<hbm>> -> memref<125x80xi32, #tpu.memory_space<hbm>>
      tpu.enqueue_dma source(%dma_start3A_55 : memref<125x80xi32, #tpu.memory_space<hbm>>) target(%arg6 : memref<125x80xi32, #tpu.memory_space<vmem>>) target_semaphore(%run_scoped3A : memref<!tpu.dma_semaphore, #tpu.memory_space<semaphore_mem>>)
      %dma_wait3A_56 = arith.constant 0 : i32
      %dma_wait3A_57 = tpu.memref_slice %arg2[%mul3A_2, %dma_wait3A_56] : memref<4000x80xi32, #tpu.memory_space<hbm>> -> memref<125x80xi32, #tpu.memory_space<hbm>>
      %dma_wait3A_58 = arith.constant 0 : i32
      %dma_wait3A_59 = tpu.memref_slice %arg2[%mul3A_2, %dma_wait3A_58] : memref<4000x80xi32, #tpu.memory_space<hbm>> -> memref<125x80xi32, #tpu.memory_space<hbm>>
      tpu.wait_dma2 semaphore(%run_scoped3A : memref<!tpu.dma_semaphore, #tpu.memory_space<semaphore_mem>>) src(%dma_wait3A_59 : memref<125x80xi32, #tpu.memory_space<hbm>>) dst(%arg6 : memref<125x80xi32, #tpu.memory_space<vmem>>)
      tpu.yield
    }) : () -> ()
    "tpu.region"() ({
      %run_scoped3A = tpu.sem_alloc : memref<!tpu.dma_semaphore, #tpu.memory_space<semaphore_mem>>
      %dma_start3A_52 = arith.constant 0 : i32
      %dma_start3A_53 = tpu.memref_slice %arg3[%mul3A_2, %dma_start3A_52] : memref<4000x80xi32, #tpu.memory_space<hbm>> -> memref<125x80xi32, #tpu.memory_space<hbm>>
      %dma_start3A_54 = arith.constant 0 : i32
      %dma_start3A_55 = tpu.memref_slice %arg3[%mul3A_2, %dma_start3A_54] : memref<4000x80xi32, #tpu.memory_space<hbm>> -> memref<125x80xi32, #tpu.memory_space<hbm>>
      tpu.enqueue_dma source(%dma_start3A_55 : memref<125x80xi32, #tpu.memory_space<hbm>>) target(%arg7 : memref<125x80xi32, #tpu.memory_space<vmem>>) target_semaphore(%run_scoped3A : memref<!tpu.dma_semaphore, #tpu.memory_space<semaphore_mem>>)
      %dma_wait3A_56 = arith.constant 0 : i32
      %dma_wait3A_57 = tpu.memref_slice %arg3[%mul3A_2, %dma_wait3A_56] : memref<4000x80xi32, #tpu.memory_space<hbm>> -> memref<125x80xi32, #tpu.memory_space<hbm>>
      %dma_wait3A_58 = arith.constant 0 : i32
      %dma_wait3A_59 = tpu.memref_slice %arg3[%mul3A_2, %dma_wait3A_58] : memref<4000x80xi32, #tpu.memory_space<hbm>> -> memref<125x80xi32, #tpu.memory_space<hbm>>
      tpu.wait_dma2 semaphore(%run_scoped3A : memref<!tpu.dma_semaphore, #tpu.memory_space<semaphore_mem>>) src(%dma_wait3A_59 : memref<125x80xi32, #tpu.memory_space<hbm>>) dst(%arg7 : memref<125x80xi32, #tpu.memory_space<vmem>>)
      tpu.yield
    }) : () -> ()
    %mul3A_12 = arith.constant 632 : i32
    %mul3A_13 = arith.muli %arg1, %mul3A_12 : i32
    "tpu.region"() ({
      %run_scoped3A = tpu.sem_alloc : memref<!tpu.dma_semaphore, #tpu.memory_space<semaphore_mem>>
      %dma_start3A_52 = tpu.memref_slice %arg10[%mul3A_13] : memref<10112xf32, #tpu.memory_space<vmem_shared>> -> memref<632xf32, #tpu.memory_space<vmem_shared>>
      %dma_start3A_53 = tpu.memref_slice %arg10[%mul3A_13] : memref<10112xf32, #tpu.memory_space<vmem_shared>> -> memref<632xf32, #tpu.memory_space<vmem_shared>>
      tpu.enqueue_dma source(%arg9 : memref<632xf32, #tpu.memory_space<vmem>>) target(%dma_start3A_53 : memref<632xf32, #tpu.memory_space<vmem_shared>>) target_semaphore(%run_scoped3A : memref<!tpu.dma_semaphore, #tpu.memory_space<semaphore_mem>>)
      %dma_wait3A_54 = tpu.memref_slice %arg10[%mul3A_13] : memref<10112xf32, #tpu.memory_space<vmem_shared>> -> memref<632xf32, #tpu.memory_space<vmem_shared>>
      %dma_wait3A_55 = tpu.memref_slice %arg10[%mul3A_13] : memref<10112xf32, #tpu.memory_space<vmem_shared>> -> memref<632xf32, #tpu.memory_space<vmem_shared>>
      tpu.wait_dma2 semaphore(%run_scoped3A : memref<!tpu.dma_semaphore, #tpu.memory_space<semaphore_mem>>) src(%arg9 : memref<632xf32, #tpu.memory_space<vmem>>) dst(%dma_wait3A_55 : memref<632xf32, #tpu.memory_space<vmem_shared>>)
      tpu.yield
    }) : () -> ()
    %mul3A_14 = arith.constant 632 : i32
    %mul3A_15 = arith.muli %arg1, %mul3A_14 : i32
    "tpu.region"() ({
      %run_scoped3A = tpu.sem_alloc : memref<!tpu.dma_semaphore, #tpu.memory_space<semaphore_mem>>
      %dma_start3A_52 = tpu.memref_slice %arg11[%mul3A_15] : memref<10112xf32, #tpu.memory_space<vmem_shared>> -> memref<632xf32, #tpu.memory_space<vmem_shared>>
      %dma_start3A_53 = tpu.memref_slice %arg11[%mul3A_15] : memref<10112xf32, #tpu.memory_space<vmem_shared>> -> memref<632xf32, #tpu.memory_space<vmem_shared>>
      tpu.enqueue_dma source(%arg9 : memref<632xf32, #tpu.memory_space<vmem>>) target(%dma_start3A_53 : memref<632xf32, #tpu.memory_space<vmem_shared>>) target_semaphore(%run_scoped3A : memref<!tpu.dma_semaphore, #tpu.memory_space<semaphore_mem>>)
      %dma_wait3A_54 = tpu.memref_slice %arg11[%mul3A_15] : memref<10112xf32, #tpu.memory_space<vmem_shared>> -> memref<632xf32, #tpu.memory_space<vmem_shared>>
      %dma_wait3A_55 = tpu.memref_slice %arg11[%mul3A_15] : memref<10112xf32, #tpu.memory_space<vmem_shared>> -> memref<632xf32, #tpu.memory_space<vmem_shared>>
      tpu.wait_dma2 semaphore(%run_scoped3A : memref<!tpu.dma_semaphore, #tpu.memory_space<semaphore_mem>>) src(%arg9 : memref<632xf32, #tpu.memory_space<vmem>>) dst(%dma_wait3A_55 : memref<632xf32, #tpu.memory_space<vmem_shared>>)
      tpu.yield
    }) : () -> ()
    %barrier3A = arith.constant 0 : index
    tpu.barrier barrier_id(%barrier3A)
    %dma_start3A = arith.constant 0 : i32
    %dma_start3A_16 = arith.constant 0 : i32
    %dma_start3A_17 = tpu.memref_slice %arg6[%dma_start3A, %dma_start3A_16] : memref<125x80xi32, #tpu.memory_space<vmem>> -> memref<1x80xi32, #tpu.memory_space<vmem>>
    %dma_start3A_18 = tpu.memref_squeeze %dma_start3A_17 : memref<1x80xi32, #tpu.memory_space<vmem>> -> memref<80xi32, #tpu.memory_space<vmem>>
    %dma_start3A_19 = arith.constant 0 : i32
    %dma_start3A_20 = tpu.memref_slice %arg10[%dma_start3A_19] : memref<10112xf32, #tpu.memory_space<vmem_shared>> -> memref<10112xf32, #tpu.memory_space<vmem_shared>>
    tpu.enqueue_indirect_dma source(%arg8 : memref<80xf32, #tpu.memory_space<vmem>>) target(%dma_start3A_20 : memref<10112xf32, #tpu.memory_space<vmem_shared>>) offsets(%dma_start3A_18 : memref<80xi32, #tpu.memory_space<vmem>>) semaphore(%arg12 : memref<!tpu.dma_semaphore, #tpu.memory_space<semaphore_mem>>) {add = true}
    %dma_start3A_21 = arith.constant 0 : i32
    %dma_start3A_22 = arith.constant 0 : i32
    %dma_start3A_23 = tpu.memref_slice %arg7[%dma_start3A_21, %dma_start3A_22] : memref<125x80xi32, #tpu.memory_space<vmem>> -> memref<1x80xi32, #tpu.memory_space<vmem>>
    %dma_start3A_24 = tpu.memref_squeeze %dma_start3A_23 : memref<1x80xi32, #tpu.memory_space<vmem>> -> memref<80xi32, #tpu.memory_space<vmem>>
    %dma_start3A_25 = arith.constant 0 : i32
    %dma_start3A_26 = tpu.memref_slice %arg11[%dma_start3A_25] : memref<10112xf32, #tpu.memory_space<vmem_shared>> -> memref<10112xf32, #tpu.memory_space<vmem_shared>>
    tpu.enqueue_indirect_dma source(%arg8 : memref<80xf32, #tpu.memory_space<vmem>>) target(%dma_start3A_26 : memref<10112xf32, #tpu.memory_space<vmem_shared>>) offsets(%dma_start3A_24 : memref<80xi32, #tpu.memory_space<vmem>>) semaphore(%arg12 : memref<!tpu.dma_semaphore, #tpu.memory_space<semaphore_mem>>) {add = true}
    %scan3A_27 = arith.constant 0 : i32
    %scan3A_28 = arith.constant 124 : i32
    %scan3A_29 = arith.addi %scan3A_27, %scan3A_28 : i32
    %scan3A_30 = arith.constant 1 : i32
    scf.for %scan3A_52 = %scan3A_27 to %scan3A_29 step %scan3A_30  : i32 {
      %mul3A_53 = arith.constant 1 : i32
      %mul3A_54 = arith.muli %scan3A_52, %mul3A_53 : i32
      %add3A_55 = arith.constant 1 : i32
      %add3A_56 = arith.addi %add3A_55, %mul3A_54 : i32
      %dma_start3A_57 = arith.constant 0 : i32
      %dma_start3A_58 = tpu.memref_slice %arg6[%add3A_56, %dma_start3A_57] : memref<125x80xi32, #tpu.memory_space<vmem>> -> memref<1x80xi32, #tpu.memory_space<vmem>>
      %dma_start3A_59 = tpu.memref_squeeze %dma_start3A_58 : memref<1x80xi32, #tpu.memory_space<vmem>> -> memref<80xi32, #tpu.memory_space<vmem>>
      %dma_start3A_60 = arith.constant 0 : i32
      %dma_start3A_61 = tpu.memref_slice %arg10[%dma_start3A_60] : memref<10112xf32, #tpu.memory_space<vmem_shared>> -> memref<10112xf32, #tpu.memory_space<vmem_shared>>
      tpu.enqueue_indirect_dma source(%arg8 : memref<80xf32, #tpu.memory_space<vmem>>) target(%dma_start3A_61 : memref<10112xf32, #tpu.memory_space<vmem_shared>>) offsets(%dma_start3A_59 : memref<80xi32, #tpu.memory_space<vmem>>) semaphore(%arg12 : memref<!tpu.dma_semaphore, #tpu.memory_space<semaphore_mem>>) {add = true}
      %dma_start3A_62 = arith.constant 0 : i32
      %dma_start3A_63 = tpu.memref_slice %arg7[%add3A_56, %dma_start3A_62] : memref<125x80xi32, #tpu.memory_space<vmem>> -> memref<1x80xi32, #tpu.memory_space<vmem>>
      %dma_start3A_64 = tpu.memref_squeeze %dma_start3A_63 : memref<1x80xi32, #tpu.memory_space<vmem>> -> memref<80xi32, #tpu.memory_space<vmem>>
      %dma_start3A_65 = arith.constant 0 : i32
      %dma_start3A_66 = tpu.memref_slice %arg11[%dma_start3A_65] : memref<10112xf32, #tpu.memory_space<vmem_shared>> -> memref<10112xf32, #tpu.memory_space<vmem_shared>>
      tpu.enqueue_indirect_dma source(%arg8 : memref<80xf32, #tpu.memory_space<vmem>>) target(%dma_start3A_66 : memref<10112xf32, #tpu.memory_space<vmem_shared>>) offsets(%dma_start3A_64 : memref<80xi32, #tpu.memory_space<vmem>>) semaphore(%arg12 : memref<!tpu.dma_semaphore, #tpu.memory_space<semaphore_mem>>) {add = true}
      %dma_wait3A_67 = arith.constant 0 : i32
      %dma_wait3A_68 = tpu.memref_slice %arg6[%add3A_56, %dma_wait3A_67] : memref<125x80xi32, #tpu.memory_space<vmem>> -> memref<1x80xi32, #tpu.memory_space<vmem>>
      %dma_wait3A_69 = tpu.memref_squeeze %dma_wait3A_68 : memref<1x80xi32, #tpu.memory_space<vmem>> -> memref<80xi32, #tpu.memory_space<vmem>>
      %dma_wait3A_70 = arith.constant 0 : i32
      %dma_wait3A_71 = tpu.memref_slice %arg10[%dma_wait3A_70] : memref<10112xf32, #tpu.memory_space<vmem_shared>> -> memref<10112xf32, #tpu.memory_space<vmem_shared>>
      tpu.wait_indirect_dma semaphore(%arg12 : memref<!tpu.dma_semaphore, #tpu.memory_space<semaphore_mem>>) src(%arg8 : memref<80xf32, #tpu.memory_space<vmem>>) dst(%dma_wait3A_71 : memref<10112xf32, #tpu.memory_space<vmem_shared>>)
      %dma_wait3A_72 = arith.constant 0 : i32
      %dma_wait3A_73 = tpu.memref_slice %arg7[%add3A_56, %dma_wait3A_72] : memref<125x80xi32, #tpu.memory_space<vmem>> -> memref<1x80xi32, #tpu.memory_space<vmem>>
      %dma_wait3A_74 = tpu.memref_squeeze %dma_wait3A_73 : memref<1x80xi32, #tpu.memory_space<vmem>> -> memref<80xi32, #tpu.memory_space<vmem>>
      %dma_wait3A_75 = arith.constant 0 : i32
      %dma_wait3A_76 = tpu.memref_slice %arg11[%dma_wait3A_75] : memref<10112xf32, #tpu.memory_space<vmem_shared>> -> memref<10112xf32, #tpu.memory_space<vmem_shared>>
      tpu.wait_indirect_dma semaphore(%arg12 : memref<!tpu.dma_semaphore, #tpu.memory_space<semaphore_mem>>) src(%arg8 : memref<80xf32, #tpu.memory_space<vmem>>) dst(%dma_wait3A_76 : memref<10112xf32, #tpu.memory_space<vmem_shared>>)
    }
    %scan3A_31 = arith.constant 124 : i32
    %dma_wait3A = arith.constant 0 : i32
    %dma_wait3A_32 = arith.constant 0 : i32
    %dma_wait3A_33 = tpu.memref_slice %arg6[%dma_wait3A, %dma_wait3A_32] : memref<125x80xi32, #tpu.memory_space<vmem>> -> memref<1x80xi32, #tpu.memory_space<vmem>>
    %dma_wait3A_34 = tpu.memref_squeeze %dma_wait3A_33 : memref<1x80xi32, #tpu.memory_space<vmem>> -> memref<80xi32, #tpu.memory_space<vmem>>
    %dma_wait3A_35 = arith.constant 0 : i32
    %dma_wait3A_36 = tpu.memref_slice %arg10[%dma_wait3A_35] : memref<10112xf32, #tpu.memory_space<vmem_shared>> -> memref<10112xf32, #tpu.memory_space<vmem_shared>>
    tpu.wait_indirect_dma semaphore(%arg12 : memref<!tpu.dma_semaphore, #tpu.memory_space<semaphore_mem>>) src(%arg8 : memref<80xf32, #tpu.memory_space<vmem>>) dst(%dma_wait3A_36 : memref<10112xf32, #tpu.memory_space<vmem_shared>>)
    %dma_wait3A_37 = arith.constant 0 : i32
    %dma_wait3A_38 = arith.constant 0 : i32
    %dma_wait3A_39 = tpu.memref_slice %arg7[%dma_wait3A_37, %dma_wait3A_38] : memref<125x80xi32, #tpu.memory_space<vmem>> -> memref<1x80xi32, #tpu.memory_space<vmem>>
    %dma_wait3A_40 = tpu.memref_squeeze %dma_wait3A_39 : memref<1x80xi32, #tpu.memory_space<vmem>> -> memref<80xi32, #tpu.memory_space<vmem>>
    %dma_wait3A_41 = arith.constant 0 : i32
    %dma_wait3A_42 = tpu.memref_slice %arg11[%dma_wait3A_41] : memref<10112xf32, #tpu.memory_space<vmem_shared>> -> memref<10112xf32, #tpu.memory_space<vmem_shared>>
    tpu.wait_indirect_dma semaphore(%arg12 : memref<!tpu.dma_semaphore, #tpu.memory_space<semaphore_mem>>) src(%arg8 : memref<80xf32, #tpu.memory_space<vmem>>) dst(%dma_wait3A_42 : memref<10112xf32, #tpu.memory_space<vmem_shared>>)
    %barrier3A_43 = arith.constant 0 : index
    tpu.barrier barrier_id(%barrier3A_43)
    %mul3A_44 = arith.constant 632 : i32
    %mul3A_45 = arith.muli %arg1, %mul3A_44 : i32
    %mul3A_46 = arith.constant 632 : i32
    %mul3A_47 = arith.muli %arg1, %mul3A_46 : i32
    "tpu.region"() ({
      %run_scoped3A = tpu.sem_alloc : memref<!tpu.dma_semaphore, #tpu.memory_space<semaphore_mem>>
      %dma_start3A_52 = tpu.memref_slice %arg4[%arg0, %mul3A_47] : memref<2x10112xf32, #tpu.memory_space<hbm>> -> memref<1x632xf32, #tpu.memory_space<hbm>>
      %dma_start3A_53 = tpu.memref_squeeze %dma_start3A_52 : memref<1x632xf32, #tpu.memory_space<hbm>> -> memref<632xf32, #tpu.memory_space<hbm>>
      %dma_start3A_54 = tpu.memref_slice %arg10[%mul3A_45] : memref<10112xf32, #tpu.memory_space<vmem_shared>> -> memref<632xf32, #tpu.memory_space<vmem_shared>>
      tpu.enqueue_dma source(%dma_start3A_54 : memref<632xf32, #tpu.memory_space<vmem_shared>>) target(%dma_start3A_53 : memref<632xf32, #tpu.memory_space<hbm>>) target_semaphore(%run_scoped3A : memref<!tpu.dma_semaphore, #tpu.memory_space<semaphore_mem>>)
      %dma_wait3A_55 = tpu.memref_slice %arg4[%arg0, %mul3A_47] : memref<2x10112xf32, #tpu.memory_space<hbm>> -> memref<1x632xf32, #tpu.memory_space<hbm>>
      %dma_wait3A_56 = tpu.memref_squeeze %dma_wait3A_55 : memref<1x632xf32, #tpu.memory_space<hbm>> -> memref<632xf32, #tpu.memory_space<hbm>>
      %dma_wait3A_57 = tpu.memref_slice %arg10[%mul3A_45] : memref<10112xf32, #tpu.memory_space<vmem_shared>> -> memref<632xf32, #tpu.memory_space<vmem_shared>>
      tpu.wait_dma2 semaphore(%run_scoped3A : memref<!tpu.dma_semaphore, #tpu.memory_space<semaphore_mem>>) src(%dma_wait3A_57 : memref<632xf32, #tpu.memory_space<vmem_shared>>) dst(%dma_wait3A_56 : memref<632xf32, #tpu.memory_space<hbm>>)
      tpu.yield
    }) : () -> ()
    %mul3A_48 = arith.constant 632 : i32
    %mul3A_49 = arith.muli %arg1, %mul3A_48 : i32
    %mul3A_50 = arith.constant 632 : i32
    %mul3A_51 = arith.muli %arg1, %mul3A_50 : i32
    "tpu.region"() ({
      %run_scoped3A = tpu.sem_alloc : memref<!tpu.dma_semaphore, #tpu.memory_space<semaphore_mem>>
      %dma_start3A_52 = tpu.memref_slice %arg5[%arg0, %mul3A_51] : memref<2x10112xf32, #tpu.memory_space<hbm>> -> memref<1x632xf32, #tpu.memory_space<hbm>>
      %dma_start3A_53 = tpu.memref_squeeze %dma_start3A_52 : memref<1x632xf32, #tpu.memory_space<hbm>> -> memref<632xf32, #tpu.memory_space<hbm>>
      %dma_start3A_54 = tpu.memref_slice %arg11[%mul3A_49] : memref<10112xf32, #tpu.memory_space<vmem_shared>> -> memref<632xf32, #tpu.memory_space<vmem_shared>>
      tpu.enqueue_dma source(%dma_start3A_54 : memref<632xf32, #tpu.memory_space<vmem_shared>>) target(%dma_start3A_53 : memref<632xf32, #tpu.memory_space<hbm>>) target_semaphore(%run_scoped3A : memref<!tpu.dma_semaphore, #tpu.memory_space<semaphore_mem>>)
      %dma_wait3A_55 = tpu.memref_slice %arg5[%arg0, %mul3A_51] : memref<2x10112xf32, #tpu.memory_space<hbm>> -> memref<1x632xf32, #tpu.memory_space<hbm>>
      %dma_wait3A_56 = tpu.memref_squeeze %dma_wait3A_55 : memref<1x632xf32, #tpu.memory_space<hbm>> -> memref<632xf32, #tpu.memory_space<hbm>>
      %dma_wait3A_57 = tpu.memref_slice %arg11[%mul3A_49] : memref<10112xf32, #tpu.memory_space<vmem_shared>> -> memref<632xf32, #tpu.memory_space<vmem_shared>>
      tpu.wait_dma2 semaphore(%run_scoped3A : memref<!tpu.dma_semaphore, #tpu.memory_space<semaphore_mem>>) src(%dma_wait3A_57 : memref<632xf32, #tpu.memory_space<vmem_shared>>) dst(%dma_wait3A_56 : memref<632xf32, #tpu.memory_space<hbm>>)
      tpu.yield
    }) : () -> ()
    return
  }
}

#map = affine_map<(d0, d1) -> (0, 0)>
#map1 = affine_map<(d0, d1) -> (0, 0, 0)>
module attributes {stable_mosaic.version = 14 : i64} {
  func.func @_agg_kernel(%arg0: i32, %arg1: i32, %arg2: memref<10000x64xf32, #tpu.memory_space<hbm>>, %arg3: memref<32x125x80xi32, #tpu.memory_space<hbm>>, %arg4: memref<32x125x80xi32, #tpu.memory_space<hbm>>, %arg5: memref<2x10112x64xf32, #tpu.memory_space<hbm>>, %arg6: memref<125x80xi32, #tpu.memory_space<vmem>>, %arg7: memref<125x80xi32, #tpu.memory_space<vmem>>, %arg8: memref<2x80x64xf32, #tpu.memory_space<vmem>>, %arg9: memref<64x64xf32, #tpu.memory_space<vmem>>, %arg10: memref<10112x64xf32, #tpu.memory_space<vmem_shared>>, %arg11: memref<!tpu.dma_semaphore, #tpu.memory_space<semaphore_mem>>, %arg12: memref<!tpu.dma_semaphore, #tpu.memory_space<semaphore_mem>>) attributes {dimension_semantics = [#tpu.dimension_semantics<core_parallel>, #tpu.dimension_semantics<subcore_parallel>], iteration_bounds = array<i64: 2, 16>, scalar_prefetch = 0 : i64, scratch_operands = 7 : i64, tpu.core_type = #tpu.core_type<sc_vector_subcore>, window_params = [{transform_indices = #map}, {transform_indices = #map1}, {transform_indices = #map1}, {transform_indices = #map1}]} {
    %mul3A = arith.constant 2 : i32
    %mul3A_0 = arith.muli %arg1, %mul3A : i32
    %add3A = arith.addi %mul3A_0, %arg0 : i32
    %scan3A = arith.constant 0 : i32
    %scan3A_1 = arith.constant 64 : i32
    %scan3A_2 = arith.addi %scan3A, %scan3A_1 : i32
    %scan3A_3 = arith.constant 1 : i32
    scf.for %scan3A_47 = %scan3A to %scan3A_2 step %scan3A_3  : i32 {
      %mul3A_48 = arith.constant 1 : i32
      %mul3A_49 = arith.muli %scan3A_47, %mul3A_48 : i32
      %add3A_50 = arith.constant 0 : i32
      %add3A_51 = arith.addi %add3A_50, %mul3A_49 : i32
      %scan3A_52 = arith.constant 0 : i32
      %scan3A_53 = arith.constant 4 : i32
      %scan3A_54 = arith.addi %scan3A_52, %scan3A_53 : i32
      %scan3A_55 = arith.constant 1 : i32
      scf.for %scan3A_57 = %scan3A_52 to %scan3A_54 step %scan3A_55  : i32 {
        %mul3A_58 = arith.constant 1 : i32
        %mul3A_59 = arith.muli %scan3A_57, %mul3A_58 : i32
        %add3A_60 = arith.constant 0 : i32
        %add3A_61 = arith.addi %add3A_60, %mul3A_59 : i32
        %broadcast_in_dim3A = arith.constant 0.000000e+00 : f32
        %broadcast_in_dim3A_62 = vector.broadcast %broadcast_in_dim3A : f32 to vector<16xf32>
        %mul3A_63 = arith.constant 16 : i32
        %mul3A_64 = arith.muli %add3A_61, %mul3A_63 : i32
        %swap3A = arith.index_cast %add3A_51 : i32 to index
        %swap3A_65 = arith.index_cast %mul3A_64 : i32 to index
        %swap3A_66 = tpu.vector_load %arg9[%swap3A, %swap3A_65] {strides = array<i32>} : memref<64x64xf32, #tpu.memory_space<vmem>>, vector<1x16xf32>,
        %swap3A_67 = vector.shape_cast %swap3A_66 : vector<1x16xf32> to vector<16xf32>
        %swap3A_68 = vector.shape_cast %broadcast_in_dim3A_62 : vector<16xf32> to vector<1x16xf32>
        tpu.vector_store %arg9[%swap3A, %swap3A_65], %swap3A_68 {strides = array<i32>} : memref<64x64xf32, #tpu.memory_space<vmem>>, vector<1x16xf32>,
      }
      %scan3A_56 = arith.constant 4 : i32
    }
    %scan3A_4 = arith.constant 64 : i32
    "tpu.region"() ({
      %run_scoped3A_47 = tpu.sem_alloc : memref<!tpu.dma_semaphore, #tpu.memory_space<semaphore_mem>>
      %dma_start3A_48 = arith.constant 0 : i32
      %dma_start3A_49 = arith.constant 0 : i32
      %dma_start3A_50 = tpu.memref_slice %arg3[%add3A, %dma_start3A_48, %dma_start3A_49] : memref<32x125x80xi32, #tpu.memory_space<hbm>> -> memref<1x125x80xi32, #tpu.memory_space<hbm>>
      %dma_start3A_51 = tpu.memref_squeeze %dma_start3A_50 : memref<1x125x80xi32, #tpu.memory_space<hbm>> -> memref<125x80xi32, #tpu.memory_space<hbm>>
      %dma_start3A_52 = arith.constant 0 : i32
      %dma_start3A_53 = arith.constant 0 : i32
      %dma_start3A_54 = tpu.memref_slice %arg3[%add3A, %dma_start3A_52, %dma_start3A_53] : memref<32x125x80xi32, #tpu.memory_space<hbm>> -> memref<1x125x80xi32, #tpu.memory_space<hbm>>
      %dma_start3A_55 = tpu.memref_squeeze %dma_start3A_54 : memref<1x125x80xi32, #tpu.memory_space<hbm>> -> memref<125x80xi32, #tpu.memory_space<hbm>>
      tpu.enqueue_dma source(%dma_start3A_55 : memref<125x80xi32, #tpu.memory_space<hbm>>) target(%arg6 : memref<125x80xi32, #tpu.memory_space<vmem>>) target_semaphore(%run_scoped3A_47 : memref<!tpu.dma_semaphore, #tpu.memory_space<semaphore_mem>>)
      %dma_wait3A_56 = arith.constant 0 : i32
      %dma_wait3A_57 = arith.constant 0 : i32
      %dma_wait3A_58 = tpu.memref_slice %arg3[%add3A, %dma_wait3A_56, %dma_wait3A_57] : memref<32x125x80xi32, #tpu.memory_space<hbm>> -> memref<1x125x80xi32, #tpu.memory_space<hbm>>
      %dma_wait3A_59 = tpu.memref_squeeze %dma_wait3A_58 : memref<1x125x80xi32, #tpu.memory_space<hbm>> -> memref<125x80xi32, #tpu.memory_space<hbm>>
      %dma_wait3A_60 = arith.constant 0 : i32
      %dma_wait3A_61 = arith.constant 0 : i32
      %dma_wait3A_62 = tpu.memref_slice %arg3[%add3A, %dma_wait3A_60, %dma_wait3A_61] : memref<32x125x80xi32, #tpu.memory_space<hbm>> -> memref<1x125x80xi32, #tpu.memory_space<hbm>>
      %dma_wait3A_63 = tpu.memref_squeeze %dma_wait3A_62 : memref<1x125x80xi32, #tpu.memory_space<hbm>> -> memref<125x80xi32, #tpu.memory_space<hbm>>
      tpu.wait_dma2 semaphore(%run_scoped3A_47 : memref<!tpu.dma_semaphore, #tpu.memory_space<semaphore_mem>>) src(%dma_wait3A_63 : memref<125x80xi32, #tpu.memory_space<hbm>>) dst(%arg6 : memref<125x80xi32, #tpu.memory_space<vmem>>)
      tpu.yield
    }) : () -> ()
    "tpu.region"() ({
      %run_scoped3A_47 = tpu.sem_alloc : memref<!tpu.dma_semaphore, #tpu.memory_space<semaphore_mem>>
      %dma_start3A_48 = arith.constant 0 : i32
      %dma_start3A_49 = arith.constant 0 : i32
      %dma_start3A_50 = tpu.memref_slice %arg4[%add3A, %dma_start3A_48, %dma_start3A_49] : memref<32x125x80xi32, #tpu.memory_space<hbm>> -> memref<1x125x80xi32, #tpu.memory_space<hbm>>
      %dma_start3A_51 = tpu.memref_squeeze %dma_start3A_50 : memref<1x125x80xi32, #tpu.memory_space<hbm>> -> memref<125x80xi32, #tpu.memory_space<hbm>>
      %dma_start3A_52 = arith.constant 0 : i32
      %dma_start3A_53 = arith.constant 0 : i32
      %dma_start3A_54 = tpu.memref_slice %arg4[%add3A, %dma_start3A_52, %dma_start3A_53] : memref<32x125x80xi32, #tpu.memory_space<hbm>> -> memref<1x125x80xi32, #tpu.memory_space<hbm>>
      %dma_start3A_55 = tpu.memref_squeeze %dma_start3A_54 : memref<1x125x80xi32, #tpu.memory_space<hbm>> -> memref<125x80xi32, #tpu.memory_space<hbm>>
      tpu.enqueue_dma source(%dma_start3A_55 : memref<125x80xi32, #tpu.memory_space<hbm>>) target(%arg7 : memref<125x80xi32, #tpu.memory_space<vmem>>) target_semaphore(%run_scoped3A_47 : memref<!tpu.dma_semaphore, #tpu.memory_space<semaphore_mem>>)
      %dma_wait3A_56 = arith.constant 0 : i32
      %dma_wait3A_57 = arith.constant 0 : i32
      %dma_wait3A_58 = tpu.memref_slice %arg4[%add3A, %dma_wait3A_56, %dma_wait3A_57] : memref<32x125x80xi32, #tpu.memory_space<hbm>> -> memref<1x125x80xi32, #tpu.memory_space<hbm>>
      %dma_wait3A_59 = tpu.memref_squeeze %dma_wait3A_58 : memref<1x125x80xi32, #tpu.memory_space<hbm>> -> memref<125x80xi32, #tpu.memory_space<hbm>>
      %dma_wait3A_60 = arith.constant 0 : i32
      %dma_wait3A_61 = arith.constant 0 : i32
      %dma_wait3A_62 = tpu.memref_slice %arg4[%add3A, %dma_wait3A_60, %dma_wait3A_61] : memref<32x125x80xi32, #tpu.memory_space<hbm>> -> memref<1x125x80xi32, #tpu.memory_space<hbm>>
      %dma_wait3A_63 = tpu.memref_squeeze %dma_wait3A_62 : memref<1x125x80xi32, #tpu.memory_space<hbm>> -> memref<125x80xi32, #tpu.memory_space<hbm>>
      tpu.wait_dma2 semaphore(%run_scoped3A_47 : memref<!tpu.dma_semaphore, #tpu.memory_space<semaphore_mem>>) src(%dma_wait3A_63 : memref<125x80xi32, #tpu.memory_space<hbm>>) dst(%arg7 : memref<125x80xi32, #tpu.memory_space<vmem>>)
      tpu.yield
    }) : () -> ()
    %scan3A_5 = arith.constant 0 : i32
    %scan3A_6 = arith.constant 9 : i32
    %scan3A_7 = arith.addi %scan3A_5, %scan3A_6 : i32
    %scan3A_8 = arith.constant 1 : i32
    scf.for %scan3A_47 = %scan3A_5 to %scan3A_7 step %scan3A_8  : i32 {
      %mul3A_48 = arith.constant 1 : i32
      %mul3A_49 = arith.muli %scan3A_47, %mul3A_48 : i32
      %add3A_50 = arith.constant 0 : i32
      %add3A_51 = arith.addi %add3A_50, %mul3A_49 : i32
      %mul3A_52 = arith.constant 632 : i32
      %mul3A_53 = arith.muli %arg1, %mul3A_52 : i32
      %mul3A_54 = arith.constant 64 : i32
      %mul3A_55 = arith.muli %add3A_51, %mul3A_54 : i32
      %add3A_56 = arith.addi %mul3A_53, %mul3A_55 : i32
      "tpu.region"() ({
        %run_scoped3A_57 = tpu.sem_alloc : memref<!tpu.dma_semaphore, #tpu.memory_space<semaphore_mem>>
        %dma_start3A_58 = arith.constant 0 : i32
        %dma_start3A_59 = tpu.memref_slice %arg10[%add3A_56, %dma_start3A_58] : memref<10112x64xf32, #tpu.memory_space<vmem_shared>> -> memref<64x64xf32, #tpu.memory_space<vmem_shared>>
        %dma_start3A_60 = arith.constant 0 : i32
        %dma_start3A_61 = tpu.memref_slice %arg10[%add3A_56, %dma_start3A_60] : memref<10112x64xf32, #tpu.memory_space<vmem_shared>> -> memref<64x64xf32, #tpu.memory_space<vmem_shared>>
        tpu.enqueue_dma source(%arg9 : memref<64x64xf32, #tpu.memory_space<vmem>>) target(%dma_start3A_61 : memref<64x64xf32, #tpu.memory_space<vmem_shared>>) target_semaphore(%run_scoped3A_57 : memref<!tpu.dma_semaphore, #tpu.memory_space<semaphore_mem>>)
        %dma_wait3A_62 = arith.constant 0 : i32
        %dma_wait3A_63 = tpu.memref_slice %arg10[%add3A_56, %dma_wait3A_62] : memref<10112x64xf32, #tpu.memory_space<vmem_shared>> -> memref<64x64xf32, #tpu.memory_space<vmem_shared>>
        %dma_wait3A_64 = arith.constant 0 : i32
        %dma_wait3A_65 = tpu.memref_slice %arg10[%add3A_56, %dma_wait3A_64] : memref<10112x64xf32, #tpu.memory_space<vmem_shared>> -> memref<64x64xf32, #tpu.memory_space<vmem_shared>>
        tpu.wait_dma2 semaphore(%run_scoped3A_57 : memref<!tpu.dma_semaphore, #tpu.memory_space<semaphore_mem>>) src(%arg9 : memref<64x64xf32, #tpu.memory_space<vmem>>) dst(%dma_wait3A_65 : memref<64x64xf32, #tpu.memory_space<vmem_shared>>)
        tpu.yield
      }) : () -> ()
    }
    %scan3A_9 = arith.constant 9 : i32
    %mul3A_10 = arith.constant 632 : i32
    %mul3A_11 = arith.muli %arg1, %mul3A_10 : i32
    %add3A_12 = arith.constant 576 : i32
    %add3A_13 = arith.addi %mul3A_11, %add3A_12 : i32
    "tpu.region"() ({
      %run_scoped3A_47 = tpu.sem_alloc : memref<!tpu.dma_semaphore, #tpu.memory_space<semaphore_mem>>
      %dma_start3A_48 = arith.constant 0 : i32
      %dma_start3A_49 = arith.constant 0 : i32
      %dma_start3A_50 = tpu.memref_slice %arg9[%dma_start3A_48, %dma_start3A_49] : memref<64x64xf32, #tpu.memory_space<vmem>> -> memref<56x64xf32, #tpu.memory_space<vmem>>
      %dma_start3A_51 = arith.constant 0 : i32
      %dma_start3A_52 = tpu.memref_slice %arg10[%add3A_13, %dma_start3A_51] : memref<10112x64xf32, #tpu.memory_space<vmem_shared>> -> memref<56x64xf32, #tpu.memory_space<vmem_shared>>
      %dma_start3A_53 = arith.constant 0 : i32
      %dma_start3A_54 = tpu.memref_slice %arg10[%add3A_13, %dma_start3A_53] : memref<10112x64xf32, #tpu.memory_space<vmem_shared>> -> memref<56x64xf32, #tpu.memory_space<vmem_shared>>
      %dma_start3A_55 = arith.constant 0 : i32
      %dma_start3A_56 = arith.constant 0 : i32
      %dma_start3A_57 = tpu.memref_slice %arg9[%dma_start3A_55, %dma_start3A_56] : memref<64x64xf32, #tpu.memory_space<vmem>> -> memref<56x64xf32, #tpu.memory_space<vmem>>
      tpu.enqueue_dma source(%dma_start3A_57 : memref<56x64xf32, #tpu.memory_space<vmem>>) target(%dma_start3A_54 : memref<56x64xf32, #tpu.memory_space<vmem_shared>>) target_semaphore(%run_scoped3A_47 : memref<!tpu.dma_semaphore, #tpu.memory_space<semaphore_mem>>)
      %dma_wait3A_58 = arith.constant 0 : i32
      %dma_wait3A_59 = arith.constant 0 : i32
      %dma_wait3A_60 = tpu.memref_slice %arg9[%dma_wait3A_58, %dma_wait3A_59] : memref<64x64xf32, #tpu.memory_space<vmem>> -> memref<56x64xf32, #tpu.memory_space<vmem>>
      %dma_wait3A_61 = arith.constant 0 : i32
      %dma_wait3A_62 = tpu.memref_slice %arg10[%add3A_13, %dma_wait3A_61] : memref<10112x64xf32, #tpu.memory_space<vmem_shared>> -> memref<56x64xf32, #tpu.memory_space<vmem_shared>>
      %dma_wait3A_63 = arith.constant 0 : i32
      %dma_wait3A_64 = tpu.memref_slice %arg10[%add3A_13, %dma_wait3A_63] : memref<10112x64xf32, #tpu.memory_space<vmem_shared>> -> memref<56x64xf32, #tpu.memory_space<vmem_shared>>
      %dma_wait3A_65 = arith.constant 0 : i32
      %dma_wait3A_66 = arith.constant 0 : i32
      %dma_wait3A_67 = tpu.memref_slice %arg9[%dma_wait3A_65, %dma_wait3A_66] : memref<64x64xf32, #tpu.memory_space<vmem>> -> memref<56x64xf32, #tpu.memory_space<vmem>>
      tpu.wait_dma2 semaphore(%run_scoped3A_47 : memref<!tpu.dma_semaphore, #tpu.memory_space<semaphore_mem>>) src(%dma_wait3A_67 : memref<56x64xf32, #tpu.memory_space<vmem>>) dst(%dma_wait3A_64 : memref<56x64xf32, #tpu.memory_space<vmem_shared>>)
      tpu.yield
    }) : () -> ()
    %barrier3A = arith.constant 0 : index
    tpu.barrier barrier_id(%barrier3A)
    %dma_start3A = arith.constant 0 : i32
    %dma_start3A_14 = arith.constant 0 : i32
    %dma_start3A_15 = arith.constant 0 : i32
    %dma_start3A_16 = arith.constant 0 : i32
    %dma_start3A_17 = tpu.memref_slice %arg8[%dma_start3A_14, %dma_start3A_15, %dma_start3A_16] : memref<2x80x64xf32, #tpu.memory_space<vmem>> -> memref<1x80x64xf32, #tpu.memory_space<vmem>>
    %dma_start3A_18 = tpu.memref_squeeze %dma_start3A_17 : memref<1x80x64xf32, #tpu.memory_space<vmem>> -> memref<80x64xf32, #tpu.memory_space<vmem>>
    %dma_start3A_19 = arith.constant 0 : i32
    %dma_start3A_20 = tpu.memref_slice %arg6[%dma_start3A, %dma_start3A_19] : memref<125x80xi32, #tpu.memory_space<vmem>> -> memref<1x80xi32, #tpu.memory_space<vmem>>
    %dma_start3A_21 = tpu.memref_squeeze %dma_start3A_20 : memref<1x80xi32, #tpu.memory_space<vmem>> -> memref<80xi32, #tpu.memory_space<vmem>>
    %dma_start3A_22 = arith.constant 0 : i32
    %dma_start3A_23 = arith.constant 0 : i32
    %dma_start3A_24 = tpu.memref_slice %arg2[%dma_start3A_22, %dma_start3A_23] : memref<10000x64xf32, #tpu.memory_space<hbm>> -> memref<10000x64xf32, #tpu.memory_space<hbm>>
    tpu.enqueue_indirect_dma source(%dma_start3A_24 : memref<10000x64xf32, #tpu.memory_space<hbm>>) target(%dma_start3A_18 : memref<80x64xf32, #tpu.memory_space<vmem>>) offsets(%dma_start3A_21 : memref<80xi32, #tpu.memory_space<vmem>>) semaphore(%arg11 : memref<!tpu.dma_semaphore, #tpu.memory_space<semaphore_mem>>)
    %scan3A_25 = arith.constant 0 : i32
    %scan3A_26 = arith.constant 62 : i32
    %scan3A_27 = arith.addi %scan3A_25, %scan3A_26 : i32
    %scan3A_28 = arith.constant 1 : i32
    scf.for %scan3A_47 = %scan3A_25 to %scan3A_27 step %scan3A_28  : i32 {
      %mul3A_48 = arith.constant 1 : i32
      %mul3A_49 = arith.muli %scan3A_47, %mul3A_48 : i32
      %add3A_50 = arith.constant 0 : i32
      %add3A_51 = arith.addi %add3A_50, %mul3A_49 : i32
      %mul3A_52 = arith.constant 2 : i32
      %mul3A_53 = arith.muli %mul3A_52, %add3A_51 : i32
      %add3A_54 = arith.constant 1 : i32
      %add3A_55 = arith.addi %mul3A_53, %add3A_54 : i32
      %dma_start3A_56 = arith.constant 1 : i32
      %dma_start3A_57 = arith.constant 0 : i32
      %dma_start3A_58 = arith.constant 0 : i32
      %dma_start3A_59 = tpu.memref_slice %arg8[%dma_start3A_56, %dma_start3A_57, %dma_start3A_58] : memref<2x80x64xf32, #tpu.memory_space<vmem>> -> memref<1x80x64xf32, #tpu.memory_space<vmem>>
      %dma_start3A_60 = tpu.memref_squeeze %dma_start3A_59 : memref<1x80x64xf32, #tpu.memory_space<vmem>> -> memref<80x64xf32, #tpu.memory_space<vmem>>
      %dma_start3A_61 = arith.constant 0 : i32
      %dma_start3A_62 = tpu.memref_slice %arg6[%add3A_55, %dma_start3A_61] : memref<125x80xi32, #tpu.memory_space<vmem>> -> memref<1x80xi32, #tpu.memory_space<vmem>>
      %dma_start3A_63 = tpu.memref_squeeze %dma_start3A_62 : memref<1x80xi32, #tpu.memory_space<vmem>> -> memref<80xi32, #tpu.memory_space<vmem>>
      %dma_start3A_64 = arith.constant 0 : i32
      %dma_start3A_65 = arith.constant 0 : i32
      %dma_start3A_66 = tpu.memref_slice %arg2[%dma_start3A_64, %dma_start3A_65] : memref<10000x64xf32, #tpu.memory_space<hbm>> -> memref<10000x64xf32, #tpu.memory_space<hbm>>
      tpu.enqueue_indirect_dma source(%dma_start3A_66 : memref<10000x64xf32, #tpu.memory_space<hbm>>) target(%dma_start3A_60 : memref<80x64xf32, #tpu.memory_space<vmem>>) offsets(%dma_start3A_63 : memref<80xi32, #tpu.memory_space<vmem>>) semaphore(%arg12 : memref<!tpu.dma_semaphore, #tpu.memory_space<semaphore_mem>>)
      %dma_wait3A_67 = arith.constant 0 : i32
      %dma_wait3A_68 = arith.constant 0 : i32
      %dma_wait3A_69 = arith.constant 0 : i32
      %dma_wait3A_70 = tpu.memref_slice %arg8[%dma_wait3A_67, %dma_wait3A_68, %dma_wait3A_69] : memref<2x80x64xf32, #tpu.memory_space<vmem>> -> memref<1x80x64xf32, #tpu.memory_space<vmem>>
      %dma_wait3A_71 = tpu.memref_squeeze %dma_wait3A_70 : memref<1x80x64xf32, #tpu.memory_space<vmem>> -> memref<80x64xf32, #tpu.memory_space<vmem>>
      %dma_wait3A_72 = arith.constant 0 : i32
      %dma_wait3A_73 = tpu.memref_slice %arg6[%mul3A_53, %dma_wait3A_72] : memref<125x80xi32, #tpu.memory_space<vmem>> -> memref<1x80xi32, #tpu.memory_space<vmem>>
      %dma_wait3A_74 = tpu.memref_squeeze %dma_wait3A_73 : memref<1x80xi32, #tpu.memory_space<vmem>> -> memref<80xi32, #tpu.memory_space<vmem>>
      %dma_wait3A_75 = arith.constant 0 : i32
      %dma_wait3A_76 = arith.constant 0 : i32
      %dma_wait3A_77 = tpu.memref_slice %arg2[%dma_wait3A_75, %dma_wait3A_76] : memref<10000x64xf32, #tpu.memory_space<hbm>> -> memref<10000x64xf32, #tpu.memory_space<hbm>>
      tpu.wait_indirect_dma semaphore(%arg11 : memref<!tpu.dma_semaphore, #tpu.memory_space<semaphore_mem>>) src(%dma_wait3A_77 : memref<10000x64xf32, #tpu.memory_space<hbm>>) dst(%dma_wait3A_71 : memref<80x64xf32, #tpu.memory_space<vmem>>)
      %run_scoped3A_78 = arith.constant 0 : i32
      "tpu.region"() ({
        %run_scoped3A_108 = tpu.sem_alloc : memref<!tpu.dma_semaphore, #tpu.memory_space<semaphore_mem>>
        %dma_start3A_109 = arith.constant 0 : i32
        %dma_start3A_110 = arith.constant 0 : i32
        %dma_start3A_111 = tpu.memref_slice %arg8[%run_scoped3A_78, %dma_start3A_109, %dma_start3A_110] : memref<2x80x64xf32, #tpu.memory_space<vmem>> -> memref<1x80x64xf32, #tpu.memory_space<vmem>>
        %dma_start3A_112 = tpu.memref_squeeze %dma_start3A_111 : memref<1x80x64xf32, #tpu.memory_space<vmem>> -> memref<80x64xf32, #tpu.memory_space<vmem>>
        %dma_start3A_113 = arith.constant 0 : i32
        %dma_start3A_114 = tpu.memref_slice %arg7[%mul3A_53, %dma_start3A_113] : memref<125x80xi32, #tpu.memory_space<vmem>> -> memref<1x80xi32, #tpu.memory_space<vmem>>
        %dma_start3A_115 = tpu.memref_squeeze %dma_start3A_114 : memref<1x80xi32, #tpu.memory_space<vmem>> -> memref<80xi32, #tpu.memory_space<vmem>>
        %dma_start3A_116 = arith.constant 0 : i32
        %dma_start3A_117 = arith.constant 0 : i32
        %dma_start3A_118 = tpu.memref_slice %arg10[%dma_start3A_116, %dma_start3A_117] : memref<10112x64xf32, #tpu.memory_space<vmem_shared>> -> memref<10112x64xf32, #tpu.memory_space<vmem_shared>>
        tpu.enqueue_indirect_dma source(%dma_start3A_112 : memref<80x64xf32, #tpu.memory_space<vmem>>) target(%dma_start3A_118 : memref<10112x64xf32, #tpu.memory_space<vmem_shared>>) offsets(%dma_start3A_115 : memref<80xi32, #tpu.memory_space<vmem>>) semaphore(%run_scoped3A_108 : memref<!tpu.dma_semaphore, #tpu.memory_space<semaphore_mem>>) {add = true}
        %dma_wait3A_119 = arith.constant 0 : i32
        %dma_wait3A_120 = arith.constant 0 : i32
        %dma_wait3A_121 = tpu.memref_slice %arg8[%run_scoped3A_78, %dma_wait3A_119, %dma_wait3A_120] : memref<2x80x64xf32, #tpu.memory_space<vmem>> -> memref<1x80x64xf32, #tpu.memory_space<vmem>>
        %dma_wait3A_122 = tpu.memref_squeeze %dma_wait3A_121 : memref<1x80x64xf32, #tpu.memory_space<vmem>> -> memref<80x64xf32, #tpu.memory_space<vmem>>
        %dma_wait3A_123 = arith.constant 0 : i32
        %dma_wait3A_124 = tpu.memref_slice %arg7[%mul3A_53, %dma_wait3A_123] : memref<125x80xi32, #tpu.memory_space<vmem>> -> memref<1x80xi32, #tpu.memory_space<vmem>>
        %dma_wait3A_125 = tpu.memref_squeeze %dma_wait3A_124 : memref<1x80xi32, #tpu.memory_space<vmem>> -> memref<80xi32, #tpu.memory_space<vmem>>
        %dma_wait3A_126 = arith.constant 0 : i32
        %dma_wait3A_127 = arith.constant 0 : i32
        %dma_wait3A_128 = tpu.memref_slice %arg10[%dma_wait3A_126, %dma_wait3A_127] : memref<10112x64xf32, #tpu.memory_space<vmem_shared>> -> memref<10112x64xf32, #tpu.memory_space<vmem_shared>>
        tpu.wait_indirect_dma semaphore(%run_scoped3A_108 : memref<!tpu.dma_semaphore, #tpu.memory_space<semaphore_mem>>) src(%dma_wait3A_122 : memref<80x64xf32, #tpu.memory_space<vmem>>) dst(%dma_wait3A_128 : memref<10112x64xf32, #tpu.memory_space<vmem_shared>>)
        tpu.yield
      }) : () -> ()
      %add3A_79 = arith.constant 2 : i32
      %add3A_80 = arith.addi %mul3A_53, %add3A_79 : i32
      %dma_start3A_81 = arith.constant 0 : i32
      %dma_start3A_82 = arith.constant 0 : i32
      %dma_start3A_83 = arith.constant 0 : i32
      %dma_start3A_84 = tpu.memref_slice %arg8[%dma_start3A_81, %dma_start3A_82, %dma_start3A_83] : memref<2x80x64xf32, #tpu.memory_space<vmem>> -> memref<1x80x64xf32, #tpu.memory_space<vmem>>
      %dma_start3A_85 = tpu.memref_squeeze %dma_start3A_84 : memref<1x80x64xf32, #tpu.memory_space<vmem>> -> memref<80x64xf32, #tpu.memory_space<vmem>>
      %dma_start3A_86 = arith.constant 0 : i32
      %dma_start3A_87 = tpu.memref_slice %arg6[%add3A_80, %dma_start3A_86] : memref<125x80xi32, #tpu.memory_space<vmem>> -> memref<1x80xi32, #tpu.memory_space<vmem>>
      %dma_start3A_88 = tpu.memref_squeeze %dma_start3A_87 : memref<1x80xi32, #tpu.memory_space<vmem>> -> memref<80xi32, #tpu.memory_space<vmem>>
      %dma_start3A_89 = arith.constant 0 : i32
      %dma_start3A_90 = arith.constant 0 : i32
      %dma_start3A_91 = tpu.memref_slice %arg2[%dma_start3A_89, %dma_start3A_90] : memref<10000x64xf32, #tpu.memory_space<hbm>> -> memref<10000x64xf32, #tpu.memory_space<hbm>>
      tpu.enqueue_indirect_dma source(%dma_start3A_91 : memref<10000x64xf32, #tpu.memory_space<hbm>>) target(%dma_start3A_85 : memref<80x64xf32, #tpu.memory_space<vmem>>) offsets(%dma_start3A_88 : memref<80xi32, #tpu.memory_space<vmem>>) semaphore(%arg11 : memref<!tpu.dma_semaphore, #tpu.memory_space<semaphore_mem>>)
      %add3A_92 = arith.constant 1 : i32
      %add3A_93 = arith.addi %mul3A_53, %add3A_92 : i32
      %dma_wait3A_94 = arith.constant 1 : i32
      %dma_wait3A_95 = arith.constant 0 : i32
      %dma_wait3A_96 = arith.constant 0 : i32
      %dma_wait3A_97 = tpu.memref_slice %arg8[%dma_wait3A_94, %dma_wait3A_95, %dma_wait3A_96] : memref<2x80x64xf32, #tpu.memory_space<vmem>> -> memref<1x80x64xf32, #tpu.memory_space<vmem>>
      %dma_wait3A_98 = tpu.memref_squeeze %dma_wait3A_97 : memref<1x80x64xf32, #tpu.memory_space<vmem>> -> memref<80x64xf32, #tpu.memory_space<vmem>>
      %dma_wait3A_99 = arith.constant 0 : i32
      %dma_wait3A_100 = tpu.memref_slice %arg6[%add3A_93, %dma_wait3A_99] : memref<125x80xi32, #tpu.memory_space<vmem>> -> memref<1x80xi32, #tpu.memory_space<vmem>>
      %dma_wait3A_101 = tpu.memref_squeeze %dma_wait3A_100 : memref<1x80xi32, #tpu.memory_space<vmem>> -> memref<80xi32, #tpu.memory_space<vmem>>
      %dma_wait3A_102 = arith.constant 0 : i32
      %dma_wait3A_103 = arith.constant 0 : i32
      %dma_wait3A_104 = tpu.memref_slice %arg2[%dma_wait3A_102, %dma_wait3A_103] : memref<10000x64xf32, #tpu.memory_space<hbm>> -> memref<10000x64xf32, #tpu.memory_space<hbm>>
      tpu.wait_indirect_dma semaphore(%arg12 : memref<!tpu.dma_semaphore, #tpu.memory_space<semaphore_mem>>) src(%dma_wait3A_104 : memref<10000x64xf32, #tpu.memory_space<hbm>>) dst(%dma_wait3A_98 : memref<80x64xf32, #tpu.memory_space<vmem>>)
      %add3A_105 = arith.constant 1 : i32
      %add3A_106 = arith.addi %mul3A_53, %add3A_105 : i32
      %run_scoped3A_107 = arith.constant 1 : i32
      "tpu.region"() ({
        %run_scoped3A_108 = tpu.sem_alloc : memref<!tpu.dma_semaphore, #tpu.memory_space<semaphore_mem>>
        %dma_start3A_109 = arith.constant 0 : i32
        %dma_start3A_110 = arith.constant 0 : i32
        %dma_start3A_111 = tpu.memref_slice %arg8[%run_scoped3A_107, %dma_start3A_109, %dma_start3A_110] : memref<2x80x64xf32, #tpu.memory_space<vmem>> -> memref<1x80x64xf32, #tpu.memory_space<vmem>>
        %dma_start3A_112 = tpu.memref_squeeze %dma_start3A_111 : memref<1x80x64xf32, #tpu.memory_space<vmem>> -> memref<80x64xf32, #tpu.memory_space<vmem>>
        %dma_start3A_113 = arith.constant 0 : i32
        %dma_start3A_114 = tpu.memref_slice %arg7[%add3A_106, %dma_start3A_113] : memref<125x80xi32, #tpu.memory_space<vmem>> -> memref<1x80xi32, #tpu.memory_space<vmem>>
        %dma_start3A_115 = tpu.memref_squeeze %dma_start3A_114 : memref<1x80xi32, #tpu.memory_space<vmem>> -> memref<80xi32, #tpu.memory_space<vmem>>
        %dma_start3A_116 = arith.constant 0 : i32
        %dma_start3A_117 = arith.constant 0 : i32
        %dma_start3A_118 = tpu.memref_slice %arg10[%dma_start3A_116, %dma_start3A_117] : memref<10112x64xf32, #tpu.memory_space<vmem_shared>> -> memref<10112x64xf32, #tpu.memory_space<vmem_shared>>
        tpu.enqueue_indirect_dma source(%dma_start3A_112 : memref<80x64xf32, #tpu.memory_space<vmem>>) target(%dma_start3A_118 : memref<10112x64xf32, #tpu.memory_space<vmem_shared>>) offsets(%dma_start3A_115 : memref<80xi32, #tpu.memory_space<vmem>>) semaphore(%run_scoped3A_108 : memref<!tpu.dma_semaphore, #tpu.memory_space<semaphore_mem>>) {add = true}
        %dma_wait3A_119 = arith.constant 0 : i32
        %dma_wait3A_120 = arith.constant 0 : i32
        %dma_wait3A_121 = tpu.memref_slice %arg8[%run_scoped3A_107, %dma_wait3A_119, %dma_wait3A_120] : memref<2x80x64xf32, #tpu.memory_space<vmem>> -> memref<1x80x64xf32, #tpu.memory_space<vmem>>
        %dma_wait3A_122 = tpu.memref_squeeze %dma_wait3A_121 : memref<1x80x64xf32, #tpu.memory_space<vmem>> -> memref<80x64xf32, #tpu.memory_space<vmem>>
        %dma_wait3A_123 = arith.constant 0 : i32
        %dma_wait3A_124 = tpu.memref_slice %arg7[%add3A_106, %dma_wait3A_123] : memref<125x80xi32, #tpu.memory_space<vmem>> -> memref<1x80xi32, #tpu.memory_space<vmem>>
        %dma_wait3A_125 = tpu.memref_squeeze %dma_wait3A_124 : memref<1x80xi32, #tpu.memory_space<vmem>> -> memref<80xi32, #tpu.memory_space<vmem>>
        %dma_wait3A_126 = arith.constant 0 : i32
        %dma_wait3A_127 = arith.constant 0 : i32
        %dma_wait3A_128 = tpu.memref_slice %arg10[%dma_wait3A_126, %dma_wait3A_127] : memref<10112x64xf32, #tpu.memory_space<vmem_shared>> -> memref<10112x64xf32, #tpu.memory_space<vmem_shared>>
        tpu.wait_indirect_dma semaphore(%run_scoped3A_108 : memref<!tpu.dma_semaphore, #tpu.memory_space<semaphore_mem>>) src(%dma_wait3A_122 : memref<80x64xf32, #tpu.memory_space<vmem>>) dst(%dma_wait3A_128 : memref<10112x64xf32, #tpu.memory_space<vmem_shared>>)
        tpu.yield
      }) : () -> ()
    }
    %scan3A_29 = arith.constant 62 : i32
    %dma_wait3A = arith.constant 124 : i32
    %dma_wait3A_30 = arith.constant 0 : i32
    %dma_wait3A_31 = arith.constant 0 : i32
    %dma_wait3A_32 = arith.constant 0 : i32
    %dma_wait3A_33 = tpu.memref_slice %arg8[%dma_wait3A_30, %dma_wait3A_31, %dma_wait3A_32] : memref<2x80x64xf32, #tpu.memory_space<vmem>> -> memref<1x80x64xf32, #tpu.memory_space<vmem>>
    %dma_wait3A_34 = tpu.memref_squeeze %dma_wait3A_33 : memref<1x80x64xf32, #tpu.memory_space<vmem>> -> memref<80x64xf32, #tpu.memory_space<vmem>>
    %dma_wait3A_35 = arith.constant 0 : i32
    %dma_wait3A_36 = tpu.memref_slice %arg6[%dma_wait3A, %dma_wait3A_35] : memref<125x80xi32, #tpu.memory_space<vmem>> -> memref<1x80xi32, #tpu.memory_space<vmem>>
    %dma_wait3A_37 = tpu.memref_squeeze %dma_wait3A_36 : memref<1x80xi32, #tpu.memory_space<vmem>> -> memref<80xi32, #tpu.memory_space<vmem>>
    %dma_wait3A_38 = arith.constant 0 : i32
    %dma_wait3A_39 = arith.constant 0 : i32
    %dma_wait3A_40 = tpu.memref_slice %arg2[%dma_wait3A_38, %dma_wait3A_39] : memref<10000x64xf32, #tpu.memory_space<hbm>> -> memref<10000x64xf32, #tpu.memory_space<hbm>>
    tpu.wait_indirect_dma semaphore(%arg11 : memref<!tpu.dma_semaphore, #tpu.memory_space<semaphore_mem>>) src(%dma_wait3A_40 : memref<10000x64xf32, #tpu.memory_space<hbm>>) dst(%dma_wait3A_34 : memref<80x64xf32, #tpu.memory_space<vmem>>)
    %run_scoped3A = arith.constant 0 : i32
    %run_scoped3A_41 = arith.constant 124 : i32
    "tpu.region"() ({
      %run_scoped3A_47 = tpu.sem_alloc : memref<!tpu.dma_semaphore, #tpu.memory_space<semaphore_mem>>
      %dma_start3A_48 = arith.constant 0 : i32
      %dma_start3A_49 = arith.constant 0 : i32
      %dma_start3A_50 = tpu.memref_slice %arg8[%run_scoped3A, %dma_start3A_48, %dma_start3A_49] : memref<2x80x64xf32, #tpu.memory_space<vmem>> -> memref<1x80x64xf32, #tpu.memory_space<vmem>>
      %dma_start3A_51 = tpu.memref_squeeze %dma_start3A_50 : memref<1x80x64xf32, #tpu.memory_space<vmem>> -> memref<80x64xf32, #tpu.memory_space<vmem>>
      %dma_start3A_52 = arith.constant 0 : i32
      %dma_start3A_53 = tpu.memref_slice %arg7[%run_scoped3A_41, %dma_start3A_52] : memref<125x80xi32, #tpu.memory_space<vmem>> -> memref<1x80xi32, #tpu.memory_space<vmem>>
      %dma_start3A_54 = tpu.memref_squeeze %dma_start3A_53 : memref<1x80xi32, #tpu.memory_space<vmem>> -> memref<80xi32, #tpu.memory_space<vmem>>
      %dma_start3A_55 = arith.constant 0 : i32
      %dma_start3A_56 = arith.constant 0 : i32
      %dma_start3A_57 = tpu.memref_slice %arg10[%dma_start3A_55, %dma_start3A_56] : memref<10112x64xf32, #tpu.memory_space<vmem_shared>> -> memref<10112x64xf32, #tpu.memory_space<vmem_shared>>
      tpu.enqueue_indirect_dma source(%dma_start3A_51 : memref<80x64xf32, #tpu.memory_space<vmem>>) target(%dma_start3A_57 : memref<10112x64xf32, #tpu.memory_space<vmem_shared>>) offsets(%dma_start3A_54 : memref<80xi32, #tpu.memory_space<vmem>>) semaphore(%run_scoped3A_47 : memref<!tpu.dma_semaphore, #tpu.memory_space<semaphore_mem>>) {add = true}
      %dma_wait3A_58 = arith.constant 0 : i32
      %dma_wait3A_59 = arith.constant 0 : i32
      %dma_wait3A_60 = tpu.memref_slice %arg8[%run_scoped3A, %dma_wait3A_58, %dma_wait3A_59] : memref<2x80x64xf32, #tpu.memory_space<vmem>> -> memref<1x80x64xf32, #tpu.memory_space<vmem>>
      %dma_wait3A_61 = tpu.memref_squeeze %dma_wait3A_60 : memref<1x80x64xf32, #tpu.memory_space<vmem>> -> memref<80x64xf32, #tpu.memory_space<vmem>>
      %dma_wait3A_62 = arith.constant 0 : i32
      %dma_wait3A_63 = tpu.memref_slice %arg7[%run_scoped3A_41, %dma_wait3A_62] : memref<125x80xi32, #tpu.memory_space<vmem>> -> memref<1x80xi32, #tpu.memory_space<vmem>>
      %dma_wait3A_64 = tpu.memref_squeeze %dma_wait3A_63 : memref<1x80xi32, #tpu.memory_space<vmem>> -> memref<80xi32, #tpu.memory_space<vmem>>
      %dma_wait3A_65 = arith.constant 0 : i32
      %dma_wait3A_66 = arith.constant 0 : i32
      %dma_wait3A_67 = tpu.memref_slice %arg10[%dma_wait3A_65, %dma_wait3A_66] : memref<10112x64xf32, #tpu.memory_space<vmem_shared>> -> memref<10112x64xf32, #tpu.memory_space<vmem_shared>>
      tpu.wait_indirect_dma semaphore(%run_scoped3A_47 : memref<!tpu.dma_semaphore, #tpu.memory_space<semaphore_mem>>) src(%dma_wait3A_61 : memref<80x64xf32, #tpu.memory_space<vmem>>) dst(%dma_wait3A_67 : memref<10112x64xf32, #tpu.memory_space<vmem_shared>>)
      tpu.yield
    }) : () -> ()
    %barrier3A_42 = arith.constant 0 : index
    tpu.barrier barrier_id(%barrier3A_42)
    %mul3A_43 = arith.constant 632 : i32
    %mul3A_44 = arith.muli %arg1, %mul3A_43 : i32
    %mul3A_45 = arith.constant 632 : i32
    %mul3A_46 = arith.muli %arg1, %mul3A_45 : i32
    "tpu.region"() ({
      %run_scoped3A_47 = tpu.sem_alloc : memref<!tpu.dma_semaphore, #tpu.memory_space<semaphore_mem>>
      %dma_start3A_48 = arith.constant 0 : i32
      %dma_start3A_49 = tpu.memref_slice %arg5[%arg0, %mul3A_46, %dma_start3A_48] : memref<2x10112x64xf32, #tpu.memory_space<hbm>> -> memref<1x632x64xf32, #tpu.memory_space<hbm>>
      %dma_start3A_50 = tpu.memref_squeeze %dma_start3A_49 : memref<1x632x64xf32, #tpu.memory_space<hbm>> -> memref<632x64xf32, #tpu.memory_space<hbm>>
      %dma_start3A_51 = arith.constant 0 : i32
      %dma_start3A_52 = tpu.memref_slice %arg10[%mul3A_44, %dma_start3A_51] : memref<10112x64xf32, #tpu.memory_space<vmem_shared>> -> memref<632x64xf32, #tpu.memory_space<vmem_shared>>
      tpu.enqueue_dma source(%dma_start3A_52 : memref<632x64xf32, #tpu.memory_space<vmem_shared>>) target(%dma_start3A_50 : memref<632x64xf32, #tpu.memory_space<hbm>>) target_semaphore(%run_scoped3A_47 : memref<!tpu.dma_semaphore, #tpu.memory_space<semaphore_mem>>)
      %dma_wait3A_53 = arith.constant 0 : i32
      %dma_wait3A_54 = tpu.memref_slice %arg5[%arg0, %mul3A_46, %dma_wait3A_53] : memref<2x10112x64xf32, #tpu.memory_space<hbm>> -> memref<1x632x64xf32, #tpu.memory_space<hbm>>
      %dma_wait3A_55 = tpu.memref_squeeze %dma_wait3A_54 : memref<1x632x64xf32, #tpu.memory_space<hbm>> -> memref<632x64xf32, #tpu.memory_space<hbm>>
      %dma_wait3A_56 = arith.constant 0 : i32
      %dma_wait3A_57 = tpu.memref_slice %arg10[%mul3A_44, %dma_wait3A_56] : memref<10112x64xf32, #tpu.memory_space<vmem_shared>> -> memref<632x64xf32, #tpu.memory_space<vmem_shared>>
      tpu.wait_dma2 semaphore(%run_scoped3A_47 : memref<!tpu.dma_semaphore, #tpu.memory_space<semaphore_mem>>) src(%dma_wait3A_57 : memref<632x64xf32, #tpu.memory_space<vmem_shared>>) dst(%dma_wait3A_55 : memref<632x64xf32, #tpu.memory_space<hbm>>)
      tpu.yield
    }) : () -> ()
    return
  }
}

module attributes {stable_mosaic.version = 14 : i64} {
  func.func @_mid_kernel(%arg0: memref<2x10112x128xf32, #tpu.memory_space<vmem>>, %arg1: memref<2x10112xf32, #tpu.memory_space<vmem>>, %arg2: memref<2x10112xf32, #tpu.memory_space<vmem>>, %arg3: memref<1x128xf32, #tpu.memory_space<vmem>>, %arg4: memref<1x128xf32, #tpu.memory_space<vmem>>, %arg5: memref<1x128xf32, #tpu.memory_space<vmem>>, %arg6: memref<128x128xf32, #tpu.memory_space<vmem>>, %arg7: memref<10000x128xf32, #tpu.memory_space<vmem>>) attributes {dimension_semantics = [], scalar_prefetch = 0 : i64, scratch_operands = 0 : i64, tpu.core_type = #tpu.core_type<tc>} {
    %get3A = arith.constant 0 : index
    %get3A_0 = arith.constant 0 : index
    %get3A_1 = arith.constant 0 : index
    %get3A_2 = vector.load %arg0[%get3A, %get3A_0, %get3A_1] : memref<2x10112x128xf32, #tpu.memory_space<vmem>>, vector<1x10000x128xf32>
    %get3A_3 = vector.shape_cast %get3A_2 : vector<1x10000x128xf32> to vector<10000x128xf32>
    %get3A_4 = arith.constant 1 : index
    %get3A_5 = arith.constant 0 : index
    %get3A_6 = arith.constant 0 : index
    %get3A_7 = vector.load %arg0[%get3A_4, %get3A_5, %get3A_6] : memref<2x10112x128xf32, #tpu.memory_space<vmem>>, vector<1x10000x128xf32>
    %get3A_8 = vector.shape_cast %get3A_7 : vector<1x10000x128xf32> to vector<10000x128xf32>
    %add3A = arith.addf %get3A_3, %get3A_8 : vector<10000x128xf32>
    %get3A_9 = arith.constant 0 : index
    %get3A_10 = arith.constant 0 : index
    %get3A_11 = vector.load %arg1[%get3A_9, %get3A_10] : memref<2x10112xf32, #tpu.memory_space<vmem>>, vector<1x10000xf32>
    %get3A_12 = vector.shape_cast %get3A_11 : vector<1x10000xf32> to vector<10000xf32>
    %get3A_13 = arith.constant 1 : index
    %get3A_14 = arith.constant 0 : index
    %get3A_15 = vector.load %arg1[%get3A_13, %get3A_14] : memref<2x10112xf32, #tpu.memory_space<vmem>>, vector<1x10000xf32>
    %get3A_16 = vector.shape_cast %get3A_15 : vector<1x10000xf32> to vector<10000xf32>
    %add3A_17 = arith.addf %get3A_12, %get3A_16 : vector<10000xf32>
    %max3A = arith.constant 1.000000e+00 : f32
    %max3A_18 = vector.broadcast %max3A : f32 to vector<10000xf32>
    %max3A_19 = arith.maximumf %add3A_17, %max3A_18 : vector<10000xf32>
    %rsqrt3A = math.rsqrt %max3A_19 : vector<10000xf32>
    %broadcast_in_dim3A = vector.shape_cast %rsqrt3A : vector<10000xf32> to vector<10000x1xf32>
    %mul3A = vector.broadcast %broadcast_in_dim3A : vector<10000x1xf32> to vector<10000x128xf32>
    %mul3A_20 = arith.mulf %add3A, %mul3A : vector<10000x128xf32>
    %get3A_21 = arith.constant 0 : index
    %get3A_22 = arith.constant 0 : index
    %get3A_23 = vector.load %arg3[%get3A_21, %get3A_22] : memref<1x128xf32, #tpu.memory_space<vmem>>, vector<1x128xf32>
    %add3A_24 = vector.broadcast %get3A_23 : vector<1x128xf32> to vector<10000x128xf32>
    %add3A_25 = arith.addf %mul3A_20, %add3A_24 : vector<10000x128xf32>
    %reduce_sum3A = arith.constant dense<0.000000e+00> : vector<128xf32>
    %reduce_sum3A_26 = vector.multi_reduction <add>, %add3A_25, %reduce_sum3A [0] : vector<10000x128xf32> to vector<128xf32>
    %broadcast_in_dim3A_27 = vector.shape_cast %reduce_sum3A_26 : vector<128xf32> to vector<1x128xf32>
    %div3A = arith.constant 1.000000e+04 : f32
    %div3A_28 = vector.broadcast %div3A : f32 to vector<1x128xf32>
    %div3A_29 = arith.divf %broadcast_in_dim3A_27, %div3A_28 : vector<1x128xf32>
    %sub3A = vector.broadcast %div3A_29 : vector<1x128xf32> to vector<10000x128xf32>
    %sub3A_30 = arith.subf %add3A_25, %sub3A : vector<10000x128xf32>
    %integer_pow3A = arith.mulf %sub3A_30, %sub3A_30 : vector<10000x128xf32>
    %reduce_sum3A_31 = arith.constant dense<0.000000e+00> : vector<128xf32>
    %reduce_sum3A_32 = vector.multi_reduction <add>, %integer_pow3A, %reduce_sum3A_31 [0] : vector<10000x128xf32> to vector<128xf32>
    %broadcast_in_dim3A_33 = vector.shape_cast %reduce_sum3A_32 : vector<128xf32> to vector<1x128xf32>
    %div3A_34 = arith.constant 1.000000e+04 : f32
    %div3A_35 = vector.broadcast %div3A_34 : f32 to vector<1x128xf32>
    %div3A_36 = arith.divf %broadcast_in_dim3A_33, %div3A_35 : vector<1x128xf32>
    %get3A_37 = arith.constant 0 : index
    %get3A_38 = arith.constant 0 : index
    %get3A_39 = vector.load %arg4[%get3A_37, %get3A_38] : memref<1x128xf32, #tpu.memory_space<vmem>>, vector<1x128xf32>
    %sub3A_40 = vector.broadcast %div3A_29 : vector<1x128xf32> to vector<10000x128xf32>
    %sub3A_41 = arith.subf %add3A_25, %sub3A_40 : vector<10000x128xf32>
    %mul3A_42 = vector.broadcast %get3A_39 : vector<1x128xf32> to vector<10000x128xf32>
    %mul3A_43 = arith.mulf %mul3A_42, %sub3A_41 : vector<10000x128xf32>
    %add3A_44 = arith.constant 9.99999974E-6 : f32
    %add3A_45 = vector.broadcast %add3A_44 : f32 to vector<1x128xf32>
    %add3A_46 = arith.addf %div3A_36, %add3A_45 : vector<1x128xf32>
    %sqrt3A = math.sqrt %add3A_46 : vector<1x128xf32>
    %div3A_47 = vector.broadcast %sqrt3A : vector<1x128xf32> to vector<10000x128xf32>
    %div3A_48 = arith.divf %mul3A_43, %div3A_47 : vector<10000x128xf32>
    %get3A_49 = arith.constant 0 : index
    %get3A_50 = arith.constant 0 : index
    %get3A_51 = vector.load %arg5[%get3A_49, %get3A_50] : memref<1x128xf32, #tpu.memory_space<vmem>>, vector<1x128xf32>
    %add3A_52 = vector.broadcast %get3A_51 : vector<1x128xf32> to vector<10000x128xf32>
    %add3A_53 = arith.addf %div3A_48, %add3A_52 : vector<10000x128xf32>
    %max3A_54 = arith.constant 0.000000e+00 : f32
    %max3A_55 = vector.broadcast %max3A_54 : f32 to vector<10000x128xf32>
    %max3A_56 = arith.maximumf %add3A_53, %max3A_55 : vector<10000x128xf32>
    %get3A_57 = arith.constant 0 : index
    %get3A_58 = arith.constant 0 : index
    %get3A_59 = vector.load %arg2[%get3A_57, %get3A_58] : memref<2x10112xf32, #tpu.memory_space<vmem>>, vector<1x10000xf32>
    %get3A_60 = vector.shape_cast %get3A_59 : vector<1x10000xf32> to vector<10000xf32>
    %get3A_61 = arith.constant 1 : index
    %get3A_62 = arith.constant 0 : index
    %get3A_63 = vector.load %arg2[%get3A_61, %get3A_62] : memref<2x10112xf32, #tpu.memory_space<vmem>>, vector<1x10000xf32>
    %get3A_64 = vector.shape_cast %get3A_63 : vector<1x10000xf32> to vector<10000xf32>
    %add3A_65 = arith.addf %get3A_60, %get3A_64 : vector<10000xf32>
    %max3A_66 = arith.constant 1.000000e+00 : f32
    %max3A_67 = vector.broadcast %max3A_66 : f32 to vector<10000xf32>
    %max3A_68 = arith.maximumf %add3A_65, %max3A_67 : vector<10000xf32>
    %rsqrt3A_69 = math.rsqrt %max3A_68 : vector<10000xf32>
    %broadcast_in_dim3A_70 = vector.shape_cast %rsqrt3A_69 : vector<10000xf32> to vector<10000x1xf32>
    %mul3A_71 = vector.broadcast %broadcast_in_dim3A_70 : vector<10000x1xf32> to vector<10000x128xf32>
    %mul3A_72 = arith.mulf %max3A_56, %mul3A_71 : vector<10000x128xf32>
    %get3A_73 = arith.constant 0 : index
    %get3A_74 = arith.constant 0 : index
    %get3A_75 = vector.load %arg6[%get3A_73, %get3A_74] : memref<128x128xf32, #tpu.memory_space<vmem>>, vector<128x128xf32>
    %dot_general3A = arith.constant dense<0.000000e+00> : vector<10000x128xf32>
    %dot_general3A_76 = tpu.matmul %mul3A_72, %get3A_75, %dot_general3A {dimension_numbers = #tpu.dot_dimension_numbers<[1], [0], [0], [1], [0, 0, 1, 1], [], []>, transpose_lhs_hint = false} : vector<10000x128xf32>, vector<128x128xf32>, vector<10000x128xf32> -> vector<10000x128xf32>
    %swap3A = arith.constant 0 : index
    %swap3A_77 = arith.constant 0 : index
    %swap3A_78 = vector.load %arg7[%swap3A, %swap3A_77] : memref<10000x128xf32, #tpu.memory_space<vmem>>, vector<10000x128xf32>
    tpu.vector_store %arg7[%swap3A, %swap3A_77], %dot_general3A_76 {strides = array<i32>} : memref<10000x128xf32, #tpu.memory_space<vmem>>, vector<10000x128xf32>,
    return
  }
}

module attributes {stable_mosaic.version = 14 : i64} {
  func.func @_first_kernel(%arg0: memref<10000x128xf32, #tpu.memory_space<vmem>>, %arg1: memref<128x128xf32, #tpu.memory_space<vmem>>, %arg2: memref<2x10112xf32, #tpu.memory_space<vmem>>, %arg3: memref<10000x128xf32, #tpu.memory_space<vmem>>) attributes {dimension_semantics = [], scalar_prefetch = 0 : i64, scratch_operands = 0 : i64, tpu.core_type = #tpu.core_type<tc>} {
    %get3A = arith.constant 0 : index
    %get3A_0 = arith.constant 0 : index
    %get3A_1 = vector.load %arg2[%get3A, %get3A_0] : memref<2x10112xf32, #tpu.memory_space<vmem>>, vector<1x10000xf32>
    %get3A_2 = vector.shape_cast %get3A_1 : vector<1x10000xf32> to vector<10000xf32>
    %get3A_3 = arith.constant 1 : index
    %get3A_4 = arith.constant 0 : index
    %get3A_5 = vector.load %arg2[%get3A_3, %get3A_4] : memref<2x10112xf32, #tpu.memory_space<vmem>>, vector<1x10000xf32>
    %get3A_6 = vector.shape_cast %get3A_5 : vector<1x10000xf32> to vector<10000xf32>
    %add3A = arith.addf %get3A_2, %get3A_6 : vector<10000xf32>
    %max3A = arith.constant 1.000000e+00 : f32
    %max3A_7 = vector.broadcast %max3A : f32 to vector<10000xf32>
    %max3A_8 = arith.maximumf %add3A, %max3A_7 : vector<10000xf32>
    %rsqrt3A = math.rsqrt %max3A_8 : vector<10000xf32>
    %get3A_9 = arith.constant 0 : index
    %get3A_10 = arith.constant 0 : index
    %get3A_11 = vector.load %arg0[%get3A_9, %get3A_10] : memref<10000x128xf32, #tpu.memory_space<vmem>>, vector<10000x128xf32>
    %broadcast_in_dim3A = vector.shape_cast %rsqrt3A : vector<10000xf32> to vector<10000x1xf32>
    %mul3A = vector.broadcast %broadcast_in_dim3A : vector<10000x1xf32> to vector<10000x128xf32>
    %mul3A_12 = arith.mulf %get3A_11, %mul3A : vector<10000x128xf32>
    %get3A_13 = arith.constant 0 : index
    %get3A_14 = arith.constant 0 : index
    %get3A_15 = vector.load %arg1[%get3A_13, %get3A_14] : memref<128x128xf32, #tpu.memory_space<vmem>>, vector<128x128xf32>
    %dot_general3A = arith.constant dense<0.000000e+00> : vector<10000x128xf32>
    %dot_general3A_16 = tpu.matmul %mul3A_12, %get3A_15, %dot_general3A {dimension_numbers = #tpu.dot_dimension_numbers<[1], [0], [0], [1], [0, 0, 1, 1], [], []>, transpose_lhs_hint = false} : vector<10000x128xf32>, vector<128x128xf32>, vector<10000x128xf32> -> vector<10000x128xf32>
    %swap3A = arith.constant 0 : index
    %swap3A_17 = arith.constant 0 : index
    %swap3A_18 = vector.load %arg3[%swap3A, %swap3A_17] : memref<10000x128xf32, #tpu.memory_space<vmem>>, vector<10000x128xf32>
    tpu.vector_store %arg3[%swap3A, %swap3A_17], %dot_general3A_16 {strides = array<i32>} : memref<10000x128xf32, #tpu.memory_space<vmem>>, vector<10000x128xf32>,
    return
  }
}

module attributes {stable_mosaic.version = 14 : i64} {
  func.func @_mid_kernel(%arg0: memref<2x10112x128xf32, #tpu.memory_space<vmem>>, %arg1: memref<2x10112xf32, #tpu.memory_space<vmem>>, %arg2: memref<2x10112xf32, #tpu.memory_space<vmem>>, %arg3: memref<1x128xf32, #tpu.memory_space<vmem>>, %arg4: memref<1x128xf32, #tpu.memory_space<vmem>>, %arg5: memref<1x128xf32, #tpu.memory_space<vmem>>, %arg6: memref<128x64xf32, #tpu.memory_space<vmem>>, %arg7: memref<10000x64xf32, #tpu.memory_space<vmem>>) attributes {dimension_semantics = [], scalar_prefetch = 0 : i64, scratch_operands = 0 : i64, tpu.core_type = #tpu.core_type<tc>} {
    %get3A = arith.constant 0 : index
    %get3A_0 = arith.constant 0 : index
    %get3A_1 = arith.constant 0 : index
    %get3A_2 = vector.load %arg0[%get3A, %get3A_0, %get3A_1] : memref<2x10112x128xf32, #tpu.memory_space<vmem>>, vector<1x10000x128xf32>
    %get3A_3 = vector.shape_cast %get3A_2 : vector<1x10000x128xf32> to vector<10000x128xf32>
    %get3A_4 = arith.constant 1 : index
    %get3A_5 = arith.constant 0 : index
    %get3A_6 = arith.constant 0 : index
    %get3A_7 = vector.load %arg0[%get3A_4, %get3A_5, %get3A_6] : memref<2x10112x128xf32, #tpu.memory_space<vmem>>, vector<1x10000x128xf32>
    %get3A_8 = vector.shape_cast %get3A_7 : vector<1x10000x128xf32> to vector<10000x128xf32>
    %add3A = arith.addf %get3A_3, %get3A_8 : vector<10000x128xf32>
    %get3A_9 = arith.constant 0 : index
    %get3A_10 = arith.constant 0 : index
    %get3A_11 = vector.load %arg1[%get3A_9, %get3A_10] : memref<2x10112xf32, #tpu.memory_space<vmem>>, vector<1x10000xf32>
    %get3A_12 = vector.shape_cast %get3A_11 : vector<1x10000xf32> to vector<10000xf32>
    %get3A_13 = arith.constant 1 : index
    %get3A_14 = arith.constant 0 : index
    %get3A_15 = vector.load %arg1[%get3A_13, %get3A_14] : memref<2x10112xf32, #tpu.memory_space<vmem>>, vector<1x10000xf32>
    %get3A_16 = vector.shape_cast %get3A_15 : vector<1x10000xf32> to vector<10000xf32>
    %add3A_17 = arith.addf %get3A_12, %get3A_16 : vector<10000xf32>
    %max3A = arith.constant 1.000000e+00 : f32
    %max3A_18 = vector.broadcast %max3A : f32 to vector<10000xf32>
    %max3A_19 = arith.maximumf %add3A_17, %max3A_18 : vector<10000xf32>
    %rsqrt3A = math.rsqrt %max3A_19 : vector<10000xf32>
    %broadcast_in_dim3A = vector.shape_cast %rsqrt3A : vector<10000xf32> to vector<10000x1xf32>
    %mul3A = vector.broadcast %broadcast_in_dim3A : vector<10000x1xf32> to vector<10000x128xf32>
    %mul3A_20 = arith.mulf %add3A, %mul3A : vector<10000x128xf32>
    %get3A_21 = arith.constant 0 : index
    %get3A_22 = arith.constant 0 : index
    %get3A_23 = vector.load %arg3[%get3A_21, %get3A_22] : memref<1x128xf32, #tpu.memory_space<vmem>>, vector<1x128xf32>
    %add3A_24 = vector.broadcast %get3A_23 : vector<1x128xf32> to vector<10000x128xf32>
    %add3A_25 = arith.addf %mul3A_20, %add3A_24 : vector<10000x128xf32>
    %reduce_sum3A = arith.constant dense<0.000000e+00> : vector<128xf32>
    %reduce_sum3A_26 = vector.multi_reduction <add>, %add3A_25, %reduce_sum3A [0] : vector<10000x128xf32> to vector<128xf32>
    %broadcast_in_dim3A_27 = vector.shape_cast %reduce_sum3A_26 : vector<128xf32> to vector<1x128xf32>
    %div3A = arith.constant 1.000000e+04 : f32
    %div3A_28 = vector.broadcast %div3A : f32 to vector<1x128xf32>
    %div3A_29 = arith.divf %broadcast_in_dim3A_27, %div3A_28 : vector<1x128xf32>
    %sub3A = vector.broadcast %div3A_29 : vector<1x128xf32> to vector<10000x128xf32>
    %sub3A_30 = arith.subf %add3A_25, %sub3A : vector<10000x128xf32>
    %integer_pow3A = arith.mulf %sub3A_30, %sub3A_30 : vector<10000x128xf32>
    %reduce_sum3A_31 = arith.constant dense<0.000000e+00> : vector<128xf32>
    %reduce_sum3A_32 = vector.multi_reduction <add>, %integer_pow3A, %reduce_sum3A_31 [0] : vector<10000x128xf32> to vector<128xf32>
    %broadcast_in_dim3A_33 = vector.shape_cast %reduce_sum3A_32 : vector<128xf32> to vector<1x128xf32>
    %div3A_34 = arith.constant 1.000000e+04 : f32
    %div3A_35 = vector.broadcast %div3A_34 : f32 to vector<1x128xf32>
    %div3A_36 = arith.divf %broadcast_in_dim3A_33, %div3A_35 : vector<1x128xf32>
    %get3A_37 = arith.constant 0 : index
    %get3A_38 = arith.constant 0 : index
    %get3A_39 = vector.load %arg4[%get3A_37, %get3A_38] : memref<1x128xf32, #tpu.memory_space<vmem>>, vector<1x128xf32>
    %sub3A_40 = vector.broadcast %div3A_29 : vector<1x128xf32> to vector<10000x128xf32>
    %sub3A_41 = arith.subf %add3A_25, %sub3A_40 : vector<10000x128xf32>
    %mul3A_42 = vector.broadcast %get3A_39 : vector<1x128xf32> to vector<10000x128xf32>
    %mul3A_43 = arith.mulf %mul3A_42, %sub3A_41 : vector<10000x128xf32>
    %add3A_44 = arith.constant 9.99999974E-6 : f32
    %add3A_45 = vector.broadcast %add3A_44 : f32 to vector<1x128xf32>
    %add3A_46 = arith.addf %div3A_36, %add3A_45 : vector<1x128xf32>
    %sqrt3A = math.sqrt %add3A_46 : vector<1x128xf32>
    %div3A_47 = vector.broadcast %sqrt3A : vector<1x128xf32> to vector<10000x128xf32>
    %div3A_48 = arith.divf %mul3A_43, %div3A_47 : vector<10000x128xf32>
    %get3A_49 = arith.constant 0 : index
    %get3A_50 = arith.constant 0 : index
    %get3A_51 = vector.load %arg5[%get3A_49, %get3A_50] : memref<1x128xf32, #tpu.memory_space<vmem>>, vector<1x128xf32>
    %add3A_52 = vector.broadcast %get3A_51 : vector<1x128xf32> to vector<10000x128xf32>
    %add3A_53 = arith.addf %div3A_48, %add3A_52 : vector<10000x128xf32>
    %max3A_54 = arith.constant 0.000000e+00 : f32
    %max3A_55 = vector.broadcast %max3A_54 : f32 to vector<10000x128xf32>
    %max3A_56 = arith.maximumf %add3A_53, %max3A_55 : vector<10000x128xf32>
    %get3A_57 = arith.constant 0 : index
    %get3A_58 = arith.constant 0 : index
    %get3A_59 = vector.load %arg2[%get3A_57, %get3A_58] : memref<2x10112xf32, #tpu.memory_space<vmem>>, vector<1x10000xf32>
    %get3A_60 = vector.shape_cast %get3A_59 : vector<1x10000xf32> to vector<10000xf32>
    %get3A_61 = arith.constant 1 : index
    %get3A_62 = arith.constant 0 : index
    %get3A_63 = vector.load %arg2[%get3A_61, %get3A_62] : memref<2x10112xf32, #tpu.memory_space<vmem>>, vector<1x10000xf32>
    %get3A_64 = vector.shape_cast %get3A_63 : vector<1x10000xf32> to vector<10000xf32>
    %add3A_65 = arith.addf %get3A_60, %get3A_64 : vector<10000xf32>
    %max3A_66 = arith.constant 1.000000e+00 : f32
    %max3A_67 = vector.broadcast %max3A_66 : f32 to vector<10000xf32>
    %max3A_68 = arith.maximumf %add3A_65, %max3A_67 : vector<10000xf32>
    %rsqrt3A_69 = math.rsqrt %max3A_68 : vector<10000xf32>
    %broadcast_in_dim3A_70 = vector.shape_cast %rsqrt3A_69 : vector<10000xf32> to vector<10000x1xf32>
    %mul3A_71 = vector.broadcast %broadcast_in_dim3A_70 : vector<10000x1xf32> to vector<10000x128xf32>
    %mul3A_72 = arith.mulf %max3A_56, %mul3A_71 : vector<10000x128xf32>
    %get3A_73 = arith.constant 0 : index
    %get3A_74 = arith.constant 0 : index
    %get3A_75 = vector.load %arg6[%get3A_73, %get3A_74] : memref<128x64xf32, #tpu.memory_space<vmem>>, vector<128x64xf32>
    %dot_general3A = arith.constant dense<0.000000e+00> : vector<10000x64xf32>
    %dot_general3A_76 = tpu.matmul %mul3A_72, %get3A_75, %dot_general3A {dimension_numbers = #tpu.dot_dimension_numbers<[1], [0], [0], [1], [0, 0, 1, 1], [], []>, transpose_lhs_hint = false} : vector<10000x128xf32>, vector<128x64xf32>, vector<10000x64xf32> -> vector<10000x64xf32>
    %swap3A = arith.constant 0 : index
    %swap3A_77 = arith.constant 0 : index
    %swap3A_78 = vector.load %arg7[%swap3A, %swap3A_77] : memref<10000x64xf32, #tpu.memory_space<vmem>>, vector<10000x64xf32>
    tpu.vector_store %arg7[%swap3A, %swap3A_77], %dot_general3A_76 {strides = array<i32>} : memref<10000x64xf32, #tpu.memory_space<vmem>>, vector<10000x64xf32>,
    return
  }
}

module attributes {stable_mosaic.version = 14 : i64} {
  func.func @_last_kernel(%arg0: memref<2x5056x128xf32, #tpu.memory_space<vmem>>, %arg1: memref<5000x128xf32, #tpu.memory_space<vmem>>, %arg2: memref<1x64xf32, #tpu.memory_space<vmem>>, %arg3: memref<5000x128xf32, #tpu.memory_space<vmem>>) attributes {dimension_semantics = [], scalar_prefetch = 0 : i64, scratch_operands = 0 : i64, tpu.core_type = #tpu.core_type<tc>} {
    %get3A = arith.constant 0 : index
    %get3A_0 = arith.constant 0 : index
    %get3A_1 = arith.constant 0 : index
    %get3A_2 = vector.load %arg0[%get3A, %get3A_0, %get3A_1] : memref<2x5056x128xf32, #tpu.memory_space<vmem>>, vector<1x5000x128xf32>
    %get3A_3 = vector.shape_cast %get3A_2 : vector<1x5000x128xf32> to vector<5000x128xf32>
    %get3A_4 = arith.constant 1 : index
    %get3A_5 = arith.constant 0 : index
    %get3A_6 = arith.constant 0 : index
    %get3A_7 = vector.load %arg0[%get3A_4, %get3A_5, %get3A_6] : memref<2x5056x128xf32, #tpu.memory_space<vmem>>, vector<1x5000x128xf32>
    %get3A_8 = vector.shape_cast %get3A_7 : vector<1x5000x128xf32> to vector<5000x128xf32>
    %add3A = arith.addf %get3A_3, %get3A_8 : vector<5000x128xf32>
    %get3A_9 = arith.constant 0 : index
    %get3A_10 = arith.constant 0 : index
    %get3A_11 = vector.load %arg2[%get3A_9, %get3A_10] : memref<1x64xf32, #tpu.memory_space<vmem>>, vector<1x64xf32>
    %get3A_12 = arith.constant 0 : index
    %get3A_13 = arith.constant 0 : index
    %get3A_14 = vector.load %arg2[%get3A_12, %get3A_13] : memref<1x64xf32, #tpu.memory_space<vmem>>, vector<1x64xf32>
    %concatenate3A = tpu.concatenate %get3A_11, %get3A_14 in 1 : vector<1x64xf32>, vector<1x64xf32> -> vector<1x128xf32>
    %get3A_15 = arith.constant 0 : index
    %get3A_16 = arith.constant 0 : index
    %get3A_17 = vector.load %arg1[%get3A_15, %get3A_16] : memref<5000x128xf32, #tpu.memory_space<vmem>>, vector<5000x128xf32>
    %mul3A = arith.mulf %add3A, %get3A_17 : vector<5000x128xf32>
    %add3A_18 = vector.broadcast %concatenate3A : vector<1x128xf32> to vector<5000x128xf32>
    %add3A_19 = arith.addf %mul3A, %add3A_18 : vector<5000x128xf32>
    %swap3A = arith.constant 0 : index
    %swap3A_20 = arith.constant 0 : index
    %swap3A_21 = vector.load %arg3[%swap3A, %swap3A_20] : memref<5000x128xf32, #tpu.memory_space<vmem>>, vector<5000x128xf32>
    tpu.vector_store %arg3[%swap3A, %swap3A_20], %add3A_19 {strides = array<i32>} : memref<5000x128xf32, #tpu.memory_space<vmem>>, vector<5000x128xf32>,
    return
  }
}

</mosaic_0001>

<sc_bundles>
// kernel: kernel.10.cloned.1.call-start
scs
__scs_entry_jumppad:
0x0: {  	(pc) =	sbr.rel $0x88, $3  }
0x1: {  	(tag) =	ssettag $0x0;
	lr =	simm.s32 $0x1  }
0x2: {  	[smem:$0x3F95] =	sst lr;
	_ =	strace $0xD0000000  }
0x3: {  	_ = 	snop  }
0x4: {  	_ = 	snop  }
0x5: {  	_ = 	snop  }
0x6: {  	_ = 	snop  }
0x7: {  	_ = 	snop  }
__scs_overlays_trampoline_lowered:
0x8: {  	[smem:$0x3FA4] =	sst s0  }
0x9: {  	[smem:$0x3FA5] =	sst s1  }
0xa: {  	[smem:$0x3FA6] =	sst s2  }
0xb: {  	[smem:$0x3FA7] =	sst s3  }
0xc: {  	[smem:$0x3FA8] =	sst s4  }
0xd: {  	[smem:$0x3FA9] =	sst s5  }
0xe: {  	[smem:$0x3FAA] =	sst s6  }
0xf: {  	[smem:$0x3FAB] =	sst s7  }
0x10: {  	[smem:$0x3FAC] =	sst s8  }
0x11: {  	[smem:$0x3FAD] =	sst s9;
	s0 =	simm.s32 @!p0 $0x0  }
0x12: {  	s1 =	sld [smem:$0x3F93];
	s0 =	simm.s32 @p0 $0x1  }
0x13: {  	[smem:$0x3FAE] =	sst s0;
	s0 =	simm.s32 @!p1 $0x0  }
0x14: {  	s2 =	sld [smem:$0x3F92];
	s0 =	simm.s32 @p1 $0x1  }
0x15: {  	[smem:$0x3FAF] =	sst s0;
	s0 =	simm.s32 @!p2 $0x0  }
0x16: {  	s3 =	sld [smem:$0x3FDB];
	s0 =	simm.s32 @p2 $0x1  }
0x17: {  	s4 =	simm.s32 $0x1BF5;
	[smem:$0x3FB1] =	sst s0  }
0x18: {  	s0 =	sld [smem:$0x3F94];
	_ =	swait.ge [sflag:s4], $0x0  }
0x19: {  	s7 =	sld [smem:$0x3F95]  }
0x1a: {  	s8 =	sadd.s32 $0xFFFFE003, lr  }
0x1b: {  	s9 =	sadd.s32 $0xFFFFFEF7, lr;
	s5 =	simm.s32 $0xFFFFFFFF;
	p2 =	slt.u32 s8, $0xFFFFF086  }
0x1c: {  	p1 =	slt.u32 s9, $0xF7A;
	s5 =	simm.s32 @!p2 $0x0  }
0x1d: {  	s5 =	simm.s32 @p1 $0x1;
	p0 =	seq.s32 s7, s2  }
0x1e: {  	s7 =	smul.u32 @!p0 $0xF7A, s2;
	p2 =	seq.s32 @!p0 s5, $0x0  }
0x1f: {  	s9 =	smul.u32 $0xF7A, s1;
	s8 =	simm.s32 @!p0 $0x1BF5;
	p2 =	por !p2, p0  }
0x20: {  	[sflag:s8] =	ssyncset.s32 @!p0 $0xFFFFF086;
	s6 =	sadd.s32 @!p0 s3, s7;
	s7 =	simm.s32 @!p0 $0x108  }
0x21: {  	s3 =	sadd.s32 s3, s9;
	s6 =	sadd.s32 @!p0 $0x88, s6;
	s7 =	simm.s32 @p2 $0x1082  }
0x22: {  	[simem:s7], [sflag:s8] =	dma.local @!p0 [hbm:s6], $0xF7A  }
0x23: {  	s9 =	sor.u32 $0xD0000000, s2;
	s6 =	simm.s32 $0x108;
	_ =	swait.ge @!p0 [sflag:s8], $0x0  }
0x24: {  	s3 =	sadd.s32 $0x88, s3;
	s6 =	simm.s32 @!p1 $0x1082;
	[sflag:s4] =	ssyncset.s32 $0xFFFFF086  }
0x25: {  	[simem:s6], [sflag:s4] =	dma.local [hbm:s3], $0xF7A  }
0x26: {  	[smem:$0x3F95] =	sst s1;
	(tag) =	ssettag s2;
	_ =	strace s9  }
0x27: {  	s1 =	sld [smem:$0x3FA5]  }
0x28: {  	s2 =	sld [smem:$0x3FA6]  }
0x29: {  	s4 =	sld [smem:$0x3FA8]  }
0x2a: {  	p0 =	seq.s32 s5, $0x0;
	s5 =	sld [smem:$0x3FA9]  }
0x2b: {  	s6 =	sld [smem:$0x3FAA]  }
0x2c: {  	s7 =	sld [smem:$0x3FAB]  }
0x2d: {  	s3 =	simm.s32 $0x108;
	s8 =	sld [smem:$0x3FAC]  }
0x2e: {  	s3 =	simm.s32 @!p0 $0x1082;
	s9 =	sld [smem:$0x3FAD]  }
0x2f: {  	lr =	sadd.s32 s0, s3;
	s0 =	sld [smem:$0x3FA4]  }
0x30: {  	s3 =	sld [smem:$0x3FA7]  }
0x31: {  	[smem:$0x3FB0] =	sst s10  }
0x32: {  	s10 =	sld [smem:$0x3FAE];
	_ =	sdelay $0x3  }
0x33: {  	p0 =	seq.s32 s10, $0x1;
	s10 =	sld [smem:$0x3FB0];
	_ =	sdelay $0x3  }
0x34: {  	[smem:$0x3FB0] =	sst s10  }
0x35: {  	s10 =	sld [smem:$0x3FAF];
	_ =	sdelay $0x3  }
0x36: {  	p1 =	seq.s32 s10, $0x1;
	s10 =	sld [smem:$0x3FB0];
	_ =	sdelay $0x3  }
0x37: {  	[smem:$0x3FB0] =	sst s10  }
0x38: {  	s10 =	sld [smem:$0x3FB1]  }
0x39: {  	_ = 	snop;
	(pc) =	sbr.ind lr, $3  }
0x3a: {  	_ = 	snop  }
0x3b: {  	_ = 	snop  }
0x3c: {  	p2 =	seq.s32 s10, $0x1;
	s10 =	sld [smem:$0x3FB0]  }
0x3d: {  	_ =	shalt  }
0x3e: {  	_ =	shalt  }
0x3f: {  	_ =	shalt  }
0x40: {  	_ =	shalt  }
0x41: {  	_ =	shalt  }
0x42: {  	_ =	shalt  }
0x43: {  	_ =	shalt  }
0x44: {  	_ =	shalt  }
0x45: {  	_ =	shalt  }
0x46: {  	_ =	shalt  }
0x47: {  	_ =	shalt  }
0x48: {  	_ =	shalt  }
0x49: {  	_ =	shalt  }
0x4a: {  	_ =	shalt  }
0x4b: {  	_ =	shalt  }
0x4c: {  	_ =	shalt  }
0x4d: {  	_ =	shalt  }
0x4e: {  	_ =	shalt  }
0x4f: {  	_ =	shalt  }
0x50: {  	_ =	shalt  }
0x51: {  	_ =	shalt  }
0x52: {  	_ =	shalt  }
0x53: {  	_ =	shalt  }
0x54: {  	_ =	shalt  }
0x55: {  	_ =	shalt  }
0x56: {  	_ =	shalt  }
0x57: {  	_ =	shalt  }
0x58: {  	_ =	shalt  }
0x59: {  	_ =	shalt  }
0x5a: {  	_ =	shalt  }
0x5b: {  	_ =	shalt  }
0x5c: {  	_ =	shalt  }
0x5d: {  	_ =	shalt  }
0x5e: {  	_ =	shalt  }
0x5f: {  	_ =	shalt  }
0x60: {  	_ =	shalt  }
0x61: {  	_ =	shalt  }
0x62: {  	_ =	shalt  }
0x63: {  	_ =	shalt  }
0x64: {  	_ =	shalt  }
0x65: {  	_ =	shalt  }
0x66: {  	_ =	shalt  }
0x67: {  	_ =	shalt  }
0x68: {  	_ =	shalt  }
0x69: {  	_ =	shalt  }
0x6a: {  	_ =	shalt  }
0x6b: {  	_ =	shalt  }
0x6c: {  	_ =	shalt  }
0x6d: {  	_ =	shalt  }
0x6e: {  	_ =	shalt  }
0x6f: {  	_ =	shalt  }
0x70: {  	_ =	shalt  }
0x71: {  	_ =	shalt  }
0x72: {  	_ =	shalt  }
0x73: {  	_ =	shalt  }
0x74: {  	_ =	shalt  }
0x75: {  	_ =	shalt  }
0x76: {  	_ =	shalt  }
0x77: {  	_ =	shalt  }
0x78: {  	_ =	shalt  }
0x79: {  	_ =	shalt  }
0x7a: {  	_ =	shalt  }
0x7b: {  	_ =	shalt  }
0x7c: {  	_ =	shalt  }
0x7d: {  	_ =	shalt  }
0x7e: {  	_ =	shalt  }
0x7f: {  	_ =	shalt  }
0x80: {  	_ =	shalt  }
0x81: {  	_ =	shalt  }
0x82: {  	_ =	shalt  }
0x83: {  	_ =	shalt  }
0x84: {  	_ =	shalt  }
0x85: {  	_ =	shalt  }
0x86: {  	_ =	shalt  }
0x87: {  	_ =	shalt  }
.Lfunc_end0:
.L_simem_size_0:
called_computation_lowered:
.L_overlay_start_0:
0x88: {  	s2 =	sld [smem:$0x3FD9]  }
0x89: {  	s3 =	sld [smem:$0x3FFE];
	_ =	sdelay $0x1  }
0x8a: {  	s1 =	srdreg.scid  }
0x8b: {  	s0 =	sand.u32 $0x1, s1  }
0x8c: {  	s17 =	sshll.u32 s0, $0xA;
	s2 =	sadd.s32 s3, s2  }
0x8d: {  	s2 =	sadd.s32 s2, s17  }
0x8e: {  	[smem:$0x3FBC] =	sst s2  }
0x8f: {  	_ = 	snop  }
0x90: {  	s2 =	sld [smem:$0x3FD0];
	(tm) =	ssettm $0x1  }
0x91: {  	s18 =	sld [smem:$0x3FFB];
	_ =	sdelay $0x3  }
0x92: {  	_ =	strace s18  }
0x93: {  	s3 =	sld [smem:$0x3FFC];
	_ =	sdelay $0x3  }
0x94: {  	_ =	strace s3  }
0x95: {  	s3 =	sld [smem:$0x3FFD];
	_ =	sdelay $0x3  }
0x96: {  	_ =	strace s3  }
0x97: {  	_ =	strace $0x8FFFFFFF  }
0x98: {  	s19 =	sld [smem:$0x3FDB];
	_ =	sdelay $0x1  }
0x99: {  	s4 =	simm.s32 $_scs_section_size  }
0x9a: {  	s5 =	simm.s32 $_size__tile_overlayer_lowered;
	s6 =	simm.s32 $_tile_overlayer_lowered  }
0x9b: {  	s22 =	simm.s32 $0x1BFF;
	s21 =	sshll.u32 s6, $0x1;
	s3 =	sadd.s32 s4, s19  }
0x9c: {  	s7 =	simm.s32 $0x0;
	s20 =	sshll.u32 s5, $0x1;
	s5 =	sadd.s32 s21, s3  }
0x9d: {  	[timem:s7], [sflag:s22] =	dma.local [hbm:s5], s20  }
0x9e: {  	_ =	swait.ge [sflag:s22], s20  }
0x9f: {  	s4 =	ssub.s32 $0x0, s20;
	[sflag:s22] =	ssyncset.done $0x0  }
0xa0: {  	[sflag:s22] =	ssyncadd.s32 s4;
	_ =	sdelay $0x1  }
0xa1: {  	s23 =	simm.s32 $0x1B8B  }
0xa2: {  	_ =	swait.ge [sflag:s23], $0x1  }
0xa3: {  	[sflag:s23] =	ssyncset.done $0x0  }
0xa4: {  	s25 =	simm.s32 $0x1B8E;
	s24 =	sld [smem:$0x3FFE];
	[sflag:s23] =	ssyncadd.s32 $0xFFFFFFFF  }
0xa5: {  	s26 =	simm.s32 $execute0_lowered;
	[smem:$0x3FD2] =	sst s25  }
0xa6: {  	s5 =	sshll.u32 s26, $0x1;
	_ =	strace $0x80000046;
	[dreg:$0x1] =	wrdreg $0xFFFFFFFF  }
0xa7: {  	s28 =	simm.s32 $_size_execute0_lowered;
	s3 =	sadd.s32 s3, s5;
	[dreg:$0x0] =	wrdreg $0x0  }
0xa8: {  	s5 =	sshll.u32 s28, $0x1;
	[dreg:$0x2] =	wrdreg s3  }
0xa9: {  	[dreg:$0x3] =	wrdreg s5  }
0xaa: {  	[dreg:$0x4] =	wrdreg $0xC0  }
0xab: {  	_ =	task [dreg:s7], $0x5FFFF  }
0xac: {  	[dreg:$0x1] =	wrdreg $0xFFFFFFFF  }
0xad: {  	[dreg:$0x0] =	wrdreg $0x60  }
0xae: {  	[dreg:$0x2] =	wrdreg s24  }
0xaf: {  	[dreg:$0x3] =	wrdreg s2  }
0xb0: {  	[dreg:$0x4] =	wrdreg $0x50E80  }
0xb1: {  	[dreg:$0x5] =	wrdreg $0x53600  }
0xb2: {  	[dreg:$0x6] =	wrdreg $0x9  }
0xb3: {  	_ =	task.clear_ibuf [dreg:s7], $0x7FFFF;
	_ =	strace $0x90000046  }
0xb4: {  	s29 =	simm.s32 $0x9;
	_ =	strace $0x80000048  }
0xb5: {  	_ =	swait.ge [sflag:s29], $0x1  }
0xb6: {  	[sflag:s29] =	ssyncadd.s32 $0xFFFFFFFF  }
0xb7: {  	_ =	strace $0x90000048  }
0xb8: {  	_ =	sfence  }
0xb9: {  	s30 =	sld [smem:$0x0];
	_ =	sdelay $0x2  }
0xba: {  	s31 =	sshll.u32 s1, $0xD;
	s1 =	sshrl.u32 s1, $0x2  }
0xbb: {  	s3 =	sand.u32 $0x4000, s31;
	s1 =	sadd.s32 s1, s30  }
0xbc: {  	s0 =	sor.u32 s3, s0;
	s1 =	sshll.u32 s1, $0x11  }
0xbd: {  	s0 =	sor.u32 s1, s0  }
0xbe: {  	s0 =	sadd.s32 $0x8F2B, s0  }
0xbf: {  	[sflag:s0] =	ssyncadd.remote.s32 $0x1  }
0xc0: {  	_ =	sfence.sel $0xFFFF  }
0xc1: {  	[dreg:$0x0] =	wrdreg $0xFFFFFFFF;
	(pc) =	sbr.abs _section_cstart, $3  }
0xc2: {  	[dreg:$0x1] =	wrdreg $0xFFFFFFFF  }
0xc3: {  	_ =	task.clear_ibuf [dreg:s7], $0x2FFFF;
	_ =	strace $0x9FFFFFFF  }
0xc4: {  	(tm) =	ssettm $0x7FFFFFFF  }
0xc5: {  	_ =	shalt  }
tec
execute0_lowered:
.L_overlay_start_1:
0x0: {  	(tag) =	ssettag $0x1  }
0x1: {  	s5 =	rddreg [dreg:$0x0]  }
0x2: {  	s9 =	rddreg [dreg:$0x1]  }
0x3: {  	s2 =	rddreg [dreg:$0x2]  }
0x4: {  	s3 =	rddreg [dreg:$0x3];
	s4 =	srdreg.scid  }
0x5: {  	s1 =	stileid.u32;
	s0 =	rddreg [dreg:$0x4];
	s13 =	simm.s32 $0x2710  }
0x6: {  	s14 =	simm.s32 $0x4E70;
	s15 =	simm.s32 $0x50;
	s16 =	simm.s32 $0x4E20  }
0x7: {  	s17 =	simm.s32 $0x1;
	s21 =	simm.s32 $0x0;
	s6 =	sand.u32 $0x1, s4  }
0x8: {  	s8 =	smul.u32 $0x278, s1;
	s4 =	simm.s32 $0x0;
	s7 =	sshll.u32 s1, $0x1  }
0x9: {  	s18 =	sshll.u32 s1, $0x6;
	s10 =	smul.u32 $0x2780, s6;
	[smem:$0x7FF] =	sst s4  }
0xa: {  	s7 =	sor.u32 s6, s7;
	s6 =	ssub.s32 $0x2, s6;
	s18 =	sor.u32 $0x1C02, s18  }
0xb: {  	s7 =	smul.u32 $0x4E2, s7;
	s11 =	sshrl.u32 s6, $0x1;
	s10 =	sadd.s32 s8, s10  }
0xc: {  	_ =	strace $0x80000047;
	s11 =	ssub.s32 s6, s11;
	s10 =	sshrl.u32 s10, $0x3  }
0xd: {  	s7 =	sadd.s32 s7, s5;
	s11 =	smax.u32 s11, $0x1;
	s12 =	sadd.s32 s10, s5  }
0xe: {  	s5 =	sadd.s32 $0xCC00, s7;
	s6 =	sadd.s32 $0x2E00, s7;
	s7 =	sadd.s32 s8, s2  }
0xf: {  	s8 =	sadd.s32 s8, s3;
	s9 =	sadd.s32 s9, s10;
	s10 =	sadd.s32 $0x16A00, s12  }
0x10: {  	v0 =	vimm.f32 $0.0e+00;
	v1 =	vimm.f32 $1.000000000e+00;
	s12 =	simm.s32 $0x2;
	s19 =	sshrl.u32 s7, $0x3;
	s20 =	sshrl.u32 s8, $0x3  }
.LBB2_1:
0x11: {  	[tilespmem:$0x4E70] =	vst v0  }
0x12: {  	[tilespmem:$0x4E80] =	vst v0  }
0x13: {  	[tilespmem:$0x4E90] =	vst v0  }
0x14: {  	[tilespmem:$0x4EA0] =	vst v0  }
0x15: {  	[tilespmem:$0x4EB0] =	vst v0  }
0x16: {  	[tilespmem:$0x4EC0] =	vst v0  }
0x17: {  	[tilespmem:$0x4ED0] =	vst v0  }
0x18: {  	[tilespmem:$0x4EE0] =	vst v0  }
0x19: {  	[tilespmem:$0x4EF0] =	vst v0  }
0x1a: {  	[tilespmem:$0x4F00] =	vst v0  }
0x1b: {  	[tilespmem:$0x4F10] =	vst v0  }
0x1c: {  	[tilespmem:$0x4F20] =	vst v0  }
0x1d: {  	[tilespmem:$0x4F30] =	vst v0  }
0x1e: {  	[tilespmem:$0x4F40] =	vst v0  }
0x1f: {  	[tilespmem:$0x4F50] =	vst v0  }
0x20: {  	[tilespmem:$0x4F60] =	vst v0  }
0x21: {  	[tilespmem:$0x4F70] =	vst v0  }
0x22: {  	[tilespmem:$0x4F80] =	vst v0  }
0x23: {  	[tilespmem:$0x4F90] =	vst v0  }
0x24: {  	[tilespmem:$0x4FA0] =	vst v0  }
0x25: {  	[tilespmem:$0x4FB0] =	vst v0  }
0x26: {  	[tilespmem:$0x4FC0] =	vst v0  }
0x27: {  	[tilespmem:$0x4FD0] =	vst v0  }
0x28: {  	[tilespmem:$0x4FE0] =	vst v0  }
0x29: {  	[tilespmem:$0x4FF0] =	vst v0  }
0x2a: {  	[tilespmem:$0x5000] =	vst v0  }
0x2b: {  	[tilespmem:$0x5010] =	vst v0  }
0x2c: {  	[tilespmem:$0x5020] =	vst v0  }
0x2d: {  	[tilespmem:$0x5030] =	vst v0  }
0x2e: {  	[tilespmem:$0x5040] =	vst v0  }
0x2f: {  	[tilespmem:$0x5050] =	vst v0  }
0x30: {  	[tilespmem:$0x5060] =	vst v0  }
0x31: {  	[tilespmem:$0x5070] =	vst v0  }
0x32: {  	[tilespmem:$0x5080] =	vst v0  }
0x33: {  	[tilespmem:$0x5090] =	vst v0  }
0x34: {  	[tilespmem:$0x50A0] =	vst v0  }
0x35: {  	[tilespmem:$0x50B0] =	vst v0  }
0x36: {  	[tilespmem:$0x50C0] =	vst v0  }
0x37: {  	[tilespmem:$0x50D0] =	vst v0  }
0x38: {  	[tilespmem:$0x4E20] =	vst v1  }
0x39: {  	[tilespmem:$0x4E30] =	vst v1  }
0x3a: {  	[tilespmem:$0x4E40] =	vst v1  }
0x3b: {  	[tilespmem:$0x4E50] =	vst v1  }
0x3c: {  	[tilespmem:$0x4E60] =	vst v1  }
0x3d: {  	[tilespmem:s4], [sflag:$0x2] =	stream.linear.gather [hbm4b:s5+s4], $0x2710, $0x38;
	[tilespmem:$0x55D8] =	vst v63  }
0x3e: {  	_ =	swait.ge [sflag:s12], $0x2710  }
0x3f: {  	[sflag:s12] =	ssyncset.done $0x0  }
0x40: {  	[sflag:s12] =	ssyncadd.s32 $0xFFFFD8F0  }
0x41: {  	[tilespmem:s13], [sflag:$0x2] =	stream.linear.gather [hbm4b:s6+s4], $0x2710, $0x38;
	[tilespmem:$0x55D8] =	vst v63  }
0x42: {  	_ =	swait.ge [sflag:s12], $0x2710  }
0x43: {  	[sflag:s12] =	ssyncset.done $0x0  }
0x44: {  	[sflag:s12] =	ssyncadd.s32 $0xFFFFD8F0  }
0x45: {  	[spmem:s7] =	stream.linear.scatter [tilespmem:s14], [sflag:$0x2], $0x278, $0x38;
	[tilespmem:$0x55D8] =	vst v63  }
0x46: {  	_ =	swait.ge [sflag:s12], $0x278  }
0x47: {  	[sflag:s12] =	ssyncset.done $0x0  }
0x48: {  	[sflag:s12] =	ssyncadd.s32 $0xFFFFFD88  }
0x49: {  	[spmem:s8] =	stream.linear.scatter [tilespmem:s14], [sflag:$0x2], $0x278, $0x38;
	[tilespmem:$0x55D8] =	vst v63  }
0x4a: {  	_ =	swait.ge [sflag:s12], $0x278  }
0x4b: {  	[sflag:s12] =	ssyncset.done $0x0  }
0x4c: {  	[sflag:s12] =	ssyncadd.s32 $0xFFFFFD88  }
0x4d: {  	[bflag:$0x0] =	sbarrier.arrive $0xFFFF  }
0x4e: {  	[spmem:s2] =	stream.indirect.scatter.add.f32 [tilespmem:s16], [sflag:$0x1], $0x1, s4, s15, $0xb8;
	[tilespmem:$0x55D8] =	vst v63  }
0x4f: {  	_ = 	snop  }
0x50: {  	[spmem:s3] =	stream.indirect.scatter.add.f32 [tilespmem:s16], [sflag:$0x1], $0x1, s13, s15, $0xb8;
	[tilespmem:$0x55D8] =	vst v63  }
0x51: {  	s22 =	simm.s32 $0x50  }
0x52: {  	[spmem:s2] =	stream.indirect.scatter.add.f32 [tilespmem:s16], [sflag:$0x1], $0x1, s22, s15, $0xb8;
	[tilespmem:$0x55D8] =	vst v63  }
0x53: {  	s31 =	simm.s32 $0x2760  }
0x54: {  	[spmem:s3] =	stream.indirect.scatter.add.f32 [tilespmem:s16], [sflag:$0x1], $0x1, s31, s15, $0xb8;
	[tilespmem:$0x55D8] =	vst v63  }
0x55: {  	_ =	swait.ge [sflag:s17], $0x50  }
0x56: {  	[sflag:s17] =	ssyncset.done $0x0  }
0x57: {  	[sflag:s17] =	ssyncadd.s32 $0xFFFFFFB0  }
0x58: {  	_ =	swait.ge [sflag:s17], $0x50  }
0x59: {  	s23 =	simm.s32 $0x3C0;
	s22 =	simm.s32 $0x280;
	[sflag:s17] =	ssyncset.done $0x0  }
.LBB2_2:
0x5a: {  	s24 =	sshra.s32 s22, $0x2  }
0x5b: {  	[sflag:s17] =	ssyncadd.s32 $0xFFFFFFB0;
	s22 =	smov.u32 s23;
	s25 =	sadd.s32 $0x140, s23  }
0x5c: {  	[spmem:s2] =	stream.indirect.scatter.add.f32 [tilespmem:s16], [sflag:$0x1], $0x1, s24, s15, $0xb8;
	[tilespmem:$0x55D8] =	vst v63  }
0x5d: {  	p0 =	sne.s32 s23, $0x9B00;
	s23 =	sadd.s32 $0x2710, s24  }
0x5e: {  	[spmem:s3] =	stream.indirect.scatter.add.f32 [tilespmem:s16], [sflag:$0x1], $0x1, s23, s15, $0xb8;
	[tilespmem:$0x55D8] =	vst v63  }
.Ltmp0:
0x5f: {  	_ =	swait.ge [sflag:s17], $0x50;
	(pc) =	sbr.rel @p0 .LBB2_2-.Ltmp0, $4  }
0x60: {  	[sflag:s17] =	ssyncset.done $0x0  }
0x61: {  	[sflag:s17] =	ssyncadd.s32 $0xFFFFFFB0  }
0x62: {  	_ =	swait.ge [sflag:s17], $0x50  }
0x63: {  	s23 =	smov.u32 s25;
	[sflag:s17] =	ssyncset.done $0x0  }
0x64: {  	s22 =	sshra.s32 s22, $0x2;
	[sflag:s17] =	ssyncadd.s32 $0xFFFFFFB0  }
0x65: {  	[spmem:s2] =	stream.indirect.scatter.add.f32 [tilespmem:s16], [sflag:$0x1], $0x1, s22, s15, $0xb8;
	[tilespmem:$0x55D8] =	vst v63  }
0x66: {  	s22 =	sadd.s32 $0x2710, s22  }
0x67: {  	[spmem:s3] =	stream.indirect.scatter.add.f32 [tilespmem:s16], [sflag:$0x1], $0x1, s22, s15, $0xb8;
	[tilespmem:$0x55D8] =	vst v63  }
0x68: {  	_ =	swait.ge [sflag:s17], $0x50  }
0x69: {  	[sflag:s17] =	ssyncset.done $0x0  }
0x6a: {  	[sflag:s17] =	ssyncadd.s32 $0xFFFFFFB0  }
0x6b: {  	_ =	swait.ge [sflag:s17], $0x50  }
0x6c: {  	[sflag:s17] =	ssyncset.done $0x0  }
0x6d: {  	[sflag:s17] =	ssyncadd.s32 $0xFFFFFFB0  }
0x6e: {  	_ =	swait.ge [sflag:s17], $0x50  }
0x6f: {  	[sflag:s17] =	ssyncset.done $0x0  }
0x70: {  	[sflag:s17] =	ssyncadd.s32 $0xFFFFFFB0  }
0x71: {  	_ =	swait.ge [sflag:s17], $0x50  }
0x72: {  	[sflag:s17] =	ssyncset.done $0x0  }
0x73: {  	[sflag:s17] =	ssyncadd.s32 $0xFFFFFFB0  }
0x74: {  	[bflag:$0x0] =	sbarrier.arrive $0xFFFF  }
0x75: {  	[hbm:s9], [sflag:s18] =	dma.local [spmem:s19], $0x4F  }
0x76: {  	s21 =	sadd.s32 $0x1, s21;
	_ =	swait.ge [sflag:s12], $0x4F  }
0x77: {  	p0 =	sne.s32 s21, s11;
	[sflag:s12] =	ssyncset.done $0x0  }
.Ltmp1:
0x78: {  	[sflag:s12] =	ssyncadd.s32 $0xFFFFFFB1;
	(pc) =	sbr.rel @p0 .LBB2_1-.Ltmp1, $4  }
0x79: {  	[hbm:s10], [sflag:s18] =	dma.local [spmem:s20], $0x4F  }
0x7a: {  	_ =	swait.ge [sflag:s12], $0x4F  }
0x7b: {  	[sflag:s12] =	ssyncset.done $0x0  }
0x7c: {  	[sflag:s12] =	ssyncadd.s32 $0xFFFFFFB1  }
0x7d: {  	_ =	sfence.sel $0x180000  }
0x7e: {  	[bflag:$0x0] =	sbarrier.arrive $0xFFFF  }
0x7f: {  	p0 =	sne.s32 s1, $0x0;
	_ =	strace $0x90000047  }
0x80: {  	s0 =	sadd.s32 @!p0 $0x100000, s0;
	[bflag:$0x2] =	sbarrier.arrive $0xFFFF  }
0x81: {  	[sflag:s0] =	ssyncadd.tile.s32 @!p0 $0x1;
	_ =	shalt  }
.Lfunc_end2:
_tile_overlayer_lowered:
.L_overlay_start_2:
0x82: {  	(tag) =	ssettag $0x2  }
0x83: {  	s0 =	rddreg [dreg:$0x0];
	s2 =	stileid.u32  }
0x84: {  	s1 =	rddreg [dreg:$0x1];
	p0 =	sne.s32 s2, $0x0  }
0x85: {  	s3 =	rddreg [dreg:$0x2];
	[bflag:$0x3] =	sbarrier.arrive $0xFFFF;
	s2 =	simm.s32 @!p0 $0x1C02  }
0x86: {  	[timem:s3], [sflag:s2] =	dma.local @!p0 [hbm:s0], s1  }
0x87: {  	s0 =	simm.s32 @!p0 $0x2  }
0x88: {  	_ =	swait.ge @!p0 [sflag:s0], s1  }
0x89: {  	s1 =	ssub.s32 @!p0 $0x0, s1;
	[sflag:s0] =	ssyncset.done @!p0 $0x0  }
0x8a: {  	[sflag:s0] =	ssyncadd.s32 @!p0 s1  }
0x8b: {  	[bflag:$0x3] =	sbarrier.arrive $0xFFFF  }
0x8c: {  	_ =	shalt  }

// kernel: kernel.13.cloned.1.call-start
scs
__scs_entry_jumppad:
0x0: {  	(pc) =	sbr.rel $0x88, $3  }
0x1: {  	(tag) =	ssettag $0x0;
	lr =	simm.s32 $0x1  }
0x2: {  	[smem:$0x3F95] =	sst lr;
	_ =	strace $0xD0000000  }
0x3: {  	_ = 	snop  }
0x4: {  	_ = 	snop  }
0x5: {  	_ = 	snop  }
0x6: {  	_ = 	snop  }
0x7: {  	_ = 	snop  }
__scs_overlays_trampoline_lowered:
0x8: {  	[smem:$0x3FA4] =	sst s0  }
0x9: {  	[smem:$0x3FA5] =	sst s1  }
0xa: {  	[smem:$0x3FA6] =	sst s2  }
0xb: {  	[smem:$0x3FA7] =	sst s3  }
0xc: {  	[smem:$0x3FA8] =	sst s4  }
0xd: {  	[smem:$0x3FA9] =	sst s5  }
0xe: {  	[smem:$0x3FAA] =	sst s6  }
0xf: {  	[smem:$0x3FAB] =	sst s7  }
0x10: {  	[smem:$0x3FAC] =	sst s8  }
0x11: {  	[smem:$0x3FAD] =	sst s9;
	s0 =	simm.s32 @!p0 $0x0  }
0x12: {  	s1 =	sld [smem:$0x3F93];
	s0 =	simm.s32 @p0 $0x1  }
0x13: {  	[smem:$0x3FAE] =	sst s0;
	s0 =	simm.s32 @!p1 $0x0  }
0x14: {  	s2 =	sld [smem:$0x3F92];
	s0 =	simm.s32 @p1 $0x1  }
0x15: {  	[smem:$0x3FAF] =	sst s0;
	s0 =	simm.s32 @!p2 $0x0  }
0x16: {  	s3 =	sld [smem:$0x3FDB];
	s0 =	simm.s32 @p2 $0x1  }
0x17: {  	s4 =	simm.s32 $0x1BF5;
	[smem:$0x3FB1] =	sst s0  }
0x18: {  	s0 =	sld [smem:$0x3F94];
	_ =	swait.ge [sflag:s4], $0x0  }
0x19: {  	s7 =	sld [smem:$0x3F95]  }
0x1a: {  	s8 =	sadd.s32 $0xFFFFE003, lr  }
0x1b: {  	s9 =	sadd.s32 $0xFFFFFEF7, lr;
	s5 =	simm.s32 $0xFFFFFFFF;
	p2 =	slt.u32 s8, $0xFFFFF086  }
0x1c: {  	p1 =	slt.u32 s9, $0xF7A;
	s5 =	simm.s32 @!p2 $0x0  }
0x1d: {  	s5 =	simm.s32 @p1 $0x1;
	p0 =	seq.s32 s7, s2  }
0x1e: {  	s7 =	smul.u32 @!p0 $0xF7A, s2;
	p2 =	seq.s32 @!p0 s5, $0x0  }
0x1f: {  	s9 =	smul.u32 $0xF7A, s1;
	s8 =	simm.s32 @!p0 $0x1BF5;
	p2 =	por !p2, p0  }
0x20: {  	[sflag:s8] =	ssyncset.s32 @!p0 $0xFFFFF086;
	s6 =	sadd.s32 @!p0 s3, s7;
	s7 =	simm.s32 @!p0 $0x108  }
0x21: {  	s3 =	sadd.s32 s3, s9;
	s6 =	sadd.s32 @!p0 $0x88, s6;
	s7 =	simm.s32 @p2 $0x1082  }
0x22: {  	[simem:s7], [sflag:s8] =	dma.local @!p0 [hbm:s6], $0xF7A  }
0x23: {  	s9 =	sor.u32 $0xD0000000, s2;
	s6 =	simm.s32 $0x108;
	_ =	swait.ge @!p0 [sflag:s8], $0x0  }
0x24: {  	s3 =	sadd.s32 $0x88, s3;
	s6 =	simm.s32 @!p1 $0x1082;
	[sflag:s4] =	ssyncset.s32 $0xFFFFF086  }
0x25: {  	[simem:s6], [sflag:s4] =	dma.local [hbm:s3], $0xF7A  }
0x26: {  	[smem:$0x3F95] =	sst s1;
	(tag) =	ssettag s2;
	_ =	strace s9  }
0x27: {  	s1 =	sld [smem:$0x3FA5]  }
0x28: {  	s2 =	sld [smem:$0x3FA6]  }
0x29: {  	s4 =	sld [smem:$0x3FA8]  }
0x2a: {  	p0 =	seq.s32 s5, $0x0;
	s5 =	sld [smem:$0x3FA9]  }
0x2b: {  	s6 =	sld [smem:$0x3FAA]  }
0x2c: {  	s7 =	sld [smem:$0x3FAB]  }
0x2d: {  	s3 =	simm.s32 $0x108;
	s8 =	sld [smem:$0x3FAC]  }
0x2e: {  	s3 =	simm.s32 @!p0 $0x1082;
	s9 =	sld [smem:$0x3FAD]  }
0x2f: {  	lr =	sadd.s32 s0, s3;
	s0 =	sld [smem:$0x3FA4]  }
0x30: {  	s3 =	sld [smem:$0x3FA7]  }
0x31: {  	[smem:$0x3FB0] =	sst s10  }
0x32: {  	s10 =	sld [smem:$0x3FAE];
	_ =	sdelay $0x3  }
0x33: {  	p0 =	seq.s32 s10, $0x1;
	s10 =	sld [smem:$0x3FB0];
	_ =	sdelay $0x3  }
0x34: {  	[smem:$0x3FB0] =	sst s10  }
0x35: {  	s10 =	sld [smem:$0x3FAF];
	_ =	sdelay $0x3  }
0x36: {  	p1 =	seq.s32 s10, $0x1;
	s10 =	sld [smem:$0x3FB0];
	_ =	sdelay $0x3  }
0x37: {  	[smem:$0x3FB0] =	sst s10  }
0x38: {  	s10 =	sld [smem:$0x3FB1]  }
0x39: {  	_ = 	snop;
	(pc) =	sbr.ind lr, $3  }
0x3a: {  	_ = 	snop  }
0x3b: {  	_ = 	snop  }
0x3c: {  	p2 =	seq.s32 s10, $0x1;
	s10 =	sld [smem:$0x3FB0]  }
0x3d: {  	_ =	shalt  }
0x3e: {  	_ =	shalt  }
0x3f: {  	_ =	shalt  }
0x40: {  	_ =	shalt  }
0x41: {  	_ =	shalt  }
0x42: {  	_ =	shalt  }
0x43: {  	_ =	shalt  }
0x44: {  	_ =	shalt  }
0x45: {  	_ =	shalt  }
0x46: {  	_ =	shalt  }
0x47: {  	_ =	shalt  }
0x48: {  	_ =	shalt  }
0x49: {  	_ =	shalt  }
0x4a: {  	_ =	shalt  }
0x4b: {  	_ =	shalt  }
0x4c: {  	_ =	shalt  }
0x4d: {  	_ =	shalt  }
0x4e: {  	_ =	shalt  }
0x4f: {  	_ =	shalt  }
0x50: {  	_ =	shalt  }
0x51: {  	_ =	shalt  }
0x52: {  	_ =	shalt  }
0x53: {  	_ =	shalt  }
0x54: {  	_ =	shalt  }
0x55: {  	_ =	shalt  }
0x56: {  	_ =	shalt  }
0x57: {  	_ =	shalt  }
0x58: {  	_ =	shalt  }
0x59: {  	_ =	shalt  }
0x5a: {  	_ =	shalt  }
0x5b: {  	_ =	shalt  }
0x5c: {  	_ =	shalt  }
0x5d: {  	_ =	shalt  }
0x5e: {  	_ =	shalt  }
0x5f: {  	_ =	shalt  }
0x60: {  	_ =	shalt  }
0x61: {  	_ =	shalt  }
0x62: {  	_ =	shalt  }
0x63: {  	_ =	shalt  }
0x64: {  	_ =	shalt  }
0x65: {  	_ =	shalt  }
0x66: {  	_ =	shalt  }
0x67: {  	_ =	shalt  }
0x68: {  	_ =	shalt  }
0x69: {  	_ =	shalt  }
0x6a: {  	_ =	shalt  }
0x6b: {  	_ =	shalt  }
0x6c: {  	_ =	shalt  }
0x6d: {  	_ =	shalt  }
0x6e: {  	_ =	shalt  }
0x6f: {  	_ =	shalt  }
0x70: {  	_ =	shalt  }
0x71: {  	_ =	shalt  }
0x72: {  	_ =	shalt  }
0x73: {  	_ =	shalt  }
0x74: {  	_ =	shalt  }
0x75: {  	_ =	shalt  }
0x76: {  	_ =	shalt  }
0x77: {  	_ =	shalt  }
0x78: {  	_ =	shalt  }
0x79: {  	_ =	shalt  }
0x7a: {  	_ =	shalt  }
0x7b: {  	_ =	shalt  }
0x7c: {  	_ =	shalt  }
0x7d: {  	_ =	shalt  }
0x7e: {  	_ =	shalt  }
0x7f: {  	_ =	shalt  }
0x80: {  	_ =	shalt  }
0x81: {  	_ =	shalt  }
0x82: {  	_ =	shalt  }
0x83: {  	_ =	shalt  }
0x84: {  	_ =	shalt  }
0x85: {  	_ =	shalt  }
0x86: {  	_ =	shalt  }
0x87: {  	_ =	shalt  }
.Lfunc_end0:
.L_simem_size_0:
called_computation.1_lowered:
.L_overlay_start_0:
0x88: {  	s2 =	sld [smem:$0x3FD9]  }
0x89: {  	s3 =	sld [smem:$0x3FFE];
	_ =	sdelay $0x1  }
0x8a: {  	s1 =	srdreg.scid  }
0x8b: {  	s0 =	sand.u32 $0x1, s1  }
0x8c: {  	s16 =	sshll.u32 s0, $0xA;
	s2 =	sadd.s32 s3, s2  }
0x8d: {  	s2 =	sadd.s32 s2, s16  }
0x8e: {  	[smem:$0x3FBC] =	sst s2  }
0x8f: {  	_ = 	snop  }
0x90: {  	(tm) =	ssettm $0x1  }
0x91: {  	s17 =	sld [smem:$0x3FFB];
	_ =	sdelay $0x3  }
0x92: {  	_ =	strace s17  }
0x93: {  	s2 =	sld [smem:$0x3FFC];
	_ =	sdelay $0x3  }
0x94: {  	_ =	strace s2  }
0x95: {  	s2 =	sld [smem:$0x3FFD];
	_ =	sdelay $0x3  }
0x96: {  	_ =	strace s2  }
0x97: {  	_ =	strace $0x8FFFFFFF  }
0x98: {  	s18 =	sld [smem:$0x3FDB];
	_ =	sdelay $0x1  }
0x99: {  	s19 =	simm.s32 $_scs_section_size  }
0x9a: {  	s4 =	simm.s32 $_size__tile_overlayer_lowered;
	s5 =	simm.s32 $_tile_overlayer_lowered  }
0x9b: {  	s22 =	simm.s32 $0x1BFF;
	s21 =	sshll.u32 s5, $0x1;
	s2 =	sadd.s32 s19, s18  }
0x9c: {  	s6 =	simm.s32 $0x0;
	s20 =	sshll.u32 s4, $0x1;
	s4 =	sadd.s32 s21, s2  }
0x9d: {  	[timem:s6], [sflag:s22] =	dma.local [hbm:s4], s20  }
0x9e: {  	_ =	swait.ge [sflag:s22], s20  }
0x9f: {  	s3 =	ssub.s32 $0x0, s20;
	[sflag:s22] =	ssyncset.done $0x0  }
0xa0: {  	[sflag:s22] =	ssyncadd.s32 s3;
	_ =	sdelay $0x1  }
0xa1: {  	s23 =	simm.s32 $0x1B8B  }
0xa2: {  	_ =	swait.ge [sflag:s23], $0x1  }
0xa3: {  	[sflag:s23] =	ssyncset.done $0x0  }
0xa4: {  	s25 =	simm.s32 $0x1B8E;
	s24 =	sld [smem:$0x3FFE];
	[sflag:s23] =	ssyncadd.s32 $0xFFFFFFFF  }
0xa5: {  	s26 =	simm.s32 $execute0_lowered;
	[smem:$0x3FD2] =	sst s25  }
0xa6: {  	s4 =	sshll.u32 s26, $0x1;
	_ =	strace $0x80000049;
	[dreg:$0x1] =	wrdreg $0xFFFFFFFF  }
0xa7: {  	s28 =	simm.s32 $_size_execute0_lowered;
	s2 =	sadd.s32 s2, s4;
	[dreg:$0x0] =	wrdreg $0x0  }
0xa8: {  	s4 =	sshll.u32 s28, $0x1;
	[dreg:$0x2] =	wrdreg s2  }
0xa9: {  	[dreg:$0x3] =	wrdreg s4  }
0xaa: {  	[dreg:$0x4] =	wrdreg $0xC0  }
0xab: {  	_ =	task [dreg:s6], $0x5FFFF  }
0xac: {  	[dreg:$0x1] =	wrdreg $0xFFFFFFFF  }
0xad: {  	[dreg:$0x0] =	wrdreg $0x60  }
0xae: {  	[dreg:$0x2] =	wrdreg s24  }
0xaf: {  	[dreg:$0x3] =	wrdreg $0xBE200  }
0xb0: {  	[dreg:$0x4] =	wrdreg $0x9  }
0xb1: {  	_ =	task.clear_ibuf [dreg:s6], $0x5FFFF;
	_ =	strace $0x90000049  }
0xb2: {  	s29 =	simm.s32 $0x9;
	_ =	strace $0x8000004B  }
0xb3: {  	_ =	swait.ge [sflag:s29], $0x1  }
0xb4: {  	[sflag:s29] =	ssyncadd.s32 $0xFFFFFFFF  }
0xb5: {  	_ =	strace $0x9000004B  }
0xb6: {  	_ =	sfence  }
0xb7: {  	s30 =	sld [smem:$0x0];
	_ =	sdelay $0x2  }
0xb8: {  	s31 =	sshll.u32 s1, $0xD;
	s1 =	sshrl.u32 s1, $0x2  }
0xb9: {  	s3 =	sand.u32 $0x4000, s31;
	s1 =	sadd.s32 s1, s30  }
0xba: {  	s0 =	sor.u32 s3, s0;
	s1 =	sshll.u32 s1, $0x11  }
0xbb: {  	s0 =	sor.u32 s1, s0  }
0xbc: {  	s0 =	sadd.s32 $0x8F2B, s0  }
0xbd: {  	[sflag:s0] =	ssyncadd.remote.s32 $0x1  }
0xbe: {  	_ =	sfence.sel $0xFFFF  }
0xbf: {  	[dreg:$0x0] =	wrdreg $0xFFFFFFFF;
	(pc) =	sbr.abs _section_cstart, $3  }
0xc0: {  	[dreg:$0x1] =	wrdreg $0xFFFFFFFF  }
0xc1: {  	_ =	task.clear_ibuf [dreg:s6], $0x2FFFF;
	_ =	strace $0x9FFFFFFF  }
0xc2: {  	(tm) =	ssettm $0x7FFFFFFF  }
0xc3: {  	_ =	shalt  }
tec
execute0_lowered:
.L_overlay_start_1:
0x0: {  	(tag) =	ssettag $0x1  }
0x1: {  	s1 =	srdreg.scid;
	s6 =	rddreg [dreg:$0x0]  }
0x2: {  	s0 =	stileid.u32;
	s2 =	rddreg [dreg:$0x1];
	s3 =	simm.s32 $0x0  }
0x3: {  	s19 =	simm.s32 $0x3;
	s21 =	simm.s32 $0x9E20;
	s22 =	simm.s32 $0x50  }
0x4: {  	s23 =	simm.s32 $0x4E20;
	s24 =	simm.s32 $0x7620;
	s26 =	simm.s32 $0x1  }
0x5: {  	s28 =	simm.s32 $0x2;
	s29 =	simm.s32 $0x4DD0;
	s5 =	sand.u32 $0x1, s1  }
0x6: {  	s31 =	sshll.u32 s0, $0x1;
	[smem:$0x7FF] =	sst s3;
	s10 =	smul.u32 $0x13C00, s0  }
0x7: {  	s4 =	sadd.s32 $0x17400, s6;
	s9 =	smul.u32 $0x4F000, s0;
	s1 =	sor.u32 s5, s31  }
0x8: {  	s8 =	smul.u32 $0x13C000, s5;
	_ =	strace $0x8000004A;
	s5 =	ssub.s32 $0x2, s5  }
0x9: {  	s7 =	smul.u32 $0x4E2, s1;
	s11 =	sshrl.u32 s5, $0x1;
	s9 =	sshrl.u32 s9, $0x2  }
0xa: {  	s25 =	sadd.s32 s10, s2;
	s8 =	sadd.s32 s10, s8;
	s11 =	ssub.s32 s5, s11  }
0xb: {  	s5 =	sadd.s32 s9, s2;
	s25 =	sshrl.u32 s25, $0x3;
	s7 =	sadd.s32 s7, s6  }
0xc: {  	s8 =	sshrl.u32 s8, $0x3;
	s10 =	smax.u32 s11, $0x1;
	s11 =	sadd.s32 $0x2000, s5  }
0xd: {  	s13 =	sadd.s32 $0x6000, s5;
	s14 =	sadd.s32 $0x8000, s5;
	s15 =	sadd.s32 $0xA000, s5  }
0xe: {  	s16 =	sadd.s32 $0xC000, s5;
	s17 =	sadd.s32 $0xE000, s5;
	s18 =	sadd.s32 $0x10000, s5  }
0xf: {  	s12 =	sadd.s32 s8, s6;
	s6 =	sadd.s32 $0xCC00, s7;
	s7 =	sadd.s32 $0x2E00, s7  }
0x10: {  	v0 =	vimm.f32 $0.0e+00;
	s8 =	sadd.s32 $0x12000, s5;
	s9 =	sadd.s32 $0x3E600, s12;
	s12 =	sadd.s32 $0x4000, s5  }
.LBB2_1:
0x11: {  	s30 =	simm.s32 $0x0;
	s31 =	simm.s32 $0x200  }
.LBB2_2:
0x12: {  	p0 =	sne.s32 s31, $0x7E00;
	[tilespmem:s30+$0x9E90] =	vst v0  }
0x13: {  	[tilespmem:s30+$0x9E20] =	vst v0  }
0x14: {  	[tilespmem:s30+$0x9E30] =	vst v0  }
.Ltmp0:
0x15: {  	[tilespmem:s30+$0x9E40] =	vst v0;
	(pc) =	sbr.rel @p0 .LBB2_2-.Ltmp0, $4  }
0x16: {  	[tilespmem:s30+$0x9E50] =	vst v0  }
0x17: {  	[tilespmem:s30+$0x9E60] =	vst v0  }
0x18: {  	[tilespmem:s30+$0x9E70] =	vst v0  }
0x19: {  	[tilespmem:s30+$0x9E80] =	vst v0;
	s30 =	sshra.s32 s31, $0x2;
	s31 =	sadd.s32 $0x200, s31  }
0x1a: {  	[tilespmem:s30+$0x9E90] =	vst v0  }
0x1b: {  	[tilespmem:s30+$0x9E20] =	vst v0  }
0x1c: {  	[tilespmem:s30+$0x9E30] =	vst v0  }
0x1d: {  	[tilespmem:s30+$0x9E40] =	vst v0  }
0x1e: {  	[tilespmem:s30+$0x9E50] =	vst v0  }
0x1f: {  	[tilespmem:s30+$0x9E60] =	vst v0  }
0x20: {  	[tilespmem:s30+$0x9E70] =	vst v0  }
0x21: {  	[tilespmem:s30+$0x9E80] =	vst v0;
	s30 =	simm.s32 $0x0  }
0x22: {  	[tilespmem:s30], [sflag:$0x3] =	stream.linear.gather [hbm4b:s6+s30], $0x2710, $0x38;
	[tilespmem:$0x1FA20] =	vst v63  }
0x23: {  	_ =	swait.ge [sflag:s19], $0x2710  }
0x24: {  	[sflag:s19] =	ssyncset.done $0x0  }
0x25: {  	s0 =	simm.s32 $0x2710;
	[sflag:s19] =	ssyncadd.s32 $0xFFFFD8F0  }
0x26: {  	[tilespmem:s0], [sflag:$0x3] =	stream.linear.gather [hbm4b:s7+s30], $0x2710, $0x38;
	[tilespmem:$0x1FA20] =	vst v63  }
0x27: {  	_ =	swait.ge [sflag:s19], $0x2710  }
0x28: {  	[sflag:s19] =	ssyncset.done $0x0  }
0x29: {  	[sflag:s19] =	ssyncadd.s32 $0xFFFFD8F0  }
0x2a: {  	[spmem:s5] =	stream.linear.scatter [tilespmem:s21], [sflag:$0x3], $0x2000, $0x38;
	[tilespmem:$0x1FA20] =	vst v63  }
0x2b: {  	_ =	swait.ge [sflag:s19], $0x2000  }
0x2c: {  	[sflag:s19] =	ssyncset.done $0x0  }
0x2d: {  	[sflag:s19] =	ssyncadd.s32 $0xFFFFE000  }
0x2e: {  	[spmem:s11] =	stream.linear.scatter [tilespmem:s21], [sflag:$0x3], $0x2000, $0x38;
	[tilespmem:$0x1FA20] =	vst v63  }
0x2f: {  	_ =	swait.ge [sflag:s19], $0x2000  }
0x30: {  	[sflag:s19] =	ssyncset.done $0x0  }
0x31: {  	[sflag:s19] =	ssyncadd.s32 $0xFFFFE000  }
0x32: {  	[spmem:s12] =	stream.linear.scatter [tilespmem:s21], [sflag:$0x3], $0x2000, $0x38;
	[tilespmem:$0x1FA20] =	vst v63  }
0x33: {  	_ =	swait.ge [sflag:s19], $0x2000  }
0x34: {  	[sflag:s19] =	ssyncset.done $0x0  }
0x35: {  	[sflag:s19] =	ssyncadd.s32 $0xFFFFE000  }
0x36: {  	[spmem:s13] =	stream.linear.scatter [tilespmem:s21], [sflag:$0x3], $0x2000, $0x38;
	[tilespmem:$0x1FA20] =	vst v63  }
0x37: {  	_ =	swait.ge [sflag:s19], $0x2000  }
0x38: {  	[sflag:s19] =	ssyncset.done $0x0  }
0x39: {  	[sflag:s19] =	ssyncadd.s32 $0xFFFFE000  }
0x3a: {  	[spmem:s14] =	stream.linear.scatter [tilespmem:s21], [sflag:$0x3], $0x2000, $0x38;
	[tilespmem:$0x1FA20] =	vst v63  }
0x3b: {  	_ =	swait.ge [sflag:s19], $0x2000  }
0x3c: {  	[sflag:s19] =	ssyncset.done $0x0  }
0x3d: {  	[sflag:s19] =	ssyncadd.s32 $0xFFFFE000  }
0x3e: {  	[spmem:s15] =	stream.linear.scatter [tilespmem:s21], [sflag:$0x3], $0x2000, $0x38;
	[tilespmem:$0x1FA20] =	vst v63  }
0x3f: {  	_ =	swait.ge [sflag:s19], $0x2000  }
0x40: {  	[sflag:s19] =	ssyncset.done $0x0  }
0x41: {  	[sflag:s19] =	ssyncadd.s32 $0xFFFFE000  }
0x42: {  	[spmem:s16] =	stream.linear.scatter [tilespmem:s21], [sflag:$0x3], $0x2000, $0x38;
	[tilespmem:$0x1FA20] =	vst v63  }
0x43: {  	_ =	swait.ge [sflag:s19], $0x2000  }
0x44: {  	[sflag:s19] =	ssyncset.done $0x0  }
0x45: {  	[sflag:s19] =	ssyncadd.s32 $0xFFFFE000  }
0x46: {  	[spmem:s17] =	stream.linear.scatter [tilespmem:s21], [sflag:$0x3], $0x2000, $0x38;
	[tilespmem:$0x1FA20] =	vst v63  }
0x47: {  	_ =	swait.ge [sflag:s19], $0x2000  }
0x48: {  	[sflag:s19] =	ssyncset.done $0x0  }
0x49: {  	[sflag:s19] =	ssyncadd.s32 $0xFFFFE000  }
0x4a: {  	[spmem:s18] =	stream.linear.scatter [tilespmem:s21], [sflag:$0x3], $0x2000, $0x38;
	[tilespmem:$0x1FA20] =	vst v63  }
0x4b: {  	_ =	swait.ge [sflag:s19], $0x2000  }
0x4c: {  	[sflag:s19] =	ssyncset.done $0x0  }
0x4d: {  	[sflag:s19] =	ssyncadd.s32 $0xFFFFE000  }
0x4e: {  	[spmem:s8] =	stream.linear.scatter [tilespmem:s21], [sflag:$0x3], $0x1C00, $0x38;
	[tilespmem:$0x1FA20] =	vst v63  }
0x4f: {  	_ =	swait.ge [sflag:s19], $0x1C00  }
0x50: {  	[sflag:s19] =	ssyncset.done $0x0  }
0x51: {  	[sflag:s19] =	ssyncadd.s32 $0xFFFFE400  }
0x52: {  	[bflag:$0x0] =	sbarrier.arrive $0xFFFF  }
0x53: {  	[tilespmem:s23], [sflag:$0x1] =	stream.indirect.gather [hbm4b:s4+s22], $0x80, s30, s22, $0xb8;
	[tilespmem:$0x1FA20] =	vst v63  }
0x54: {  	s30 =	simm.s32 $0x50  }
0x55: {  	[tilespmem:s24], [sflag:$0x2] =	stream.indirect.gather [hbm4b:s4+s22], $0x80, s30, s22, $0xb8;
	[tilespmem:$0x1FA20] =	vst v63  }
0x56: {  	_ =	swait.ge [sflag:s26], $0x2800  }
0x57: {  	[sflag:s26] =	ssyncset.done $0x0  }
0x58: {  	s30 =	simm.s32 $0x2710;
	[sflag:s26] =	ssyncadd.s32 $0xFFFFD800  }
0x59: {  	[spmem:s2] =	stream.indirect.scatter.add.f32 [tilespmem:s23], [sflag:$0x3], $0x80, s30, s22, $0xb8;
	[tilespmem:$0x1FA20] =	vst v63  }
0x5a: {  	_ =	swait.ge [sflag:s19], $0x2800  }
0x5b: {  	[sflag:s19] =	ssyncset.done $0x0  }
0x5c: {  	s30 =	simm.s32 $0xA0;
	[sflag:s19] =	ssyncadd.s32 $0xFFFFD800  }
0x5d: {  	[tilespmem:s23], [sflag:$0x1] =	stream.indirect.gather [hbm4b:s4+s22], $0x80, s30, s22, $0xb8;
	[tilespmem:$0x1FA20] =	vst v63  }
0x5e: {  	_ =	swait.ge [sflag:s28], $0x2800  }
0x5f: {  	[sflag:s28] =	ssyncset.done $0x0  }
0x60: {  	s30 =	simm.s32 $0x2760;
	[sflag:s28] =	ssyncadd.s32 $0xFFFFD800  }
0x61: {  	[spmem:s2] =	stream.indirect.scatter.add.f32 [tilespmem:s24], [sflag:$0x3], $0x80, s30, s22, $0xb8;
	[tilespmem:$0x1FA20] =	vst v63  }
0x62: {  	_ =	swait.ge [sflag:s19], $0x2800  }
0x63: {  	s31 =	simm.s32 $0x500;
	s30 =	simm.s32 $0xA0;
	[sflag:s19] =	ssyncset.done $0x0  }
.LBB2_4:
0x64: {  	s1 =	sadd.s32 $0x50, s30  }
0x65: {  	[sflag:s19] =	ssyncadd.s32 $0xFFFFD800;
	s0 =	smov.u32 s31;
	s20 =	sadd.s32 $0x280, s31  }
0x66: {  	[tilespmem:s24], [sflag:$0x2] =	stream.indirect.gather [hbm4b:s4+s22], $0x80, s1, s22, $0xb8;
	[tilespmem:$0x1FA20] =	vst v63  }
0x67: {  	p0 =	sne.s32 s31, $0x9880;
	_ =	swait.ge [sflag:s26], $0x2800  }
0x68: {  	[sflag:s26] =	ssyncset.done $0x0  }
0x69: {  	s1 =	sadd.s32 $0x2710, s30;
	[sflag:s26] =	ssyncadd.s32 $0xFFFFD800  }
0x6a: {  	[spmem:s2] =	stream.indirect.scatter.add.f32 [tilespmem:s23], [sflag:$0x3], $0x80, s1, s22, $0xb8;
	[tilespmem:$0x1FA20] =	vst v63  }
0x6b: {  	_ =	swait.ge [sflag:s19], $0x2800  }
0x6c: {  	[sflag:s19] =	ssyncset.done $0x0  }
0x6d: {  	s1 =	sadd.s32 $0xA0, s30;
	[sflag:s19] =	ssyncadd.s32 $0xFFFFD800  }
0x6e: {  	[tilespmem:s23], [sflag:$0x1] =	stream.indirect.gather [hbm4b:s4+s22], $0x80, s1, s22, $0xb8;
	[tilespmem:$0x1FA20] =	vst v63  }
0x6f: {  	_ =	swait.ge [sflag:s28], $0x2800  }
.Ltmp1:
0x70: {  	[sflag:s28] =	ssyncset.done $0x0;
	(pc) =	sbr.rel @p0 .LBB2_4-.Ltmp1, $4  }
0x71: {  	s1 =	sadd.s32 $0x2760, s30;
	[sflag:s28] =	ssyncadd.s32 $0xFFFFD800  }
0x72: {  	[spmem:s2] =	stream.indirect.scatter.add.f32 [tilespmem:s24], [sflag:$0x3], $0x80, s1, s22, $0xb8;
	[tilespmem:$0x1FA20] =	vst v63  }
0x73: {  	_ =	swait.ge [sflag:s19], $0x2800  }
0x74: {  	s31 =	smov.u32 s20;
	s30 =	sshra.s32 s0, $0x2;
	[sflag:s19] =	ssyncset.done $0x0  }
0x75: {  	s0 =	sadd.s32 $0x50, s30;
	[sflag:s19] =	ssyncadd.s32 $0xFFFFD800  }
0x76: {  	[tilespmem:s24], [sflag:$0x2] =	stream.indirect.gather [hbm4b:s4+s22], $0x80, s0, s22, $0xb8;
	[tilespmem:$0x1FA20] =	vst v63  }
0x77: {  	_ =	swait.ge [sflag:s26], $0x2800  }
0x78: {  	[sflag:s26] =	ssyncset.done $0x0  }
0x79: {  	s1 =	sadd.s32 $0x2710, s30;
	[sflag:s26] =	ssyncadd.s32 $0xFFFFD800  }
0x7a: {  	[spmem:s2] =	stream.indirect.scatter.add.f32 [tilespmem:s23], [sflag:$0x3], $0x80, s1, s22, $0xb8;
	[tilespmem:$0x1FA20] =	vst v63  }
0x7b: {  	_ =	swait.ge [sflag:s19], $0x2800  }
0x7c: {  	[sflag:s19] =	ssyncset.done $0x0  }
0x7d: {  	s20 =	sadd.s32 $0xA0, s30;
	[sflag:s19] =	ssyncadd.s32 $0xFFFFD800  }
0x7e: {  	[tilespmem:s23], [sflag:$0x1] =	stream.indirect.gather [hbm4b:s4+s22], $0x80, s20, s22, $0xb8;
	[tilespmem:$0x1FA20] =	vst v63  }
0x7f: {  	_ =	swait.ge [sflag:s28], $0x2800  }
0x80: {  	[sflag:s28] =	ssyncset.done $0x0  }
0x81: {  	s30 =	sadd.s32 $0x2760, s30;
	[sflag:s28] =	ssyncadd.s32 $0xFFFFD800  }
0x82: {  	[spmem:s2] =	stream.indirect.scatter.add.f32 [tilespmem:s24], [sflag:$0x3], $0x80, s30, s22, $0xb8;
	[tilespmem:$0x1FA20] =	vst v63  }
0x83: {  	_ =	swait.ge [sflag:s19], $0x2800  }
0x84: {  	[sflag:s19] =	ssyncset.done $0x0  }
0x85: {  	[sflag:s19] =	ssyncadd.s32 $0xFFFFD800  }
0x86: {  	_ =	swait.ge [sflag:s26], $0x2800  }
0x87: {  	[sflag:s26] =	ssyncset.done $0x0  }
0x88: {  	[sflag:s26] =	ssyncadd.s32 $0xFFFFD800  }
0x89: {  	[spmem:s2] =	stream.indirect.scatter.add.f32 [tilespmem:s23], [sflag:$0x3], $0x80, s29, s22, $0xb8;
	[tilespmem:$0x1FA20] =	vst v63  }
0x8a: {  	_ =	swait.ge [sflag:s19], $0x2800  }
0x8b: {  	s31 =	stileid.u32;
	s3 =	sadd.s32 $0x1, s3;
	[sflag:s19] =	ssyncset.done $0x0  }
0x8c: {  	s0 =	sshll.u32 s31, $0x6;
	p0 =	sne.s32 s3, s10;
	[sflag:s19] =	ssyncadd.s32 $0xFFFFD800  }
.Ltmp2:
0x8d: {  	s0 =	sor.u32 $0x1C03, s0;
	[bflag:$0x0] =	sbarrier.arrive $0xFFFF;
	(pc) =	sbr.rel @p0 .LBB2_1-.Ltmp2, $4  }
0x8e: {  	[hbm:s9], [sflag:s0] =	dma.local [spmem:s25], $0x2780  }
0x8f: {  	_ =	swait.ge [sflag:s19], $0x2780  }
0x90: {  	[sflag:s19] =	ssyncset.done $0x0  }
0x91: {  	[sflag:s19] =	ssyncadd.s32 $0xFFFFD880  }
0x92: {  	_ =	sfence.sel $0x180000  }
0x93: {  	[bflag:$0x0] =	sbarrier.arrive $0xFFFF  }
0x94: {  	_ =	strace $0x9000004A  }
0x95: {  	s0 =	stileid.u32;
	[bflag:$0x2] =	sbarrier.arrive $0xFFFF  }
0x96: {  	p0 =	sne.s32 s0, $0x0;
	s0 =	rddreg [dreg:$0x2]  }
0x97: {  	s0 =	sadd.s32 @!p0 $0x100000, s0  }
0x98: {  	[sflag:s0] =	ssyncadd.tile.s32 @!p0 $0x1;
	_ =	shalt  }
.Lfunc_end2:
_tile_overlayer_lowered:
.L_overlay_start_2:
0x99: {  	(tag) =	ssettag $0x2  }
0x9a: {  	s0 =	rddreg [dreg:$0x0];
	s2 =	stileid.u32  }
0x9b: {  	s1 =	rddreg [dreg:$0x1];
	p0 =	sne.s32 s2, $0x0  }
0x9c: {  	s3 =	rddreg [dreg:$0x2];
	[bflag:$0x3] =	sbarrier.arrive $0xFFFF;
	s2 =	simm.s32 @!p0 $0x1C03  }
0x9d: {  	[timem:s3], [sflag:s2] =	dma.local @!p0 [hbm:s0], s1  }
0x9e: {  	s0 =	simm.s32 @!p0 $0x3  }
0x9f: {  	_ =	swait.ge @!p0 [sflag:s0], s1  }
0xa0: {  	s1 =	ssub.s32 @!p0 $0x0, s1;
	[sflag:s0] =	ssyncset.done @!p0 $0x0  }
0xa1: {  	[sflag:s0] =	ssyncadd.s32 @!p0 s1  }
0xa2: {  	[bflag:$0x3] =	sbarrier.arrive $0xFFFF  }
0xa3: {  	_ =	shalt  }

// kernel: kernel.16.cloned.1.call-start
scs
__scs_entry_jumppad:
0x0: {  	(pc) =	sbr.rel $0x88, $3  }
0x1: {  	(tag) =	ssettag $0x0;
	lr =	simm.s32 $0x1  }
0x2: {  	[smem:$0x3F95] =	sst lr;
	_ =	strace $0xD0000000  }
0x3: {  	_ = 	snop  }
0x4: {  	_ = 	snop  }
0x5: {  	_ = 	snop  }
0x6: {  	_ = 	snop  }
0x7: {  	_ = 	snop  }
__scs_overlays_trampoline_lowered:
0x8: {  	[smem:$0x3FA4] =	sst s0  }
0x9: {  	[smem:$0x3FA5] =	sst s1  }
0xa: {  	[smem:$0x3FA6] =	sst s2  }
0xb: {  	[smem:$0x3FA7] =	sst s3  }
0xc: {  	[smem:$0x3FA8] =	sst s4  }
0xd: {  	[smem:$0x3FA9] =	sst s5  }
0xe: {  	[smem:$0x3FAA] =	sst s6  }
0xf: {  	[smem:$0x3FAB] =	sst s7  }
0x10: {  	[smem:$0x3FAC] =	sst s8  }
0x11: {  	[smem:$0x3FAD] =	sst s9;
	s0 =	simm.s32 @!p0 $0x0  }
0x12: {  	s1 =	sld [smem:$0x3F93];
	s0 =	simm.s32 @p0 $0x1  }
0x13: {  	[smem:$0x3FAE] =	sst s0;
	s0 =	simm.s32 @!p1 $0x0  }
0x14: {  	s2 =	sld [smem:$0x3F92];
	s0 =	simm.s32 @p1 $0x1  }
0x15: {  	[smem:$0x3FAF] =	sst s0;
	s0 =	simm.s32 @!p2 $0x0  }
0x16: {  	s3 =	sld [smem:$0x3FDB];
	s0 =	simm.s32 @p2 $0x1  }
0x17: {  	s4 =	simm.s32 $0x1BF5;
	[smem:$0x3FB1] =	sst s0  }
0x18: {  	s0 =	sld [smem:$0x3F94];
	_ =	swait.ge [sflag:s4], $0x0  }
0x19: {  	s7 =	sld [smem:$0x3F95]  }
0x1a: {  	s8 =	sadd.s32 $0xFFFFE003, lr  }
0x1b: {  	s9 =	sadd.s32 $0xFFFFFEF7, lr;
	s5 =	simm.s32 $0xFFFFFFFF;
	p2 =	slt.u32 s8, $0xFFFFF086  }
0x1c: {  	p1 =	slt.u32 s9, $0xF7A;
	s5 =	simm.s32 @!p2 $0x0  }
0x1d: {  	s5 =	simm.s32 @p1 $0x1;
	p0 =	seq.s32 s7, s2  }
0x1e: {  	s7 =	smul.u32 @!p0 $0xF7A, s2;
	p2 =	seq.s32 @!p0 s5, $0x0  }
0x1f: {  	s9 =	smul.u32 $0xF7A, s1;
	s8 =	simm.s32 @!p0 $0x1BF5;
	p2 =	por !p2, p0  }
0x20: {  	[sflag:s8] =	ssyncset.s32 @!p0 $0xFFFFF086;
	s6 =	sadd.s32 @!p0 s3, s7;
	s7 =	simm.s32 @!p0 $0x108  }
0x21: {  	s3 =	sadd.s32 s3, s9;
	s6 =	sadd.s32 @!p0 $0x88, s6;
	s7 =	simm.s32 @p2 $0x1082  }
0x22: {  	[simem:s7], [sflag:s8] =	dma.local @!p0 [hbm:s6], $0xF7A  }
0x23: {  	s9 =	sor.u32 $0xD0000000, s2;
	s6 =	simm.s32 $0x108;
	_ =	swait.ge @!p0 [sflag:s8], $0x0  }
0x24: {  	s3 =	sadd.s32 $0x88, s3;
	s6 =	simm.s32 @!p1 $0x1082;
	[sflag:s4] =	ssyncset.s32 $0xFFFFF086  }
0x25: {  	[simem:s6], [sflag:s4] =	dma.local [hbm:s3], $0xF7A  }
0x26: {  	[smem:$0x3F95] =	sst s1;
	(tag) =	ssettag s2;
	_ =	strace s9  }
0x27: {  	s1 =	sld [smem:$0x3FA5]  }
0x28: {  	s2 =	sld [smem:$0x3FA6]  }
0x29: {  	s4 =	sld [smem:$0x3FA8]  }
0x2a: {  	p0 =	seq.s32 s5, $0x0;
	s5 =	sld [smem:$0x3FA9]  }
0x2b: {  	s6 =	sld [smem:$0x3FAA]  }
0x2c: {  	s7 =	sld [smem:$0x3FAB]  }
0x2d: {  	s3 =	simm.s32 $0x108;
	s8 =	sld [smem:$0x3FAC]  }
0x2e: {  	s3 =	simm.s32 @!p0 $0x1082;
	s9 =	sld [smem:$0x3FAD]  }
0x2f: {  	lr =	sadd.s32 s0, s3;
	s0 =	sld [smem:$0x3FA4]  }
0x30: {  	s3 =	sld [smem:$0x3FA7]  }
0x31: {  	[smem:$0x3FB0] =	sst s10  }
0x32: {  	s10 =	sld [smem:$0x3FAE];
	_ =	sdelay $0x3  }
0x33: {  	p0 =	seq.s32 s10, $0x1;
	s10 =	sld [smem:$0x3FB0];
	_ =	sdelay $0x3  }
0x34: {  	[smem:$0x3FB0] =	sst s10  }
0x35: {  	s10 =	sld [smem:$0x3FAF];
	_ =	sdelay $0x3  }
0x36: {  	p1 =	seq.s32 s10, $0x1;
	s10 =	sld [smem:$0x3FB0];
	_ =	sdelay $0x3  }
0x37: {  	[smem:$0x3FB0] =	sst s10  }
0x38: {  	s10 =	sld [smem:$0x3FB1]  }
0x39: {  	_ = 	snop;
	(pc) =	sbr.ind lr, $3  }
0x3a: {  	_ = 	snop  }
0x3b: {  	_ = 	snop  }
0x3c: {  	p2 =	seq.s32 s10, $0x1;
	s10 =	sld [smem:$0x3FB0]  }
0x3d: {  	_ =	shalt  }
0x3e: {  	_ =	shalt  }
0x3f: {  	_ =	shalt  }
0x40: {  	_ =	shalt  }
0x41: {  	_ =	shalt  }
0x42: {  	_ =	shalt  }
0x43: {  	_ =	shalt  }
0x44: {  	_ =	shalt  }
0x45: {  	_ =	shalt  }
0x46: {  	_ =	shalt  }
0x47: {  	_ =	shalt  }
0x48: {  	_ =	shalt  }
0x49: {  	_ =	shalt  }
0x4a: {  	_ =	shalt  }
0x4b: {  	_ =	shalt  }
0x4c: {  	_ =	shalt  }
0x4d: {  	_ =	shalt  }
0x4e: {  	_ =	shalt  }
0x4f: {  	_ =	shalt  }
0x50: {  	_ =	shalt  }
0x51: {  	_ =	shalt  }
0x52: {  	_ =	shalt  }
0x53: {  	_ =	shalt  }
0x54: {  	_ =	shalt  }
0x55: {  	_ =	shalt  }
0x56: {  	_ =	shalt  }
0x57: {  	_ =	shalt  }
0x58: {  	_ =	shalt  }
0x59: {  	_ =	shalt  }
0x5a: {  	_ =	shalt  }
0x5b: {  	_ =	shalt  }
0x5c: {  	_ =	shalt  }
0x5d: {  	_ =	shalt  }
0x5e: {  	_ =	shalt  }
0x5f: {  	_ =	shalt  }
0x60: {  	_ =	shalt  }
0x61: {  	_ =	shalt  }
0x62: {  	_ =	shalt  }
0x63: {  	_ =	shalt  }
0x64: {  	_ =	shalt  }
0x65: {  	_ =	shalt  }
0x66: {  	_ =	shalt  }
0x67: {  	_ =	shalt  }
0x68: {  	_ =	shalt  }
0x69: {  	_ =	shalt  }
0x6a: {  	_ =	shalt  }
0x6b: {  	_ =	shalt  }
0x6c: {  	_ =	shalt  }
0x6d: {  	_ =	shalt  }
0x6e: {  	_ =	shalt  }
0x6f: {  	_ =	shalt  }
0x70: {  	_ =	shalt  }
0x71: {  	_ =	shalt  }
0x72: {  	_ =	shalt  }
0x73: {  	_ =	shalt  }
0x74: {  	_ =	shalt  }
0x75: {  	_ =	shalt  }
0x76: {  	_ =	shalt  }
0x77: {  	_ =	shalt  }
0x78: {  	_ =	shalt  }
0x79: {  	_ =	shalt  }
0x7a: {  	_ =	shalt  }
0x7b: {  	_ =	shalt  }
0x7c: {  	_ =	shalt  }
0x7d: {  	_ =	shalt  }
0x7e: {  	_ =	shalt  }
0x7f: {  	_ =	shalt  }
0x80: {  	_ =	shalt  }
0x81: {  	_ =	shalt  }
0x82: {  	_ =	shalt  }
0x83: {  	_ =	shalt  }
0x84: {  	_ =	shalt  }
0x85: {  	_ =	shalt  }
0x86: {  	_ =	shalt  }
0x87: {  	_ =	shalt  }
.Lfunc_end0:
.L_simem_size_0:
called_computation.2_lowered:
.L_overlay_start_0:
0x88: {  	s2 =	sld [smem:$0x3FD9]  }
0x89: {  	s3 =	sld [smem:$0x3FFE];
	_ =	sdelay $0x1  }
0x8a: {  	s1 =	srdreg.scid  }
0x8b: {  	s0 =	sand.u32 $0x1, s1  }
0x8c: {  	s16 =	sshll.u32 s0, $0xA;
	s2 =	sadd.s32 s3, s2  }
0x8d: {  	s2 =	sadd.s32 s2, s16  }
0x8e: {  	[smem:$0x3FBC] =	sst s2  }
0x8f: {  	_ = 	snop  }
0x90: {  	(tm) =	ssettm $0x1  }
0x91: {  	s17 =	sld [smem:$0x3FFB];
	_ =	sdelay $0x3  }
0x92: {  	_ =	strace s17  }
0x93: {  	s2 =	sld [smem:$0x3FFC];
	_ =	sdelay $0x3  }
0x94: {  	_ =	strace s2  }
0x95: {  	s2 =	sld [smem:$0x3FFD];
	_ =	sdelay $0x3  }
0x96: {  	_ =	strace s2  }
0x97: {  	_ =	strace $0x8FFFFFFF  }
0x98: {  	s18 =	sld [smem:$0x3FDB];
	_ =	sdelay $0x1  }
0x99: {  	s19 =	simm.s32 $_scs_section_size  }
0x9a: {  	s4 =	simm.s32 $_size__tile_overlayer_lowered;
	s5 =	simm.s32 $_tile_overlayer_lowered  }
0x9b: {  	s22 =	simm.s32 $0x1BFF;
	s21 =	sshll.u32 s5, $0x1;
	s2 =	sadd.s32 s19, s18  }
0x9c: {  	s6 =	simm.s32 $0x0;
	s20 =	sshll.u32 s4, $0x1;
	s4 =	sadd.s32 s21, s2  }
0x9d: {  	[timem:s6], [sflag:s22] =	dma.local [hbm:s4], s20  }
0x9e: {  	_ =	swait.ge [sflag:s22], s20  }
0x9f: {  	s3 =	ssub.s32 $0x0, s20;
	[sflag:s22] =	ssyncset.done $0x0  }
0xa0: {  	[sflag:s22] =	ssyncadd.s32 s3;
	_ =	sdelay $0x1  }
0xa1: {  	s23 =	simm.s32 $0x1B8B  }
0xa2: {  	_ =	swait.ge [sflag:s23], $0x1  }
0xa3: {  	[sflag:s23] =	ssyncset.done $0x0  }
0xa4: {  	s25 =	simm.s32 $0x1B8E;
	s24 =	sld [smem:$0x3FFE];
	[sflag:s23] =	ssyncadd.s32 $0xFFFFFFFF  }
0xa5: {  	s26 =	simm.s32 $execute0_lowered;
	[smem:$0x3FD2] =	sst s25  }
0xa6: {  	s4 =	sshll.u32 s26, $0x1;
	_ =	strace $0x8000004C;
	[dreg:$0x1] =	wrdreg $0xFFFFFFFF  }
0xa7: {  	s28 =	simm.s32 $_size_execute0_lowered;
	s2 =	sadd.s32 s2, s4;
	[dreg:$0x0] =	wrdreg $0x0  }
0xa8: {  	s4 =	sshll.u32 s28, $0x1;
	[dreg:$0x2] =	wrdreg s2  }
0xa9: {  	[dreg:$0x3] =	wrdreg s4  }
0xaa: {  	[dreg:$0x4] =	wrdreg $0xC0  }
0xab: {  	_ =	task [dreg:s6], $0x5FFFF  }
0xac: {  	[dreg:$0x1] =	wrdreg $0xFFFFFFFF  }
0xad: {  	[dreg:$0x0] =	wrdreg $0x60  }
0xae: {  	[dreg:$0x2] =	wrdreg s24  }
0xaf: {  	[dreg:$0x3] =	wrdreg $0xBE200  }
0xb0: {  	[dreg:$0x4] =	wrdreg $0x9  }
0xb1: {  	_ =	task.clear_ibuf [dreg:s6], $0x5FFFF;
	_ =	strace $0x9000004C  }
0xb2: {  	s29 =	simm.s32 $0x9;
	_ =	strace $0x8000004E  }
0xb3: {  	_ =	swait.ge [sflag:s29], $0x1  }
0xb4: {  	[sflag:s29] =	ssyncadd.s32 $0xFFFFFFFF  }
0xb5: {  	_ =	strace $0x9000004E  }
0xb6: {  	_ =	sfence  }
0xb7: {  	s30 =	sld [smem:$0x0];
	_ =	sdelay $0x2  }
0xb8: {  	s31 =	sshll.u32 s1, $0xD;
	s1 =	sshrl.u32 s1, $0x2  }
0xb9: {  	s3 =	sand.u32 $0x4000, s31;
	s1 =	sadd.s32 s1, s30  }
0xba: {  	s0 =	sor.u32 s3, s0;
	s1 =	sshll.u32 s1, $0x11  }
0xbb: {  	s0 =	sor.u32 s1, s0  }
0xbc: {  	s0 =	sadd.s32 $0x8F2B, s0  }
0xbd: {  	[sflag:s0] =	ssyncadd.remote.s32 $0x1  }
0xbe: {  	_ =	sfence.sel $0xFFFF  }
0xbf: {  	[dreg:$0x0] =	wrdreg $0xFFFFFFFF;
	(pc) =	sbr.abs _section_cstart, $3  }
0xc0: {  	[dreg:$0x1] =	wrdreg $0xFFFFFFFF  }
0xc1: {  	_ =	task.clear_ibuf [dreg:s6], $0x2FFFF;
	_ =	strace $0x9FFFFFFF  }
0xc2: {  	(tm) =	ssettm $0x7FFFFFFF  }
0xc3: {  	_ =	shalt  }
tec
execute0_lowered:
.L_overlay_start_1:
0x0: {  	(tag) =	ssettag $0x1  }
0x1: {  	s1 =	srdreg.scid;
	s6 =	rddreg [dreg:$0x0]  }
0x2: {  	s0 =	stileid.u32;
	s2 =	rddreg [dreg:$0x1];
	s3 =	simm.s32 $0x0  }
0x3: {  	s19 =	simm.s32 $0x3;
	s21 =	simm.s32 $0x9E20;
	s22 =	simm.s32 $0x50  }
0x4: {  	s23 =	simm.s32 $0x4E20;
	s24 =	simm.s32 $0x7620;
	s26 =	simm.s32 $0x1  }
0x5: {  	s28 =	simm.s32 $0x2;
	s29 =	simm.s32 $0x4DD0;
	s5 =	sand.u32 $0x1, s1  }
0x6: {  	s31 =	sshll.u32 s0, $0x1;
	[smem:$0x7FF] =	sst s3;
	s10 =	smul.u32 $0x13C00, s0  }
0x7: {  	s4 =	sadd.s32 $0x16A00, s6;
	s9 =	smul.u32 $0x4F000, s0;
	s1 =	sor.u32 s5, s31  }
0x8: {  	s8 =	smul.u32 $0x13C000, s5;
	_ =	strace $0x8000004D;
	s5 =	ssub.s32 $0x2, s5  }
0x9: {  	s7 =	smul.u32 $0x4E2, s1;
	s11 =	sshrl.u32 s5, $0x1;
	s9 =	sshrl.u32 s9, $0x2  }
0xa: {  	s25 =	sadd.s32 s10, s2;
	s8 =	sadd.s32 s10, s8;
	s11 =	ssub.s32 s5, s11  }
0xb: {  	s5 =	sadd.s32 s9, s2;
	s25 =	sshrl.u32 s25, $0x3;
	s7 =	sadd.s32 s7, s6  }
0xc: {  	s8 =	sshrl.u32 s8, $0x3;
	s10 =	smax.u32 s11, $0x1;
	s11 =	sadd.s32 $0x2000, s5  }
0xd: {  	s13 =	sadd.s32 $0x6000, s5;
	s14 =	sadd.s32 $0x8000, s5;
	s15 =	sadd.s32 $0xA000, s5  }
0xe: {  	s16 =	sadd.s32 $0xC000, s5;
	s17 =	sadd.s32 $0xE000, s5;
	s18 =	sadd.s32 $0x10000, s5  }
0xf: {  	s12 =	sadd.s32 s8, s6;
	s6 =	sadd.s32 $0xCC00, s7;
	s7 =	sadd.s32 $0x2E00, s7  }
0x10: {  	v0 =	vimm.f32 $0.0e+00;
	s8 =	sadd.s32 $0x12000, s5;
	s9 =	sadd.s32 $0x3DC00, s12;
	s12 =	sadd.s32 $0x4000, s5  }
.LBB2_1:
0x11: {  	s30 =	simm.s32 $0x0;
	s31 =	simm.s32 $0x200  }
.LBB2_2:
0x12: {  	p0 =	sne.s32 s31, $0x7E00;
	[tilespmem:s30+$0x9E90] =	vst v0  }
0x13: {  	[tilespmem:s30+$0x9E20] =	vst v0  }
0x14: {  	[tilespmem:s30+$0x9E30] =	vst v0  }
.Ltmp0:
0x15: {  	[tilespmem:s30+$0x9E40] =	vst v0;
	(pc) =	sbr.rel @p0 .LBB2_2-.Ltmp0, $4  }
0x16: {  	[tilespmem:s30+$0x9E50] =	vst v0  }
0x17: {  	[tilespmem:s30+$0x9E60] =	vst v0  }
0x18: {  	[tilespmem:s30+$0x9E70] =	vst v0  }
0x19: {  	[tilespmem:s30+$0x9E80] =	vst v0;
	s30 =	sshra.s32 s31, $0x2;
	s31 =	sadd.s32 $0x200, s31  }
0x1a: {  	[tilespmem:s30+$0x9E90] =	vst v0  }
0x1b: {  	[tilespmem:s30+$0x9E20] =	vst v0  }
0x1c: {  	[tilespmem:s30+$0x9E30] =	vst v0  }
0x1d: {  	[tilespmem:s30+$0x9E40] =	vst v0  }
0x1e: {  	[tilespmem:s30+$0x9E50] =	vst v0  }
0x1f: {  	[tilespmem:s30+$0x9E60] =	vst v0  }
0x20: {  	[tilespmem:s30+$0x9E70] =	vst v0  }
0x21: {  	[tilespmem:s30+$0x9E80] =	vst v0;
	s30 =	simm.s32 $0x0  }
0x22: {  	[tilespmem:s30], [sflag:$0x3] =	stream.linear.gather [hbm4b:s6+s30], $0x2710, $0x38;
	[tilespmem:$0x1FA20] =	vst v63  }
0x23: {  	_ =	swait.ge [sflag:s19], $0x2710  }
0x24: {  	[sflag:s19] =	ssyncset.done $0x0  }
0x25: {  	s0 =	simm.s32 $0x2710;
	[sflag:s19] =	ssyncadd.s32 $0xFFFFD8F0  }
0x26: {  	[tilespmem:s0], [sflag:$0x3] =	stream.linear.gather [hbm4b:s7+s30], $0x2710, $0x38;
	[tilespmem:$0x1FA20] =	vst v63  }
0x27: {  	_ =	swait.ge [sflag:s19], $0x2710  }
0x28: {  	[sflag:s19] =	ssyncset.done $0x0  }
0x29: {  	[sflag:s19] =	ssyncadd.s32 $0xFFFFD8F0  }
0x2a: {  	[spmem:s5] =	stream.linear.scatter [tilespmem:s21], [sflag:$0x3], $0x2000, $0x38;
	[tilespmem:$0x1FA20] =	vst v63  }
0x2b: {  	_ =	swait.ge [sflag:s19], $0x2000  }
0x2c: {  	[sflag:s19] =	ssyncset.done $0x0  }
0x2d: {  	[sflag:s19] =	ssyncadd.s32 $0xFFFFE000  }
0x2e: {  	[spmem:s11] =	stream.linear.scatter [tilespmem:s21], [sflag:$0x3], $0x2000, $0x38;
	[tilespmem:$0x1FA20] =	vst v63  }
0x2f: {  	_ =	swait.ge [sflag:s19], $0x2000  }
0x30: {  	[sflag:s19] =	ssyncset.done $0x0  }
0x31: {  	[sflag:s19] =	ssyncadd.s32 $0xFFFFE000  }
0x32: {  	[spmem:s12] =	stream.linear.scatter [tilespmem:s21], [sflag:$0x3], $0x2000, $0x38;
	[tilespmem:$0x1FA20] =	vst v63  }
0x33: {  	_ =	swait.ge [sflag:s19], $0x2000  }
0x34: {  	[sflag:s19] =	ssyncset.done $0x0  }
0x35: {  	[sflag:s19] =	ssyncadd.s32 $0xFFFFE000  }
0x36: {  	[spmem:s13] =	stream.linear.scatter [tilespmem:s21], [sflag:$0x3], $0x2000, $0x38;
	[tilespmem:$0x1FA20] =	vst v63  }
0x37: {  	_ =	swait.ge [sflag:s19], $0x2000  }
0x38: {  	[sflag:s19] =	ssyncset.done $0x0  }
0x39: {  	[sflag:s19] =	ssyncadd.s32 $0xFFFFE000  }
0x3a: {  	[spmem:s14] =	stream.linear.scatter [tilespmem:s21], [sflag:$0x3], $0x2000, $0x38;
	[tilespmem:$0x1FA20] =	vst v63  }
0x3b: {  	_ =	swait.ge [sflag:s19], $0x2000  }
0x3c: {  	[sflag:s19] =	ssyncset.done $0x0  }
0x3d: {  	[sflag:s19] =	ssyncadd.s32 $0xFFFFE000  }
0x3e: {  	[spmem:s15] =	stream.linear.scatter [tilespmem:s21], [sflag:$0x3], $0x2000, $0x38;
	[tilespmem:$0x1FA20] =	vst v63  }
0x3f: {  	_ =	swait.ge [sflag:s19], $0x2000  }
0x40: {  	[sflag:s19] =	ssyncset.done $0x0  }
0x41: {  	[sflag:s19] =	ssyncadd.s32 $0xFFFFE000  }
0x42: {  	[spmem:s16] =	stream.linear.scatter [tilespmem:s21], [sflag:$0x3], $0x2000, $0x38;
	[tilespmem:$0x1FA20] =	vst v63  }
0x43: {  	_ =	swait.ge [sflag:s19], $0x2000  }
0x44: {  	[sflag:s19] =	ssyncset.done $0x0  }
0x45: {  	[sflag:s19] =	ssyncadd.s32 $0xFFFFE000  }
0x46: {  	[spmem:s17] =	stream.linear.scatter [tilespmem:s21], [sflag:$0x3], $0x2000, $0x38;
	[tilespmem:$0x1FA20] =	vst v63  }
0x47: {  	_ =	swait.ge [sflag:s19], $0x2000  }
0x48: {  	[sflag:s19] =	ssyncset.done $0x0  }
0x49: {  	[sflag:s19] =	ssyncadd.s32 $0xFFFFE000  }
0x4a: {  	[spmem:s18] =	stream.linear.scatter [tilespmem:s21], [sflag:$0x3], $0x2000, $0x38;
	[tilespmem:$0x1FA20] =	vst v63  }
0x4b: {  	_ =	swait.ge [sflag:s19], $0x2000  }
0x4c: {  	[sflag:s19] =	ssyncset.done $0x0  }
0x4d: {  	[sflag:s19] =	ssyncadd.s32 $0xFFFFE000  }
0x4e: {  	[spmem:s8] =	stream.linear.scatter [tilespmem:s21], [sflag:$0x3], $0x1C00, $0x38;
	[tilespmem:$0x1FA20] =	vst v63  }
0x4f: {  	_ =	swait.ge [sflag:s19], $0x1C00  }
0x50: {  	[sflag:s19] =	ssyncset.done $0x0  }
0x51: {  	[sflag:s19] =	ssyncadd.s32 $0xFFFFE400  }
0x52: {  	[bflag:$0x0] =	sbarrier.arrive $0xFFFF  }
0x53: {  	[tilespmem:s23], [sflag:$0x1] =	stream.indirect.gather [hbm4b:s4+s22], $0x80, s30, s22, $0xb8;
	[tilespmem:$0x1FA20] =	vst v63  }
0x54: {  	s30 =	simm.s32 $0x50  }
0x55: {  	[tilespmem:s24], [sflag:$0x2] =	stream.indirect.gather [hbm4b:s4+s22], $0x80, s30, s22, $0xb8;
	[tilespmem:$0x1FA20] =	vst v63  }
0x56: {  	_ =	swait.ge [sflag:s26], $0x2800  }
0x57: {  	[sflag:s26] =	ssyncset.done $0x0  }
0x58: {  	s30 =	simm.s32 $0x2710;
	[sflag:s26] =	ssyncadd.s32 $0xFFFFD800  }
0x59: {  	[spmem:s2] =	stream.indirect.scatter.add.f32 [tilespmem:s23], [sflag:$0x3], $0x80, s30, s22, $0xb8;
	[tilespmem:$0x1FA20] =	vst v63  }
0x5a: {  	_ =	swait.ge [sflag:s19], $0x2800  }
0x5b: {  	[sflag:s19] =	ssyncset.done $0x0  }
0x5c: {  	s30 =	simm.s32 $0xA0;
	[sflag:s19] =	ssyncadd.s32 $0xFFFFD800  }
0x5d: {  	[tilespmem:s23], [sflag:$0x1] =	stream.indirect.gather [hbm4b:s4+s22], $0x80, s30, s22, $0xb8;
	[tilespmem:$0x1FA20] =	vst v63  }
0x5e: {  	_ =	swait.ge [sflag:s28], $0x2800  }
0x5f: {  	[sflag:s28] =	ssyncset.done $0x0  }
0x60: {  	s30 =	simm.s32 $0x2760;
	[sflag:s28] =	ssyncadd.s32 $0xFFFFD800  }
0x61: {  	[spmem:s2] =	stream.indirect.scatter.add.f32 [tilespmem:s24], [sflag:$0x3], $0x80, s30, s22, $0xb8;
	[tilespmem:$0x1FA20] =	vst v63  }
0x62: {  	_ =	swait.ge [sflag:s19], $0x2800  }
0x63: {  	s31 =	simm.s32 $0x500;
	s30 =	simm.s32 $0xA0;
	[sflag:s19] =	ssyncset.done $0x0  }
.LBB2_4:
0x64: {  	s1 =	sadd.s32 $0x50, s30  }
0x65: {  	[sflag:s19] =	ssyncadd.s32 $0xFFFFD800;
	s0 =	smov.u32 s31;
	s20 =	sadd.s32 $0x280, s31  }
0x66: {  	[tilespmem:s24], [sflag:$0x2] =	stream.indirect.gather [hbm4b:s4+s22], $0x80, s1, s22, $0xb8;
	[tilespmem:$0x1FA20] =	vst v63  }
0x67: {  	p0 =	sne.s32 s31, $0x9880;
	_ =	swait.ge [sflag:s26], $0x2800  }
0x68: {  	[sflag:s26] =	ssyncset.done $0x0  }
0x69: {  	s1 =	sadd.s32 $0x2710, s30;
	[sflag:s26] =	ssyncadd.s32 $0xFFFFD800  }
0x6a: {  	[spmem:s2] =	stream.indirect.scatter.add.f32 [tilespmem:s23], [sflag:$0x3], $0x80, s1, s22, $0xb8;
	[tilespmem:$0x1FA20] =	vst v63  }
0x6b: {  	_ =	swait.ge [sflag:s19], $0x2800  }
0x6c: {  	[sflag:s19] =	ssyncset.done $0x0  }
0x6d: {  	s1 =	sadd.s32 $0xA0, s30;
	[sflag:s19] =	ssyncadd.s32 $0xFFFFD800  }
0x6e: {  	[tilespmem:s23], [sflag:$0x1] =	stream.indirect.gather [hbm4b:s4+s22], $0x80, s1, s22, $0xb8;
	[tilespmem:$0x1FA20] =	vst v63  }
0x6f: {  	_ =	swait.ge [sflag:s28], $0x2800  }
.Ltmp1:
0x70: {  	[sflag:s28] =	ssyncset.done $0x0;
	(pc) =	sbr.rel @p0 .LBB2_4-.Ltmp1, $4  }
0x71: {  	s1 =	sadd.s32 $0x2760, s30;
	[sflag:s28] =	ssyncadd.s32 $0xFFFFD800  }
0x72: {  	[spmem:s2] =	stream.indirect.scatter.add.f32 [tilespmem:s24], [sflag:$0x3], $0x80, s1, s22, $0xb8;
	[tilespmem:$0x1FA20] =	vst v63  }
0x73: {  	_ =	swait.ge [sflag:s19], $0x2800  }
0x74: {  	s31 =	smov.u32 s20;
	s30 =	sshra.s32 s0, $0x2;
	[sflag:s19] =	ssyncset.done $0x0  }
0x75: {  	s0 =	sadd.s32 $0x50, s30;
	[sflag:s19] =	ssyncadd.s32 $0xFFFFD800  }
0x76: {  	[tilespmem:s24], [sflag:$0x2] =	stream.indirect.gather [hbm4b:s4+s22], $0x80, s0, s22, $0xb8;
	[tilespmem:$0x1FA20] =	vst v63  }
0x77: {  	_ =	swait.ge [sflag:s26], $0x2800  }
0x78: {  	[sflag:s26] =	ssyncset.done $0x0  }
0x79: {  	s1 =	sadd.s32 $0x2710, s30;
	[sflag:s26] =	ssyncadd.s32 $0xFFFFD800  }
0x7a: {  	[spmem:s2] =	stream.indirect.scatter.add.f32 [tilespmem:s23], [sflag:$0x3], $0x80, s1, s22, $0xb8;
	[tilespmem:$0x1FA20] =	vst v63  }
0x7b: {  	_ =	swait.ge [sflag:s19], $0x2800  }
0x7c: {  	[sflag:s19] =	ssyncset.done $0x0  }
0x7d: {  	s20 =	sadd.s32 $0xA0, s30;
	[sflag:s19] =	ssyncadd.s32 $0xFFFFD800  }
0x7e: {  	[tilespmem:s23], [sflag:$0x1] =	stream.indirect.gather [hbm4b:s4+s22], $0x80, s20, s22, $0xb8;
	[tilespmem:$0x1FA20] =	vst v63  }
0x7f: {  	_ =	swait.ge [sflag:s28], $0x2800  }
0x80: {  	[sflag:s28] =	ssyncset.done $0x0  }
0x81: {  	s30 =	sadd.s32 $0x2760, s30;
	[sflag:s28] =	ssyncadd.s32 $0xFFFFD800  }
0x82: {  	[spmem:s2] =	stream.indirect.scatter.add.f32 [tilespmem:s24], [sflag:$0x3], $0x80, s30, s22, $0xb8;
	[tilespmem:$0x1FA20] =	vst v63  }
0x83: {  	_ =	swait.ge [sflag:s19], $0x2800  }
0x84: {  	[sflag:s19] =	ssyncset.done $0x0  }
0x85: {  	[sflag:s19] =	ssyncadd.s32 $0xFFFFD800  }
0x86: {  	_ =	swait.ge [sflag:s26], $0x2800  }
0x87: {  	[sflag:s26] =	ssyncset.done $0x0  }
0x88: {  	[sflag:s26] =	ssyncadd.s32 $0xFFFFD800  }
0x89: {  	[spmem:s2] =	stream.indirect.scatter.add.f32 [tilespmem:s23], [sflag:$0x3], $0x80, s29, s22, $0xb8;
	[tilespmem:$0x1FA20] =	vst v63  }
0x8a: {  	_ =	swait.ge [sflag:s19], $0x2800  }
0x8b: {  	s31 =	stileid.u32;
	s3 =	sadd.s32 $0x1, s3;
	[sflag:s19] =	ssyncset.done $0x0  }
0x8c: {  	s0 =	sshll.u32 s31, $0x6;
	p0 =	sne.s32 s3, s10;
	[sflag:s19] =	ssyncadd.s32 $0xFFFFD800  }
.Ltmp2:
0x8d: {  	s0 =	sor.u32 $0x1C03, s0;
	[bflag:$0x0] =	sbarrier.arrive $0xFFFF;
	(pc) =	sbr.rel @p0 .LBB2_1-.Ltmp2, $4  }
0x8e: {  	[hbm:s9], [sflag:s0] =	dma.local [spmem:s25], $0x2780  }
0x8f: {  	_ =	swait.ge [sflag:s19], $0x2780  }
0x90: {  	[sflag:s19] =	ssyncset.done $0x0  }
0x91: {  	[sflag:s19] =	ssyncadd.s32 $0xFFFFD880  }
0x92: {  	_ =	sfence.sel $0x180000  }
0x93: {  	[bflag:$0x0] =	sbarrier.arrive $0xFFFF  }
0x94: {  	_ =	strace $0x9000004D  }
0x95: {  	s0 =	stileid.u32;
	[bflag:$0x2] =	sbarrier.arrive $0xFFFF  }
0x96: {  	p0 =	sne.s32 s0, $0x0;
	s0 =	rddreg [dreg:$0x2]  }
0x97: {  	s0 =	sadd.s32 @!p0 $0x100000, s0  }
0x98: {  	[sflag:s0] =	ssyncadd.tile.s32 @!p0 $0x1;
	_ =	shalt  }
.Lfunc_end2:
_tile_overlayer_lowered:
.L_overlay_start_2:
0x99: {  	(tag) =	ssettag $0x2  }
0x9a: {  	s0 =	rddreg [dreg:$0x0];
	s2 =	stileid.u32  }
0x9b: {  	s1 =	rddreg [dreg:$0x1];
	p0 =	sne.s32 s2, $0x0  }
0x9c: {  	s3 =	rddreg [dreg:$0x2];
	[bflag:$0x3] =	sbarrier.arrive $0xFFFF;
	s2 =	simm.s32 @!p0 $0x1C03  }
0x9d: {  	[timem:s3], [sflag:s2] =	dma.local @!p0 [hbm:s0], s1  }
0x9e: {  	s0 =	simm.s32 @!p0 $0x3  }
0x9f: {  	_ =	swait.ge @!p0 [sflag:s0], s1  }
0xa0: {  	s1 =	ssub.s32 @!p0 $0x0, s1;
	[sflag:s0] =	ssyncset.done @!p0 $0x0  }
0xa1: {  	[sflag:s0] =	ssyncadd.s32 @!p0 s1  }
0xa2: {  	[bflag:$0x3] =	sbarrier.arrive $0xFFFF  }
0xa3: {  	_ =	shalt  }

// kernel: kernel.19.cloned.1.call-start
scs
__scs_entry_jumppad:
0x0: {  	(pc) =	sbr.rel $0x88, $3  }
0x1: {  	(tag) =	ssettag $0x0;
	lr =	simm.s32 $0x1  }
0x2: {  	[smem:$0x3F95] =	sst lr;
	_ =	strace $0xD0000000  }
0x3: {  	_ = 	snop  }
0x4: {  	_ = 	snop  }
0x5: {  	_ = 	snop  }
0x6: {  	_ = 	snop  }
0x7: {  	_ = 	snop  }
__scs_overlays_trampoline_lowered:
0x8: {  	[smem:$0x3FA4] =	sst s0  }
0x9: {  	[smem:$0x3FA5] =	sst s1  }
0xa: {  	[smem:$0x3FA6] =	sst s2  }
0xb: {  	[smem:$0x3FA7] =	sst s3  }
0xc: {  	[smem:$0x3FA8] =	sst s4  }
0xd: {  	[smem:$0x3FA9] =	sst s5  }
0xe: {  	[smem:$0x3FAA] =	sst s6  }
0xf: {  	[smem:$0x3FAB] =	sst s7  }
0x10: {  	[smem:$0x3FAC] =	sst s8  }
0x11: {  	[smem:$0x3FAD] =	sst s9;
	s0 =	simm.s32 @!p0 $0x0  }
0x12: {  	s1 =	sld [smem:$0x3F93];
	s0 =	simm.s32 @p0 $0x1  }
0x13: {  	[smem:$0x3FAE] =	sst s0;
	s0 =	simm.s32 @!p1 $0x0  }
0x14: {  	s2 =	sld [smem:$0x3F92];
	s0 =	simm.s32 @p1 $0x1  }
0x15: {  	[smem:$0x3FAF] =	sst s0;
	s0 =	simm.s32 @!p2 $0x0  }
0x16: {  	s3 =	sld [smem:$0x3FDB];
	s0 =	simm.s32 @p2 $0x1  }
0x17: {  	s4 =	simm.s32 $0x1BF5;
	[smem:$0x3FB1] =	sst s0  }
0x18: {  	s0 =	sld [smem:$0x3F94];
	_ =	swait.ge [sflag:s4], $0x0  }
0x19: {  	s7 =	sld [smem:$0x3F95]  }
0x1a: {  	s8 =	sadd.s32 $0xFFFFE003, lr  }
0x1b: {  	s9 =	sadd.s32 $0xFFFFFEF7, lr;
	s5 =	simm.s32 $0xFFFFFFFF;
	p2 =	slt.u32 s8, $0xFFFFF086  }
0x1c: {  	p1 =	slt.u32 s9, $0xF7A;
	s5 =	simm.s32 @!p2 $0x0  }
0x1d: {  	s5 =	simm.s32 @p1 $0x1;
	p0 =	seq.s32 s7, s2  }
0x1e: {  	s7 =	smul.u32 @!p0 $0xF7A, s2;
	p2 =	seq.s32 @!p0 s5, $0x0  }
0x1f: {  	s9 =	smul.u32 $0xF7A, s1;
	s8 =	simm.s32 @!p0 $0x1BF5;
	p2 =	por !p2, p0  }
0x20: {  	[sflag:s8] =	ssyncset.s32 @!p0 $0xFFFFF086;
	s6 =	sadd.s32 @!p0 s3, s7;
	s7 =	simm.s32 @!p0 $0x108  }
0x21: {  	s3 =	sadd.s32 s3, s9;
	s6 =	sadd.s32 @!p0 $0x88, s6;
	s7 =	simm.s32 @p2 $0x1082  }
0x22: {  	[simem:s7], [sflag:s8] =	dma.local @!p0 [hbm:s6], $0xF7A  }
0x23: {  	s9 =	sor.u32 $0xD0000000, s2;
	s6 =	simm.s32 $0x108;
	_ =	swait.ge @!p0 [sflag:s8], $0x0  }
0x24: {  	s3 =	sadd.s32 $0x88, s3;
	s6 =	simm.s32 @!p1 $0x1082;
	[sflag:s4] =	ssyncset.s32 $0xFFFFF086  }
0x25: {  	[simem:s6], [sflag:s4] =	dma.local [hbm:s3], $0xF7A  }
0x26: {  	[smem:$0x3F95] =	sst s1;
	(tag) =	ssettag s2;
	_ =	strace s9  }
0x27: {  	s1 =	sld [smem:$0x3FA5]  }
0x28: {  	s2 =	sld [smem:$0x3FA6]  }
0x29: {  	s4 =	sld [smem:$0x3FA8]  }
0x2a: {  	p0 =	seq.s32 s5, $0x0;
	s5 =	sld [smem:$0x3FA9]  }
0x2b: {  	s6 =	sld [smem:$0x3FAA]  }
0x2c: {  	s7 =	sld [smem:$0x3FAB]  }
0x2d: {  	s3 =	simm.s32 $0x108;
	s8 =	sld [smem:$0x3FAC]  }
0x2e: {  	s3 =	simm.s32 @!p0 $0x1082;
	s9 =	sld [smem:$0x3FAD]  }
0x2f: {  	lr =	sadd.s32 s0, s3;
	s0 =	sld [smem:$0x3FA4]  }
0x30: {  	s3 =	sld [smem:$0x3FA7]  }
0x31: {  	[smem:$0x3FB0] =	sst s10  }
0x32: {  	s10 =	sld [smem:$0x3FAE];
	_ =	sdelay $0x3  }
0x33: {  	p0 =	seq.s32 s10, $0x1;
	s10 =	sld [smem:$0x3FB0];
	_ =	sdelay $0x3  }
0x34: {  	[smem:$0x3FB0] =	sst s10  }
0x35: {  	s10 =	sld [smem:$0x3FAF];
	_ =	sdelay $0x3  }
0x36: {  	p1 =	seq.s32 s10, $0x1;
	s10 =	sld [smem:$0x3FB0];
	_ =	sdelay $0x3  }
0x37: {  	[smem:$0x3FB0] =	sst s10  }
0x38: {  	s10 =	sld [smem:$0x3FB1]  }
0x39: {  	_ = 	snop;
	(pc) =	sbr.ind lr, $3  }
0x3a: {  	_ = 	snop  }
0x3b: {  	_ = 	snop  }
0x3c: {  	p2 =	seq.s32 s10, $0x1;
	s10 =	sld [smem:$0x3FB0]  }
0x3d: {  	_ =	shalt  }
0x3e: {  	_ =	shalt  }
0x3f: {  	_ =	shalt  }
0x40: {  	_ =	shalt  }
0x41: {  	_ =	shalt  }
0x42: {  	_ =	shalt  }
0x43: {  	_ =	shalt  }
0x44: {  	_ =	shalt  }
0x45: {  	_ =	shalt  }
0x46: {  	_ =	shalt  }
0x47: {  	_ =	shalt  }
0x48: {  	_ =	shalt  }
0x49: {  	_ =	shalt  }
0x4a: {  	_ =	shalt  }
0x4b: {  	_ =	shalt  }
0x4c: {  	_ =	shalt  }
0x4d: {  	_ =	shalt  }
0x4e: {  	_ =	shalt  }
0x4f: {  	_ =	shalt  }
0x50: {  	_ =	shalt  }
0x51: {  	_ =	shalt  }
0x52: {  	_ =	shalt  }
0x53: {  	_ =	shalt  }
0x54: {  	_ =	shalt  }
0x55: {  	_ =	shalt  }
0x56: {  	_ =	shalt  }
0x57: {  	_ =	shalt  }
0x58: {  	_ =	shalt  }
0x59: {  	_ =	shalt  }
0x5a: {  	_ =	shalt  }
0x5b: {  	_ =	shalt  }
0x5c: {  	_ =	shalt  }
0x5d: {  	_ =	shalt  }
0x5e: {  	_ =	shalt  }
0x5f: {  	_ =	shalt  }
0x60: {  	_ =	shalt  }
0x61: {  	_ =	shalt  }
0x62: {  	_ =	shalt  }
0x63: {  	_ =	shalt  }
0x64: {  	_ =	shalt  }
0x65: {  	_ =	shalt  }
0x66: {  	_ =	shalt  }
0x67: {  	_ =	shalt  }
0x68: {  	_ =	shalt  }
0x69: {  	_ =	shalt  }
0x6a: {  	_ =	shalt  }
0x6b: {  	_ =	shalt  }
0x6c: {  	_ =	shalt  }
0x6d: {  	_ =	shalt  }
0x6e: {  	_ =	shalt  }
0x6f: {  	_ =	shalt  }
0x70: {  	_ =	shalt  }
0x71: {  	_ =	shalt  }
0x72: {  	_ =	shalt  }
0x73: {  	_ =	shalt  }
0x74: {  	_ =	shalt  }
0x75: {  	_ =	shalt  }
0x76: {  	_ =	shalt  }
0x77: {  	_ =	shalt  }
0x78: {  	_ =	shalt  }
0x79: {  	_ =	shalt  }
0x7a: {  	_ =	shalt  }
0x7b: {  	_ =	shalt  }
0x7c: {  	_ =	shalt  }
0x7d: {  	_ =	shalt  }
0x7e: {  	_ =	shalt  }
0x7f: {  	_ =	shalt  }
0x80: {  	_ =	shalt  }
0x81: {  	_ =	shalt  }
0x82: {  	_ =	shalt  }
0x83: {  	_ =	shalt  }
0x84: {  	_ =	shalt  }
0x85: {  	_ =	shalt  }
0x86: {  	_ =	shalt  }
0x87: {  	_ =	shalt  }
.Lfunc_end0:
.L_simem_size_0:
called_computation.3_lowered:
.L_overlay_start_0:
0x88: {  	s2 =	sld [smem:$0x3FD9]  }
0x89: {  	s3 =	sld [smem:$0x3FFE];
	_ =	sdelay $0x1  }
0x8a: {  	s1 =	srdreg.scid  }
0x8b: {  	s0 =	sand.u32 $0x1, s1  }
0x8c: {  	s17 =	sshll.u32 s0, $0xA;
	s2 =	sadd.s32 s3, s2  }
0x8d: {  	s2 =	sadd.s32 s2, s17  }
0x8e: {  	[smem:$0x3FBC] =	sst s2  }
0x8f: {  	_ = 	snop  }
0x90: {  	s2 =	sld [smem:$0x3FD0];
	(tm) =	ssettm $0x1  }
0x91: {  	s18 =	sld [smem:$0x3FFB];
	_ =	sdelay $0x3  }
0x92: {  	_ =	strace s18  }
0x93: {  	s3 =	sld [smem:$0x3FFC];
	_ =	sdelay $0x3  }
0x94: {  	_ =	strace s3  }
0x95: {  	s3 =	sld [smem:$0x3FFD];
	_ =	sdelay $0x3  }
0x96: {  	_ =	strace s3  }
0x97: {  	_ =	strace $0x8FFFFFFF  }
0x98: {  	s19 =	sld [smem:$0x3FDB];
	_ =	sdelay $0x1  }
0x99: {  	s4 =	simm.s32 $_scs_section_size  }
0x9a: {  	s5 =	simm.s32 $_size__tile_overlayer_lowered;
	s6 =	simm.s32 $_tile_overlayer_lowered  }
0x9b: {  	s22 =	simm.s32 $0x1BFF;
	s21 =	sshll.u32 s6, $0x1;
	s3 =	sadd.s32 s4, s19  }
0x9c: {  	s7 =	simm.s32 $0x0;
	s20 =	sshll.u32 s5, $0x1;
	s5 =	sadd.s32 s21, s3  }
0x9d: {  	[timem:s7], [sflag:s22] =	dma.local [hbm:s5], s20  }
0x9e: {  	_ =	swait.ge [sflag:s22], s20  }
0x9f: {  	s4 =	ssub.s32 $0x0, s20;
	[sflag:s22] =	ssyncset.done $0x0  }
0xa0: {  	[sflag:s22] =	ssyncadd.s32 s4;
	_ =	sdelay $0x1  }
0xa1: {  	s23 =	simm.s32 $0x1B8B  }
0xa2: {  	_ =	swait.ge [sflag:s23], $0x1  }
0xa3: {  	[sflag:s23] =	ssyncset.done $0x0  }
0xa4: {  	s25 =	simm.s32 $0x1B8E;
	s24 =	sld [smem:$0x3FFE];
	[sflag:s23] =	ssyncadd.s32 $0xFFFFFFFF  }
0xa5: {  	s26 =	simm.s32 $execute0_lowered;
	[smem:$0x3FD2] =	sst s25  }
0xa6: {  	s5 =	sshll.u32 s26, $0x1;
	_ =	strace $0x8000004F;
	[dreg:$0x1] =	wrdreg $0xFFFFFFFF  }
0xa7: {  	s28 =	simm.s32 $_size_execute0_lowered;
	s3 =	sadd.s32 s3, s5;
	[dreg:$0x0] =	wrdreg $0x0  }
0xa8: {  	s5 =	sshll.u32 s28, $0x1;
	[dreg:$0x2] =	wrdreg s3  }
0xa9: {  	[dreg:$0x3] =	wrdreg s5  }
0xaa: {  	[dreg:$0x4] =	wrdreg $0xC0  }
0xab: {  	_ =	task [dreg:s7], $0x5FFFF  }
0xac: {  	[dreg:$0x1] =	wrdreg $0xFFFFFFFF  }
0xad: {  	[dreg:$0x0] =	wrdreg $0x60  }
0xae: {  	[dreg:$0x2] =	wrdreg s2  }
0xaf: {  	[dreg:$0x3] =	wrdreg s24  }
0xb0: {  	[dreg:$0x4] =	wrdreg $0x86200  }
0xb1: {  	[dreg:$0x5] =	wrdreg $0x9  }
0xb2: {  	_ =	task.clear_ibuf [dreg:s7], $0x6FFFF;
	_ =	strace $0x9000004F  }
0xb3: {  	s29 =	simm.s32 $0x9;
	_ =	strace $0x80000051  }
0xb4: {  	_ =	swait.ge [sflag:s29], $0x1  }
0xb5: {  	[sflag:s29] =	ssyncadd.s32 $0xFFFFFFFF  }
0xb6: {  	_ =	strace $0x90000051  }
0xb7: {  	_ =	sfence  }
0xb8: {  	s30 =	sld [smem:$0x0];
	_ =	sdelay $0x2  }
0xb9: {  	s31 =	sshll.u32 s1, $0xD;
	s1 =	sshrl.u32 s1, $0x2  }
0xba: {  	s3 =	sand.u32 $0x4000, s31;
	s1 =	sadd.s32 s1, s30  }
0xbb: {  	s0 =	sor.u32 s3, s0;
	s1 =	sshll.u32 s1, $0x11  }
0xbc: {  	s0 =	sor.u32 s1, s0  }
0xbd: {  	s0 =	sadd.s32 $0x8F2B, s0  }
0xbe: {  	[sflag:s0] =	ssyncadd.remote.s32 $0x1  }
0xbf: {  	_ =	sfence.sel $0xFFFF  }
0xc0: {  	[dreg:$0x0] =	wrdreg $0xFFFFFFFF;
	(pc) =	sbr.abs _section_cstart, $3  }
0xc1: {  	[dreg:$0x1] =	wrdreg $0xFFFFFFFF  }
0xc2: {  	_ =	task.clear_ibuf [dreg:s7], $0x2FFFF;
	_ =	strace $0x9FFFFFFF  }
0xc3: {  	(tm) =	ssettm $0x7FFFFFFF  }
tec
execute0_lowered:
.L_overlay_start_1:
0x0: {  	(tag) =	ssettag $0x1  }
0x1: {  	s1 =	rddreg [dreg:$0x0]  }
0x2: {  	s2 =	srdreg.scid;
	s6 =	rddreg [dreg:$0x1]  }
0x3: {  	s0 =	stileid.u32;
	s3 =	rddreg [dreg:$0x2]  }
0x4: {  	s4 =	simm.s32 $0x0;
	s19 =	simm.s32 $0x3;
	s21 =	simm.s32 $0x7620  }
0x5: {  	s22 =	simm.s32 $0x50;
	s23 =	simm.s32 $0x4E20;
	s24 =	simm.s32 $0x6220  }
0x6: {  	s26 =	simm.s32 $0x1;
	s28 =	simm.s32 $0x2;
	s29 =	simm.s32 $0x4DD0  }
0x7: {  	s5 =	sand.u32 $0x1, s2;
	s31 =	sshll.u32 s0, $0x1;
	s10 =	smul.u32 $0x9E00, s0  }
0x8: {  	[smem:$0x7FF] =	sst s4;
	s9 =	smul.u32 $0x27800, s0;
	s2 =	sor.u32 s5, s31  }
0x9: {  	s8 =	smul.u32 $0x9E000, s5;
	_ =	strace $0x80000050;
	s5 =	ssub.s32 $0x2, s5  }
0xa: {  	s7 =	smul.u32 $0x4E2, s2;
	s11 =	sshrl.u32 s5, $0x1;
	s9 =	sshrl.u32 s9, $0x2  }
0xb: {  	s25 =	sadd.s32 s10, s3;
	s8 =	sadd.s32 s10, s8;
	s11 =	ssub.s32 s5, s11  }
0xc: {  	s5 =	sadd.s32 s9, s3;
	s25 =	sshrl.u32 s25, $0x3;
	s7 =	sadd.s32 s7, s6  }
0xd: {  	s8 =	sshrl.u32 s8, $0x3;
	s10 =	smax.u32 s11, $0x1;
	s11 =	sadd.s32 $0x1000, s5  }
0xe: {  	s13 =	sadd.s32 $0x3000, s5;
	s14 =	sadd.s32 $0x4000, s5;
	s15 =	sadd.s32 $0x5000, s5  }
0xf: {  	s16 =	sadd.s32 $0x6000, s5;
	s17 =	sadd.s32 $0x7000, s5;
	s18 =	sadd.s32 $0x8000, s5  }
0x10: {  	s12 =	sadd.s32 s8, s6;
	s6 =	sadd.s32 $0xCC00, s7;
	s7 =	sadd.s32 $0x2E00, s7  }
0x11: {  	v0 =	vimm.f32 $0.0e+00;
	s8 =	sadd.s32 $0x9000, s5;
	s9 =	sadd.s32 $0x16A00, s12;
	s12 =	sadd.s32 $0x2000, s5  }
.LBB2_1:
0x12: {  	s31 =	simm.s32 $0x100;
	s30 =	simm.s32 $0x0  }
.LBB2_2:
0x13: {  	p0 =	sne.s32 s31, $0x3F00;
	[tilespmem:s30+$0x7650] =	vst v0;
	s2 =	smov.u32 s31;
	s31 =	sadd.s32 $0x100, s31  }
.Ltmp0:
0x14: {  	[tilespmem:s30+$0x7640] =	vst v0;
	(pc) =	sbr.rel @p0 .LBB2_2-.Ltmp0, $3  }
0x15: {  	[tilespmem:s30+$0x7620] =	vst v0  }
0x16: {  	[tilespmem:s30+$0x7630] =	vst v0;
	_ =	sdelay $0x1  }
0x17: {  	s30 =	sshra.s32 s2, $0x2  }
0x18: {  	[tilespmem:s30+$0x7650] =	vst v0  }
0x19: {  	[tilespmem:s30+$0x7640] =	vst v0  }
0x1a: {  	[tilespmem:s30+$0x7620] =	vst v0  }
0x1b: {  	[tilespmem:s30+$0x7630] =	vst v0;
	s2 =	simm.s32 $0x0  }
0x1c: {  	[tilespmem:s2], [sflag:$0x3] =	stream.linear.gather [hbm4b:s6+s2], $0x2710, $0x38;
	[tilespmem:$0x12420] =	vst v63  }
0x1d: {  	_ =	swait.ge [sflag:s19], $0x2710  }
0x1e: {  	[sflag:s19] =	ssyncset.done $0x0  }
0x1f: {  	s0 =	simm.s32 $0x2710;
	[sflag:s19] =	ssyncadd.s32 $0xFFFFD8F0  }
0x20: {  	[tilespmem:s0], [sflag:$0x3] =	stream.linear.gather [hbm4b:s7+s2], $0x2710, $0x38;
	[tilespmem:$0x12420] =	vst v63  }
0x21: {  	_ =	swait.ge [sflag:s19], $0x2710  }
0x22: {  	[sflag:s19] =	ssyncset.done $0x0  }
0x23: {  	[sflag:s19] =	ssyncadd.s32 $0xFFFFD8F0  }
0x24: {  	[spmem:s5] =	stream.linear.scatter [tilespmem:s21], [sflag:$0x3], $0x1000, $0x38;
	[tilespmem:$0x12420] =	vst v63  }
0x25: {  	_ =	swait.ge [sflag:s19], $0x1000  }
0x26: {  	[sflag:s19] =	ssyncset.done $0x0  }
0x27: {  	[sflag:s19] =	ssyncadd.s32 $0xFFFFF000  }
0x28: {  	[spmem:s11] =	stream.linear.scatter [tilespmem:s21], [sflag:$0x3], $0x1000, $0x38;
	[tilespmem:$0x12420] =	vst v63  }
0x29: {  	_ =	swait.ge [sflag:s19], $0x1000  }
0x2a: {  	[sflag:s19] =	ssyncset.done $0x0  }
0x2b: {  	[sflag:s19] =	ssyncadd.s32 $0xFFFFF000  }
0x2c: {  	[spmem:s12] =	stream.linear.scatter [tilespmem:s21], [sflag:$0x3], $0x1000, $0x38;
	[tilespmem:$0x12420] =	vst v63  }
0x2d: {  	_ =	swait.ge [sflag:s19], $0x1000  }
0x2e: {  	[sflag:s19] =	ssyncset.done $0x0  }
0x2f: {  	[sflag:s19] =	ssyncadd.s32 $0xFFFFF000  }
0x30: {  	[spmem:s13] =	stream.linear.scatter [tilespmem:s21], [sflag:$0x3], $0x1000, $0x38;
	[tilespmem:$0x12420] =	vst v63  }
0x31: {  	_ =	swait.ge [sflag:s19], $0x1000  }
0x32: {  	[sflag:s19] =	ssyncset.done $0x0  }
0x33: {  	[sflag:s19] =	ssyncadd.s32 $0xFFFFF000  }
0x34: {  	[spmem:s14] =	stream.linear.scatter [tilespmem:s21], [sflag:$0x3], $0x1000, $0x38;
	[tilespmem:$0x12420] =	vst v63  }
0x35: {  	_ =	swait.ge [sflag:s19], $0x1000  }
0x36: {  	[sflag:s19] =	ssyncset.done $0x0  }
0x37: {  	[sflag:s19] =	ssyncadd.s32 $0xFFFFF000  }
0x38: {  	[spmem:s15] =	stream.linear.scatter [tilespmem:s21], [sflag:$0x3], $0x1000, $0x38;
	[tilespmem:$0x12420] =	vst v63  }
0x39: {  	_ =	swait.ge [sflag:s19], $0x1000  }
0x3a: {  	[sflag:s19] =	ssyncset.done $0x0  }
0x3b: {  	[sflag:s19] =	ssyncadd.s32 $0xFFFFF000  }
0x3c: {  	[spmem:s16] =	stream.linear.scatter [tilespmem:s21], [sflag:$0x3], $0x1000, $0x38;
	[tilespmem:$0x12420] =	vst v63  }
0x3d: {  	_ =	swait.ge [sflag:s19], $0x1000  }
0x3e: {  	[sflag:s19] =	ssyncset.done $0x0  }
0x3f: {  	[sflag:s19] =	ssyncadd.s32 $0xFFFFF000  }
0x40: {  	[spmem:s17] =	stream.linear.scatter [tilespmem:s21], [sflag:$0x3], $0x1000, $0x38;
	[tilespmem:$0x12420] =	vst v63  }
0x41: {  	_ =	swait.ge [sflag:s19], $0x1000  }
0x42: {  	[sflag:s19] =	ssyncset.done $0x0  }
0x43: {  	[sflag:s19] =	ssyncadd.s32 $0xFFFFF000  }
0x44: {  	[spmem:s18] =	stream.linear.scatter [tilespmem:s21], [sflag:$0x3], $0x1000, $0x38;
	[tilespmem:$0x12420] =	vst v63  }
0x45: {  	_ =	swait.ge [sflag:s19], $0x1000  }
0x46: {  	[sflag:s19] =	ssyncset.done $0x0  }
0x47: {  	[sflag:s19] =	ssyncadd.s32 $0xFFFFF000  }
0x48: {  	[spmem:s8] =	stream.linear.scatter [tilespmem:s21], [sflag:$0x3], $0xE00, $0x38;
	[tilespmem:$0x12420] =	vst v63  }
0x49: {  	_ =	swait.ge [sflag:s19], $0xE00  }
0x4a: {  	[sflag:s19] =	ssyncset.done $0x0  }
0x4b: {  	[sflag:s19] =	ssyncadd.s32 $0xFFFFF200  }
0x4c: {  	[bflag:$0x0] =	sbarrier.arrive $0xFFFF  }
0x4d: {  	[tilespmem:s23], [sflag:$0x1] =	stream.indirect.gather [hbm4b:s1+s22], $0x40, s2, s22, $0xb8;
	[tilespmem:$0x12420] =	vst v63  }
0x4e: {  	s0 =	simm.s32 $0x50  }
0x4f: {  	[tilespmem:s24], [sflag:$0x2] =	stream.indirect.gather [hbm4b:s1+s22], $0x40, s0, s22, $0xb8;
	[tilespmem:$0x12420] =	vst v63  }
0x50: {  	_ =	swait.ge [sflag:s26], $0x1400  }
0x51: {  	[sflag:s26] =	ssyncset.done $0x0  }
0x52: {  	s20 =	simm.s32 $0x2710;
	[sflag:s26] =	ssyncadd.s32 $0xFFFFEC00  }
0x53: {  	[spmem:s3] =	stream.indirect.scatter.add.f32 [tilespmem:s23], [sflag:$0x3], $0x40, s20, s22, $0xb8;
	[tilespmem:$0x12420] =	vst v63  }
0x54: {  	_ =	swait.ge [sflag:s19], $0x1400  }
0x55: {  	[sflag:s19] =	ssyncset.done $0x0  }
0x56: {  	s0 =	simm.s32 $0xA0;
	[sflag:s19] =	ssyncadd.s32 $0xFFFFEC00  }
0x57: {  	[tilespmem:s23], [sflag:$0x1] =	stream.indirect.gather [hbm4b:s1+s22], $0x40, s0, s22, $0xb8;
	[tilespmem:$0x12420] =	vst v63  }
0x58: {  	_ =	swait.ge [sflag:s28], $0x1400  }
0x59: {  	[sflag:s28] =	ssyncset.done $0x0  }
0x5a: {  	s20 =	simm.s32 $0x2760;
	[sflag:s28] =	ssyncadd.s32 $0xFFFFEC00  }
0x5b: {  	[spmem:s3] =	stream.indirect.scatter.add.f32 [tilespmem:s24], [sflag:$0x3], $0x40, s20, s22, $0xb8;
	[tilespmem:$0x12420] =	vst v63  }
0x5c: {  	_ =	swait.ge [sflag:s19], $0x1400  }
0x5d: {  	s31 =	simm.s32 $0x500;
	s30 =	simm.s32 $0xA0;
	[sflag:s19] =	ssyncset.done $0x0  }
.LBB2_4:
0x5e: {  	s2 =	sadd.s32 $0x50, s30  }
0x5f: {  	[sflag:s19] =	ssyncadd.s32 $0xFFFFEC00;
	s0 =	smov.u32 s31;
	s20 =	sadd.s32 $0x280, s31  }
0x60: {  	[tilespmem:s24], [sflag:$0x2] =	stream.indirect.gather [hbm4b:s1+s22], $0x40, s2, s22, $0xb8;
	[tilespmem:$0x12420] =	vst v63  }
0x61: {  	p0 =	sne.s32 s31, $0x9880;
	_ =	swait.ge [sflag:s26], $0x1400  }
0x62: {  	[sflag:s26] =	ssyncset.done $0x0  }
0x63: {  	s2 =	sadd.s32 $0x2710, s30;
	[sflag:s26] =	ssyncadd.s32 $0xFFFFEC00  }
0x64: {  	[spmem:s3] =	stream.indirect.scatter.add.f32 [tilespmem:s23], [sflag:$0x3], $0x40, s2, s22, $0xb8;
	[tilespmem:$0x12420] =	vst v63  }
0x65: {  	_ =	swait.ge [sflag:s19], $0x1400  }
0x66: {  	[sflag:s19] =	ssyncset.done $0x0  }
0x67: {  	s2 =	sadd.s32 $0xA0, s30;
	[sflag:s19] =	ssyncadd.s32 $0xFFFFEC00  }
0x68: {  	[tilespmem:s23], [sflag:$0x1] =	stream.indirect.gather [hbm4b:s1+s22], $0x40, s2, s22, $0xb8;
	[tilespmem:$0x12420] =	vst v63  }
0x69: {  	_ =	swait.ge [sflag:s28], $0x1400  }
.Ltmp1:
0x6a: {  	[sflag:s28] =	ssyncset.done $0x0;
	(pc) =	sbr.rel @p0 .LBB2_4-.Ltmp1, $4  }
0x6b: {  	s2 =	sadd.s32 $0x2760, s30;
	[sflag:s28] =	ssyncadd.s32 $0xFFFFEC00  }
0x6c: {  	[spmem:s3] =	stream.indirect.scatter.add.f32 [tilespmem:s24], [sflag:$0x3], $0x40, s2, s22, $0xb8;
	[tilespmem:$0x12420] =	vst v63  }
0x6d: {  	_ =	swait.ge [sflag:s19], $0x1400  }
0x6e: {  	s31 =	smov.u32 s20;
	s30 =	sshra.s32 s0, $0x2;
	[sflag:s19] =	ssyncset.done $0x0  }
0x6f: {  	s0 =	sadd.s32 $0x50, s30;
	[sflag:s19] =	ssyncadd.s32 $0xFFFFEC00  }
0x70: {  	[tilespmem:s24], [sflag:$0x2] =	stream.indirect.gather [hbm4b:s1+s22], $0x40, s0, s22, $0xb8;
	[tilespmem:$0x12420] =	vst v63  }
0x71: {  	_ =	swait.ge [sflag:s26], $0x1400  }
0x72: {  	[sflag:s26] =	ssyncset.done $0x0  }
0x73: {  	s2 =	sadd.s32 $0x2710, s30;
	[sflag:s26] =	ssyncadd.s32 $0xFFFFEC00  }
0x74: {  	[spmem:s3] =	stream.indirect.scatter.add.f32 [tilespmem:s23], [sflag:$0x3], $0x40, s2, s22, $0xb8;
	[tilespmem:$0x12420] =	vst v63  }
0x75: {  	_ =	swait.ge [sflag:s19], $0x1400  }
0x76: {  	[sflag:s19] =	ssyncset.done $0x0  }
0x77: {  	s20 =	sadd.s32 $0xA0, s30;
	[sflag:s19] =	ssyncadd.s32 $0xFFFFEC00  }
0x78: {  	[tilespmem:s23], [sflag:$0x1] =	stream.indirect.gather [hbm4b:s1+s22], $0x40, s20, s22, $0xb8;
	[tilespmem:$0x12420] =	vst v63  }
0x79: {  	_ =	swait.ge [sflag:s28], $0x1400  }
0x7a: {  	[sflag:s28] =	ssyncset.done $0x0  }
0x7b: {  	s30 =	sadd.s32 $0x2760, s30;
	[sflag:s28] =	ssyncadd.s32 $0xFFFFEC00  }
0x7c: {  	[spmem:s3] =	stream.indirect.scatter.add.f32 [tilespmem:s24], [sflag:$0x3], $0x40, s30, s22, $0xb8;
	[tilespmem:$0x12420] =	vst v63  }
0x7d: {  	_ =	swait.ge [sflag:s19], $0x1400  }
0x7e: {  	[sflag:s19] =	ssyncset.done $0x0  }
0x7f: {  	[sflag:s19] =	ssyncadd.s32 $0xFFFFEC00  }
0x80: {  	_ =	swait.ge [sflag:s26], $0x1400  }
0x81: {  	[sflag:s26] =	ssyncset.done $0x0  }
0x82: {  	[sflag:s26] =	ssyncadd.s32 $0xFFFFEC00  }
0x83: {  	[spmem:s3] =	stream.indirect.scatter.add.f32 [tilespmem:s23], [sflag:$0x3], $0x40, s29, s22, $0xb8;
	[tilespmem:$0x12420] =	vst v63  }
0x84: {  	_ =	swait.ge [sflag:s19], $0x1400  }
0x85: {  	s31 =	stileid.u32;
	s4 =	sadd.s32 $0x1, s4;
	[sflag:s19] =	ssyncset.done $0x0  }
0x86: {  	s0 =	sshll.u32 s31, $0x6;
	p0 =	sne.s32 s4, s10;
	[sflag:s19] =	ssyncadd.s32 $0xFFFFEC00  }
.Ltmp2:
0x87: {  	s0 =	sor.u32 $0x1C03, s0;
	[bflag:$0x0] =	sbarrier.arrive $0xFFFF;
	(pc) =	sbr.rel @p0 .LBB2_1-.Ltmp2, $4  }
0x88: {  	[hbm:s9], [sflag:s0] =	dma.local [spmem:s25], $0x13C0  }
0x89: {  	_ =	swait.ge [sflag:s19], $0x13C0  }
0x8a: {  	[sflag:s19] =	ssyncset.done $0x0  }
0x8b: {  	[sflag:s19] =	ssyncadd.s32 $0xFFFFEC40  }
0x8c: {  	_ =	sfence.sel $0x180000  }
0x8d: {  	[bflag:$0x0] =	sbarrier.arrive $0xFFFF  }
0x8e: {  	_ =	strace $0x90000050  }
0x8f: {  	s0 =	stileid.u32;
	[bflag:$0x2] =	sbarrier.arrive $0xFFFF  }
0x90: {  	p0 =	sne.s32 s0, $0x0;
	s0 =	rddreg [dreg:$0x3]  }
0x91: {  	s0 =	sadd.s32 @!p0 $0x100000, s0  }
0x92: {  	[sflag:s0] =	ssyncadd.tile.s32 @!p0 $0x1;
	_ =	shalt  }
.Lfunc_end2:
_tile_overlayer_lowered:
.L_overlay_start_2:
0x93: {  	(tag) =	ssettag $0x2  }
0x94: {  	s0 =	rddreg [dreg:$0x0];
	s2 =	stileid.u32  }
0x95: {  	s1 =	rddreg [dreg:$0x1];
	p0 =	sne.s32 s2, $0x0  }
0x96: {  	s3 =	rddreg [dreg:$0x2];
	[bflag:$0x3] =	sbarrier.arrive $0xFFFF;
	s2 =	simm.s32 @!p0 $0x1C03  }
0x97: {  	[timem:s3], [sflag:s2] =	dma.local @!p0 [hbm:s0], s1  }
0x98: {  	s0 =	simm.s32 @!p0 $0x3  }
0x99: {  	_ =	swait.ge @!p0 [sflag:s0], s1  }
0x9a: {  	s1 =	ssub.s32 @!p0 $0x0, s1;
	[sflag:s0] =	ssyncset.done @!p0 $0x0  }
0x9b: {  	[sflag:s0] =	ssyncadd.s32 @!p0 s1  }
0x9c: {  	[bflag:$0x3] =	sbarrier.arrive $0xFFFF  }
0x9d: {  	_ =	shalt  }

</sc_bundles>
